<compile_context>
chip_gen: v7x
topology: tpu7x:2x2x1
jax: 0.10.2.dev20260603
libtpu: 0.0.44.dev20260713+nightly
codegen_flags: <defaults>
</compile_context>

<pallas_src>
import functools

import jax
import jax.numpy as jnp
from jax import lax
from jax.experimental import pallas as pl
from jax.experimental.pallas import tpu as pltpu
from jax.experimental.pallas import tpu_sc as plsc

NBUF = 4
LANES = 16


def _build(NW, L, B, E, V):
  mesh = plsc.VectorSubcoreMesh(core_axis_name="c", subcore_axis_name="s")
  NC = plsc.get_sparse_core_info().num_cores
  G = B // NW
  EV = E // LANES

  @functools.partial(
      pl.kernel,
      out_type=jax.ShapeDtypeStruct((L, E, B), jnp.float32),
      mesh=mesh,
      compiler_params=pltpu.CompilerParams(use_tc_tiling_on_sc=True,
                                           needs_layout_passes=False),
      scratch_types=[
          pltpu.VMEM((L, G), jnp.int32),
          pltpu.VMEM((NBUF, G), jnp.int32),
          pltpu.VMEM((NBUF, G, 128), jnp.float32),
          pltpu.VMEM((NBUF, E, G), jnp.float32),
          pltpu.VMEM((NBUF, 128), jnp.float32),
          pltpu.SemaphoreType.DMA((NBUF,)),
          pltpu.SemaphoreType.DMA((NBUF,)),
          pltpu.SemaphoreType.DMA((NBUF,)),
      ],
  )
  def k(idx_hbm, tok2_hbm, poss_hbm, out_hbm, idx_v, idx2, rows, chunk,
        posb, sem_p, sem_b, sem_c):
    c = lax.axis_index("c")
    s = lax.axis_index("s")
    wid = s * NC + c
    b0 = wid * G

    pltpu.sync_copy(idx_hbm.at[:, pl.ds(b0, G)], idx_v)

    def step(j, carry):
      @pl.when(j < L)
      def _():
        r = lax.rem(j, NBUF)
        @pl.when(j >= NBUF)
        def _():
          pltpu.make_async_copy(chunk.at[r], out_hbm.at[0, :, pl.ds(0, G)],
                                sem_c.at[r]).wait()
        pltpu.async_copy(poss_hbm.at[j], posb.at[r], sem_p.at[r])
        for k8 in range(G // LANES):
          d = pl.ds(k8 * LANES, LANES)
          idx2[r, d] = lax.shift_right_logical(idx_v[j, d], 1)
        pltpu.async_copy(tok2_hbm.at[idx2.at[r]], rows.at[r], sem_b.at[r])

      jb = j - 2
      @pl.when((jb >= 0) & (jb < L))
      def _():
        r = lax.rem(jb, NBUF)
        pltpu.make_async_copy(poss_hbm.at[0], posb.at[r], sem_p.at[r]).wait()
        pltpu.make_async_copy(tok2_hbm.at[idx2.at[r]], rows.at[r],
                              sem_b.at[r]).wait()
        iot = lax.iota(jnp.int32, LANES)
        zero = jnp.zeros((LANES,), jnp.int32)
        base = [
            (iot + (k8 * LANES)) * 128
            + (idx_v[jb, pl.ds(k8 * LANES, LANES)] & 1) * E
            for k8 in range(G // LANES)
        ]
        bvec = [iot + (k8 * LANES) for k8 in range(G // LANES)]

        @plsc.parallel_loop(0, LANES, 1, unroll=4)
        def _(d):
          rotd = (iot + d) & (LANES - 1)
          for e16 in range(E // LANES):
            ecol = rotd + (e16 * LANES)
            pvec = plsc.load_gather(posb.at[r], [ecol])
            for k8 in range(G // LANES):
              val = plsc.load_gather(rows.at[r], [zero, base[k8] + ecol])
              plsc.store_scatter(chunk.at[r], [ecol, bvec[k8]], val + pvec)

        pltpu.async_copy(chunk.at[r], out_hbm.at[jb, :, pl.ds(b0, G)],
                         sem_c.at[r])

      return carry

    lax.fori_loop(0, L + 2, step, 0)

    for rb in range(NBUF):
      pltpu.make_async_copy(chunk.at[rb], out_hbm.at[0, :, pl.ds(0, G)],
                            sem_c.at[rb]).wait()

  return k


def kernel(in_idx, tok_table, pos_table):
  B, L = in_idx.shape
  V, E = tok_table.shape
  info = plsc.get_sparse_core_info()
  NW = info.num_cores * info.num_subcores
  assert B % (NW * 128) == 0 or B == NW * 128

  idxT = in_idx.T.astype(jnp.int32)
  tok2 = tok_table.reshape(V // 2, 2 * E)
  poss = jnp.pad(pos_table[:L], ((0, 0), (0, 128 - E)))
  out5 = _build(NW, L, B, E, V)(idxT, tok2, poss)
  return out5.transpose(2, 0, 1)

# --- scband reference (transcript-rebuilt; emitter-appended) ---
"""Pipeline reference for scband-dummy-gptmodel-4406636446044 (READ-ONLY COPY).

The authoritative reference and input builder live on the scoring server;
editing this copy changes nothing except your own understanding.
"""

import jax, jax.numpy as jnp
import numpy as np

VOCAB = 1000000
EMBD = 64
B = 4096
L = 200

def setup_inputs(seed: int = 0) -> dict:
    key = jax.random.key(seed)
    k1, k2, k3 = jax.random.split(key, 3)
    in_idx = jax.random.randint(k1, (B, L), 0, VOCAB, dtype=jnp.int64 if jax.config.jax_enable_x64 else jnp.int32)
    tok_table = jax.random.normal(k2, (VOCAB, EMBD), dtype=jnp.float32) * 0.02
    pos_table = jax.random.normal(k3, (VOCAB, EMBD), dtype=jnp.float32) * 0.02
    return {"in_idx": in_idx, "tok_table": tok_table, "pos_table": pos_table}

def reference(in_idx, tok_table, pos_table):
    # token embedding lookup: [B, L, E]
    tok_emb = jnp.take(tok_table, in_idx, axis=0)
    # positional embedding lookup over sequence positions: [L, E]
    seq_len = in_idx.shape[1]
    pos_ids = jnp.arange(seq_len)
    pos_emb = jnp.take(pos_table, pos_ids, axis=0)
    # broadcast-add positions to every batch element
    x = tok_emb + pos_emb[None, :, :]
    return x

if __name__ == "__main__":
    import jax
    _d = setup_inputs()
    print(jax.jit(kernel)(*tuple(_d.values())))

</pallas_src>

<mosaic_0001>
#map = affine_map<(d0, d1) -> (0, 0)>
#map1 = affine_map<(d0, d1) -> (0, 0, 0)>
module attributes {stable_mosaic.version = 14 : i64} {
  func.func @k(%arg0: i32, %arg1: i32, %arg2: memref<200x4096xi32, #tpu.memory_space<hbm>>, %arg3: memref<500000x128xf32, #tpu.memory_space<hbm>>, %arg4: memref<200x128xf32, #tpu.memory_space<hbm>>, %arg5: memref<200x64x4096xf32, #tpu.memory_space<hbm>>, %arg6: memref<200x128xi32, #tpu.memory_space<vmem>>, %arg7: memref<4x128xi32, #tpu.memory_space<vmem>>, %arg8: memref<4x128x128xf32, #tpu.memory_space<vmem>>, %arg9: memref<4x64x128xf32, #tpu.memory_space<vmem>>, %arg10: memref<4x128xf32, #tpu.memory_space<vmem>>, %arg11: memref<4x!tpu.dma_semaphore, #tpu.memory_space<semaphore_mem>>, %arg12: memref<4x!tpu.dma_semaphore, #tpu.memory_space<semaphore_mem>>, %arg13: memref<4x!tpu.dma_semaphore, #tpu.memory_space<semaphore_mem>>) attributes {dimension_semantics = [#tpu.dimension_semantics<core_parallel>, #tpu.dimension_semantics<subcore_parallel>], iteration_bounds = array<i64: 2, 16>, scalar_prefetch = 0 : i64, scratch_operands = 8 : i64, tpu.core_type = #tpu.core_type<sc_vector_subcore>, window_params = [{transform_indices = #map}, {transform_indices = #map}, {transform_indices = #map}, {transform_indices = #map1}]} {
    %mul3A = arith.constant 2 : i32
    %mul3A_0 = arith.muli %arg1, %mul3A : i32
    %add3A = arith.addi %mul3A_0, %arg0 : i32
    %mul3A_1 = arith.constant 128 : i32
    %mul3A_2 = arith.muli %add3A, %mul3A_1 : i32
    "tpu.region"() ({
      %run_scoped3A = tpu.sem_alloc : memref<!tpu.dma_semaphore, #tpu.memory_space<semaphore_mem>>
      %dma_start3A = arith.constant 0 : i32
      %dma_start3A_91 = tpu.memref_slice %arg2[%dma_start3A, %mul3A_2] : memref<200x4096xi32, #tpu.memory_space<hbm>> -> memref<200x128xi32, #tpu.memory_space<hbm>>
      %dma_start3A_92 = arith.constant 0 : i32
      %dma_start3A_93 = tpu.memref_slice %arg2[%dma_start3A_92, %mul3A_2] : memref<200x4096xi32, #tpu.memory_space<hbm>> -> memref<200x128xi32, #tpu.memory_space<hbm>>
      tpu.enqueue_dma source(%dma_start3A_93 : memref<200x128xi32, #tpu.memory_space<hbm>>) target(%arg6 : memref<200x128xi32, #tpu.memory_space<vmem>>) target_semaphore(%run_scoped3A : memref<!tpu.dma_semaphore, #tpu.memory_space<semaphore_mem>>)
      %dma_wait3A_94 = arith.constant 0 : i32
      %dma_wait3A_95 = tpu.memref_slice %arg2[%dma_wait3A_94, %mul3A_2] : memref<200x4096xi32, #tpu.memory_space<hbm>> -> memref<200x128xi32, #tpu.memory_space<hbm>>
      %dma_wait3A_96 = arith.constant 0 : i32
      %dma_wait3A_97 = tpu.memref_slice %arg2[%dma_wait3A_96, %mul3A_2] : memref<200x4096xi32, #tpu.memory_space<hbm>> -> memref<200x128xi32, #tpu.memory_space<hbm>>
      tpu.wait_dma2 semaphore(%run_scoped3A : memref<!tpu.dma_semaphore, #tpu.memory_space<semaphore_mem>>) src(%dma_wait3A_97 : memref<200x128xi32, #tpu.memory_space<hbm>>) dst(%arg6 : memref<200x128xi32, #tpu.memory_space<vmem>>)
      tpu.yield
    }) : () -> ()
    %scan3A = arith.constant 0 : i32
    %scan3A_3 = arith.constant 0 : i32
    %scan3A_4 = arith.constant 202 : i32
    %scan3A_5 = arith.addi %scan3A_3, %scan3A_4 : i32
    %scan3A_6 = arith.constant 1 : i32
    scf.for %scan3A_91 = %scan3A_3 to %scan3A_5 step %scan3A_6  : i32 {
      %lt3A = arith.constant 200 : i32
      %lt3A_92 = arith.cmpi slt, %scan3A_91, %lt3A : i32
      %convert_element_type3A = arith.extui %lt3A_92 : i1 to i32
      %cond3A = arith.constant 0 : i32
      %cond3A_93 = arith.cmpi ne, %convert_element_type3A, %cond3A : i32
      scf.if %cond3A_93 {
        %rem3A = arith.constant 4 : i32
        %rem3A_101 = arith.remsi %scan3A_91, %rem3A : i32
        %ge3A_102 = arith.constant 4 : i32
        %ge3A_103 = arith.cmpi sge, %scan3A_91, %ge3A_102 : i32
        %convert_element_type3A_104 = arith.extui %ge3A_103 : i1 to i32
        %cond3A_105 = arith.constant 0 : i32
        %cond3A_106 = arith.cmpi ne, %convert_element_type3A_104, %cond3A_105 : i32
        scf.if %cond3A_106 {
          %dma_wait3A_201 = arith.constant 0 : i32
          %dma_wait3A_202 = arith.constant 0 : i32
          %dma_wait3A_203 = arith.constant 0 : i32
          %dma_wait3A_204 = tpu.memref_slice %arg9[%rem3A_101, %dma_wait3A_202, %dma_wait3A_203] : memref<4x64x128xf32, #tpu.memory_space<vmem>> -> memref<1x64x128xf32, #tpu.memory_space<vmem>>
          %dma_wait3A_205 = tpu.memref_squeeze %dma_wait3A_204 : memref<1x64x128xf32, #tpu.memory_space<vmem>> -> memref<64x128xf32, #tpu.memory_space<vmem>>
          %dma_wait3A_206 = arith.constant 0 : i32
          %dma_wait3A_207 = arith.constant 0 : i32
          %dma_wait3A_208 = tpu.memref_slice %arg5[%dma_wait3A_201, %dma_wait3A_206, %dma_wait3A_207] : memref<200x64x4096xf32, #tpu.memory_space<hbm>> -> memref<1x64x128xf32, #tpu.memory_space<hbm>>
          %dma_wait3A_209 = tpu.memref_squeeze %dma_wait3A_208 : memref<1x64x128xf32, #tpu.memory_space<hbm>> -> memref<64x128xf32, #tpu.memory_space<hbm>>
          %dma_wait3A_210 = tpu.memref_slice %arg13[%rem3A_101] : memref<4x!tpu.dma_semaphore, #tpu.memory_space<semaphore_mem>> -> memref<1x!tpu.dma_semaphore, #tpu.memory_space<semaphore_mem>>
          %dma_wait3A_211 = tpu.memref_squeeze %dma_wait3A_210 : memref<1x!tpu.dma_semaphore, #tpu.memory_space<semaphore_mem>> -> memref<!tpu.dma_semaphore, #tpu.memory_space<semaphore_mem>>
          %dma_wait3A_212 = arith.constant 0 : i32
          %dma_wait3A_213 = arith.constant 0 : i32
          %dma_wait3A_214 = tpu.memref_slice %arg5[%dma_wait3A_201, %dma_wait3A_212, %dma_wait3A_213] : memref<200x64x4096xf32, #tpu.memory_space<hbm>> -> memref<1x64x128xf32, #tpu.memory_space<hbm>>
          %dma_wait3A_215 = tpu.memref_squeeze %dma_wait3A_214 : memref<1x64x128xf32, #tpu.memory_space<hbm>> -> memref<64x128xf32, #tpu.memory_space<hbm>>
          %dma_wait3A_216 = arith.constant 0 : i32
          %dma_wait3A_217 = arith.constant 0 : i32
          %dma_wait3A_218 = tpu.memref_slice %arg9[%rem3A_101, %dma_wait3A_216, %dma_wait3A_217] : memref<4x64x128xf32, #tpu.memory_space<vmem>> -> memref<1x64x128xf32, #tpu.memory_space<vmem>>
          %dma_wait3A_219 = tpu.memref_squeeze %dma_wait3A_218 : memref<1x64x128xf32, #tpu.memory_space<vmem>> -> memref<64x128xf32, #tpu.memory_space<vmem>>
          tpu.wait_dma2 semaphore(%dma_wait3A_211 : memref<!tpu.dma_semaphore, #tpu.memory_space<semaphore_mem>>) src(%dma_wait3A_219 : memref<64x128xf32, #tpu.memory_space<vmem>>) dst(%dma_wait3A_215 : memref<64x128xf32, #tpu.memory_space<hbm>>)
        } else {
        }
        %dma_start3A = arith.constant 0 : i32
        %dma_start3A_107 = tpu.memref_slice %arg10[%rem3A_101, %dma_start3A] : memref<4x128xf32, #tpu.memory_space<vmem>> -> memref<1x128xf32, #tpu.memory_space<vmem>>
        %dma_start3A_108 = tpu.memref_squeeze %dma_start3A_107 : memref<1x128xf32, #tpu.memory_space<vmem>> -> memref<128xf32, #tpu.memory_space<vmem>>
        %dma_start3A_109 = arith.constant 0 : i32
        %dma_start3A_110 = tpu.memref_slice %arg4[%scan3A_91, %dma_start3A_109] : memref<200x128xf32, #tpu.memory_space<hbm>> -> memref<1x128xf32, #tpu.memory_space<hbm>>
        %dma_start3A_111 = tpu.memref_squeeze %dma_start3A_110 : memref<1x128xf32, #tpu.memory_space<hbm>> -> memref<128xf32, #tpu.memory_space<hbm>>
        %dma_start3A_112 = tpu.memref_slice %arg11[%rem3A_101] : memref<4x!tpu.dma_semaphore, #tpu.memory_space<semaphore_mem>> -> memref<1x!tpu.dma_semaphore, #tpu.memory_space<semaphore_mem>>
        %dma_start3A_113 = tpu.memref_squeeze %dma_start3A_112 : memref<1x!tpu.dma_semaphore, #tpu.memory_space<semaphore_mem>> -> memref<!tpu.dma_semaphore, #tpu.memory_space<semaphore_mem>>
        %dma_start3A_114 = arith.constant 0 : i32
        %dma_start3A_115 = tpu.memref_slice %arg10[%rem3A_101, %dma_start3A_114] : memref<4x128xf32, #tpu.memory_space<vmem>> -> memref<1x128xf32, #tpu.memory_space<vmem>>
        %dma_start3A_116 = tpu.memref_squeeze %dma_start3A_115 : memref<1x128xf32, #tpu.memory_space<vmem>> -> memref<128xf32, #tpu.memory_space<vmem>>
        %dma_start3A_117 = arith.constant 0 : i32
        %dma_start3A_118 = tpu.memref_slice %arg4[%scan3A_91, %dma_start3A_117] : memref<200x128xf32, #tpu.memory_space<hbm>> -> memref<1x128xf32, #tpu.memory_space<hbm>>
        %dma_start3A_119 = tpu.memref_squeeze %dma_start3A_118 : memref<1x128xf32, #tpu.memory_space<hbm>> -> memref<128xf32, #tpu.memory_space<hbm>>
        tpu.enqueue_dma source(%dma_start3A_119 : memref<128xf32, #tpu.memory_space<hbm>>) target(%dma_start3A_116 : memref<128xf32, #tpu.memory_space<vmem>>) target_semaphore(%dma_start3A_113 : memref<!tpu.dma_semaphore, #tpu.memory_space<semaphore_mem>>)
        %get3A = arith.index_cast %scan3A_91 : i32 to index
        %get3A_120 = arith.constant 0 : index
        %get3A_121 = tpu.vector_load %arg6[%get3A, %get3A_120] {strides = array<i32>} : memref<200x128xi32, #tpu.memory_space<vmem>>, vector<16xi32>,
        %shift_right_logical3A = arith.constant 1 : i32
        %shift_right_logical3A_122 = vector.broadcast %shift_right_logical3A : i32 to vector<16xi32>
        %shift_right_logical3A_123 = arith.shrui %get3A_121, %shift_right_logical3A_122 : vector<16xi32>
        %swap3A = arith.index_cast %rem3A_101 : i32 to index
        %swap3A_124 = arith.constant 0 : index
        %swap3A_125 = tpu.vector_load %arg7[%swap3A, %swap3A_124] {strides = array<i32>} : memref<4x128xi32, #tpu.memory_space<vmem>>, vector<16xi32>,
        tpu.vector_store %arg7[%swap3A, %swap3A_124], %shift_right_logical3A_123 {strides = array<i32>} : memref<4x128xi32, #tpu.memory_space<vmem>>, vector<16xi32>,
        %get3A_126 = arith.index_cast %scan3A_91 : i32 to index
        %get3A_127 = arith.constant 16 : index
        %get3A_128 = tpu.vector_load %arg6[%get3A_126, %get3A_127] {strides = array<i32>} : memref<200x128xi32, #tpu.memory_space<vmem>>, vector<16xi32>,
        %shift_right_logical3A_129 = arith.constant 1 : i32
        %shift_right_logical3A_130 = vector.broadcast %shift_right_logical3A_129 : i32 to vector<16xi32>
        %shift_right_logical3A_131 = arith.shrui %get3A_128, %shift_right_logical3A_130 : vector<16xi32>
        %swap3A_132 = arith.index_cast %rem3A_101 : i32 to index
        %swap3A_133 = arith.constant 16 : index
        %swap3A_134 = tpu.vector_load %arg7[%swap3A_132, %swap3A_133] {strides = array<i32>} : memref<4x128xi32, #tpu.memory_space<vmem>>, vector<16xi32>,
        tpu.vector_store %arg7[%swap3A_132, %swap3A_133], %shift_right_logical3A_131 {strides = array<i32>} : memref<4x128xi32, #tpu.memory_space<vmem>>, vector<16xi32>,
        %get3A_135 = arith.index_cast %scan3A_91 : i32 to index
        %get3A_136 = arith.constant 32 : index
        %get3A_137 = tpu.vector_load %arg6[%get3A_135, %get3A_136] {strides = array<i32>} : memref<200x128xi32, #tpu.memory_space<vmem>>, vector<16xi32>,
        %shift_right_logical3A_138 = arith.constant 1 : i32
        %shift_right_logical3A_139 = vector.broadcast %shift_right_logical3A_138 : i32 to vector<16xi32>
        %shift_right_logical3A_140 = arith.shrui %get3A_137, %shift_right_logical3A_139 : vector<16xi32>
        %swap3A_141 = arith.index_cast %rem3A_101 : i32 to index
        %swap3A_142 = arith.constant 32 : index
        %swap3A_143 = tpu.vector_load %arg7[%swap3A_141, %swap3A_142] {strides = array<i32>} : memref<4x128xi32, #tpu.memory_space<vmem>>, vector<16xi32>,
        tpu.vector_store %arg7[%swap3A_141, %swap3A_142], %shift_right_logical3A_140 {strides = array<i32>} : memref<4x128xi32, #tpu.memory_space<vmem>>, vector<16xi32>,
        %get3A_144 = arith.index_cast %scan3A_91 : i32 to index
        %get3A_145 = arith.constant 48 : index
        %get3A_146 = tpu.vector_load %arg6[%get3A_144, %get3A_145] {strides = array<i32>} : memref<200x128xi32, #tpu.memory_space<vmem>>, vector<16xi32>,
        %shift_right_logical3A_147 = arith.constant 1 : i32
        %shift_right_logical3A_148 = vector.broadcast %shift_right_logical3A_147 : i32 to vector<16xi32>
        %shift_right_logical3A_149 = arith.shrui %get3A_146, %shift_right_logical3A_148 : vector<16xi32>
        %swap3A_150 = arith.index_cast %rem3A_101 : i32 to index
        %swap3A_151 = arith.constant 48 : index
        %swap3A_152 = tpu.vector_load %arg7[%swap3A_150, %swap3A_151] {strides = array<i32>} : memref<4x128xi32, #tpu.memory_space<vmem>>, vector<16xi32>,
        tpu.vector_store %arg7[%swap3A_150, %swap3A_151], %shift_right_logical3A_149 {strides = array<i32>} : memref<4x128xi32, #tpu.memory_space<vmem>>, vector<16xi32>,
        %get3A_153 = arith.index_cast %scan3A_91 : i32 to index
        %get3A_154 = arith.constant 64 : index
        %get3A_155 = tpu.vector_load %arg6[%get3A_153, %get3A_154] {strides = array<i32>} : memref<200x128xi32, #tpu.memory_space<vmem>>, vector<16xi32>,
        %shift_right_logical3A_156 = arith.constant 1 : i32
        %shift_right_logical3A_157 = vector.broadcast %shift_right_logical3A_156 : i32 to vector<16xi32>
        %shift_right_logical3A_158 = arith.shrui %get3A_155, %shift_right_logical3A_157 : vector<16xi32>
        %swap3A_159 = arith.index_cast %rem3A_101 : i32 to index
        %swap3A_160 = arith.constant 64 : index
        %swap3A_161 = tpu.vector_load %arg7[%swap3A_159, %swap3A_160] {strides = array<i32>} : memref<4x128xi32, #tpu.memory_space<vmem>>, vector<16xi32>,
        tpu.vector_store %arg7[%swap3A_159, %swap3A_160], %shift_right_logical3A_158 {strides = array<i32>} : memref<4x128xi32, #tpu.memory_space<vmem>>, vector<16xi32>,
        %get3A_162 = arith.index_cast %scan3A_91 : i32 to index
        %get3A_163 = arith.constant 80 : index
        %get3A_164 = tpu.vector_load %arg6[%get3A_162, %get3A_163] {strides = array<i32>} : memref<200x128xi32, #tpu.memory_space<vmem>>, vector<16xi32>,
        %shift_right_logical3A_165 = arith.constant 1 : i32
        %shift_right_logical3A_166 = vector.broadcast %shift_right_logical3A_165 : i32 to vector<16xi32>
        %shift_right_logical3A_167 = arith.shrui %get3A_164, %shift_right_logical3A_166 : vector<16xi32>
        %swap3A_168 = arith.index_cast %rem3A_101 : i32 to index
        %swap3A_169 = arith.constant 80 : index
        %swap3A_170 = tpu.vector_load %arg7[%swap3A_168, %swap3A_169] {strides = array<i32>} : memref<4x128xi32, #tpu.memory_space<vmem>>, vector<16xi32>,
        tpu.vector_store %arg7[%swap3A_168, %swap3A_169], %shift_right_logical3A_167 {strides = array<i32>} : memref<4x128xi32, #tpu.memory_space<vmem>>, vector<16xi32>,
        %get3A_171 = arith.index_cast %scan3A_91 : i32 to index
        %get3A_172 = arith.constant 96 : index
        %get3A_173 = tpu.vector_load %arg6[%get3A_171, %get3A_172] {strides = array<i32>} : memref<200x128xi32, #tpu.memory_space<vmem>>, vector<16xi32>,
        %shift_right_logical3A_174 = arith.constant 1 : i32
        %shift_right_logical3A_175 = vector.broadcast %shift_right_logical3A_174 : i32 to vector<16xi32>
        %shift_right_logical3A_176 = arith.shrui %get3A_173, %shift_right_logical3A_175 : vector<16xi32>
        %swap3A_177 = arith.index_cast %rem3A_101 : i32 to index
        %swap3A_178 = arith.constant 96 : index
        %swap3A_179 = tpu.vector_load %arg7[%swap3A_177, %swap3A_178] {strides = array<i32>} : memref<4x128xi32, #tpu.memory_space<vmem>>, vector<16xi32>,
        tpu.vector_store %arg7[%swap3A_177, %swap3A_178], %shift_right_logical3A_176 {strides = array<i32>} : memref<4x128xi32, #tpu.memory_space<vmem>>, vector<16xi32>,
        %get3A_180 = arith.index_cast %scan3A_91 : i32 to index
        %get3A_181 = arith.constant 112 : index
        %get3A_182 = tpu.vector_load %arg6[%get3A_180, %get3A_181] {strides = array<i32>} : memref<200x128xi32, #tpu.memory_space<vmem>>, vector<16xi32>,
        %shift_right_logical3A_183 = arith.constant 1 : i32
        %shift_right_logical3A_184 = vector.broadcast %shift_right_logical3A_183 : i32 to vector<16xi32>
        %shift_right_logical3A_185 = arith.shrui %get3A_182, %shift_right_logical3A_184 : vector<16xi32>
        %swap3A_186 = arith.index_cast %rem3A_101 : i32 to index
        %swap3A_187 = arith.constant 112 : index
        %swap3A_188 = tpu.vector_load %arg7[%swap3A_186, %swap3A_187] {strides = array<i32>} : memref<4x128xi32, #tpu.memory_space<vmem>>, vector<16xi32>,
        tpu.vector_store %arg7[%swap3A_186, %swap3A_187], %shift_right_logical3A_185 {strides = array<i32>} : memref<4x128xi32, #tpu.memory_space<vmem>>, vector<16xi32>,
        %dma_start3A_189 = arith.constant 0 : i32
        %dma_start3A_190 = arith.constant 0 : i32
        %dma_start3A_191 = tpu.memref_slice %arg8[%rem3A_101, %dma_start3A_189, %dma_start3A_190] : memref<4x128x128xf32, #tpu.memory_space<vmem>> -> memref<1x128x128xf32, #tpu.memory_space<vmem>>
        %dma_start3A_192 = tpu.memref_squeeze %dma_start3A_191 : memref<1x128x128xf32, #tpu.memory_space<vmem>> -> memref<128x128xf32, #tpu.memory_space<vmem>>
        %dma_start3A_193 = arith.constant 0 : i32
        %dma_start3A_194 = tpu.memref_slice %arg7[%rem3A_101, %dma_start3A_193] : memref<4x128xi32, #tpu.memory_space<vmem>> -> memref<1x128xi32, #tpu.memory_space<vmem>>
        %dma_start3A_195 = tpu.memref_squeeze %dma_start3A_194 : memref<1x128xi32, #tpu.memory_space<vmem>> -> memref<128xi32, #tpu.memory_space<vmem>>
        %dma_start3A_196 = arith.constant 0 : i32
        %dma_start3A_197 = arith.constant 0 : i32
        %dma_start3A_198 = tpu.memref_slice %arg3[%dma_start3A_196, %dma_start3A_197] : memref<500000x128xf32, #tpu.memory_space<hbm>> -> memref<500000x128xf32, #tpu.memory_space<hbm>>
        %dma_start3A_199 = tpu.memref_slice %arg12[%rem3A_101] : memref<4x!tpu.dma_semaphore, #tpu.memory_space<semaphore_mem>> -> memref<1x!tpu.dma_semaphore, #tpu.memory_space<semaphore_mem>>
        %dma_start3A_200 = tpu.memref_squeeze %dma_start3A_199 : memref<1x!tpu.dma_semaphore, #tpu.memory_space<semaphore_mem>> -> memref<!tpu.dma_semaphore, #tpu.memory_space<semaphore_mem>>
        tpu.enqueue_indirect_dma source(%dma_start3A_198 : memref<500000x128xf32, #tpu.memory_space<hbm>>) target(%dma_start3A_192 : memref<128x128xf32, #tpu.memory_space<vmem>>) offsets(%dma_start3A_195 : memref<128xi32, #tpu.memory_space<vmem>>) semaphore(%dma_start3A_200 : memref<!tpu.dma_semaphore, #tpu.memory_space<semaphore_mem>>)
      } else {
      }
      %sub3A = arith.constant 2 : i32
      %sub3A_94 = arith.subi %scan3A_91, %sub3A : i32
      %ge3A = arith.constant 0 : i32
      %ge3A_95 = arith.cmpi sge, %sub3A_94, %ge3A : i32
      %lt3A_96 = arith.constant 200 : i32
      %lt3A_97 = arith.cmpi slt, %sub3A_94, %lt3A_96 : i32
      %and3A = arith.andi %ge3A_95, %lt3A_97 : i1
      %convert_element_type3A_98 = arith.extui %and3A : i1 to i32
      %cond3A_99 = arith.constant 0 : i32
      %cond3A_100 = arith.cmpi ne, %convert_element_type3A_98, %cond3A_99 : i32
      scf.if %cond3A_100 {
        %rem3A = arith.constant 4 : i32
        %rem3A_101 = arith.remsi %sub3A_94, %rem3A : i32
        %dma_wait3A_102 = arith.constant 0 : i32
        %dma_wait3A_103 = arith.constant 0 : i32
        %dma_wait3A_104 = tpu.memref_slice %arg10[%rem3A_101, %dma_wait3A_103] : memref<4x128xf32, #tpu.memory_space<vmem>> -> memref<1x128xf32, #tpu.memory_space<vmem>>
        %dma_wait3A_105 = tpu.memref_squeeze %dma_wait3A_104 : memref<1x128xf32, #tpu.memory_space<vmem>> -> memref<128xf32, #tpu.memory_space<vmem>>
        %dma_wait3A_106 = arith.constant 0 : i32
        %dma_wait3A_107 = tpu.memref_slice %arg4[%dma_wait3A_102, %dma_wait3A_106] : memref<200x128xf32, #tpu.memory_space<hbm>> -> memref<1x128xf32, #tpu.memory_space<hbm>>
        %dma_wait3A_108 = tpu.memref_squeeze %dma_wait3A_107 : memref<1x128xf32, #tpu.memory_space<hbm>> -> memref<128xf32, #tpu.memory_space<hbm>>
        %dma_wait3A_109 = tpu.memref_slice %arg11[%rem3A_101] : memref<4x!tpu.dma_semaphore, #tpu.memory_space<semaphore_mem>> -> memref<1x!tpu.dma_semaphore, #tpu.memory_space<semaphore_mem>>
        %dma_wait3A_110 = tpu.memref_squeeze %dma_wait3A_109 : memref<1x!tpu.dma_semaphore, #tpu.memory_space<semaphore_mem>> -> memref<!tpu.dma_semaphore, #tpu.memory_space<semaphore_mem>>
        %dma_wait3A_111 = arith.constant 0 : i32
        %dma_wait3A_112 = tpu.memref_slice %arg10[%rem3A_101, %dma_wait3A_111] : memref<4x128xf32, #tpu.memory_space<vmem>> -> memref<1x128xf32, #tpu.memory_space<vmem>>
        %dma_wait3A_113 = tpu.memref_squeeze %dma_wait3A_112 : memref<1x128xf32, #tpu.memory_space<vmem>> -> memref<128xf32, #tpu.memory_space<vmem>>
        %dma_wait3A_114 = arith.constant 0 : i32
        %dma_wait3A_115 = tpu.memref_slice %arg4[%dma_wait3A_102, %dma_wait3A_114] : memref<200x128xf32, #tpu.memory_space<hbm>> -> memref<1x128xf32, #tpu.memory_space<hbm>>
        %dma_wait3A_116 = tpu.memref_squeeze %dma_wait3A_115 : memref<1x128xf32, #tpu.memory_space<hbm>> -> memref<128xf32, #tpu.memory_space<hbm>>
        tpu.wait_dma2 semaphore(%dma_wait3A_110 : memref<!tpu.dma_semaphore, #tpu.memory_space<semaphore_mem>>) src(%dma_wait3A_116 : memref<128xf32, #tpu.memory_space<hbm>>) dst(%dma_wait3A_113 : memref<128xf32, #tpu.memory_space<vmem>>)
        %dma_wait3A_117 = arith.constant 0 : i32
        %dma_wait3A_118 = arith.constant 0 : i32
        %dma_wait3A_119 = tpu.memref_slice %arg8[%rem3A_101, %dma_wait3A_117, %dma_wait3A_118] : memref<4x128x128xf32, #tpu.memory_space<vmem>> -> memref<1x128x128xf32, #tpu.memory_space<vmem>>
        %dma_wait3A_120 = tpu.memref_squeeze %dma_wait3A_119 : memref<1x128x128xf32, #tpu.memory_space<vmem>> -> memref<128x128xf32, #tpu.memory_space<vmem>>
        %dma_wait3A_121 = arith.constant 0 : i32
        %dma_wait3A_122 = tpu.memref_slice %arg7[%rem3A_101, %dma_wait3A_121] : memref<4x128xi32, #tpu.memory_space<vmem>> -> memref<1x128xi32, #tpu.memory_space<vmem>>
        %dma_wait3A_123 = tpu.memref_squeeze %dma_wait3A_122 : memref<1x128xi32, #tpu.memory_space<vmem>> -> memref<128xi32, #tpu.memory_space<vmem>>
        %dma_wait3A_124 = arith.constant 0 : i32
        %dma_wait3A_125 = arith.constant 0 : i32
        %dma_wait3A_126 = tpu.memref_slice %arg3[%dma_wait3A_124, %dma_wait3A_125] : memref<500000x128xf32, #tpu.memory_space<hbm>> -> memref<500000x128xf32, #tpu.memory_space<hbm>>
        %dma_wait3A_127 = tpu.memref_slice %arg12[%rem3A_101] : memref<4x!tpu.dma_semaphore, #tpu.memory_space<semaphore_mem>> -> memref<1x!tpu.dma_semaphore, #tpu.memory_space<semaphore_mem>>
        %dma_wait3A_128 = tpu.memref_squeeze %dma_wait3A_127 : memref<1x!tpu.dma_semaphore, #tpu.memory_space<semaphore_mem>> -> memref<!tpu.dma_semaphore, #tpu.memory_space<semaphore_mem>>
        tpu.wait_indirect_dma semaphore(%dma_wait3A_128 : memref<!tpu.dma_semaphore, #tpu.memory_space<semaphore_mem>>) src(%dma_wait3A_126 : memref<500000x128xf32, #tpu.memory_space<hbm>>) dst(%dma_wait3A_120 : memref<128x128xf32, #tpu.memory_space<vmem>>)
        %iota3A = tpu.iota {dimensions = array<i32: 0>} : vector<16xi32>
        %broadcast_in_dim3A = arith.constant 0 : i32
        %broadcast_in_dim3A_129 = vector.broadcast %broadcast_in_dim3A : i32 to vector<16xi32>
        %add3A_130 = arith.constant 0 : i32
        %add3A_131 = vector.broadcast %add3A_130 : i32 to vector<16xi32>
        %add3A_132 = arith.addi %iota3A, %add3A_131 : vector<16xi32>
        %mul3A_133 = arith.constant 128 : i32
        %mul3A_134 = vector.broadcast %mul3A_133 : i32 to vector<16xi32>
        %mul3A_135 = arith.muli %add3A_132, %mul3A_134 : vector<16xi32>
        %get3A = arith.index_cast %sub3A_94 : i32 to index
        %get3A_136 = arith.constant 0 : index
        %get3A_137 = tpu.vector_load %arg6[%get3A, %get3A_136] {strides = array<i32>} : memref<200x128xi32, #tpu.memory_space<vmem>>, vector<16xi32>,
        %and3A_138 = arith.constant 1 : i32
        %and3A_139 = vector.broadcast %and3A_138 : i32 to vector<16xi32>
        %and3A_140 = arith.andi %get3A_137, %and3A_139 : vector<16xi32>
        %mul3A_141 = arith.constant 64 : i32
        %mul3A_142 = vector.broadcast %mul3A_141 : i32 to vector<16xi32>
        %mul3A_143 = arith.muli %and3A_140, %mul3A_142 : vector<16xi32>
        %add3A_144 = arith.addi %mul3A_135, %mul3A_143 : vector<16xi32>
        %add3A_145 = arith.constant 16 : i32
        %add3A_146 = vector.broadcast %add3A_145 : i32 to vector<16xi32>
        %add3A_147 = arith.addi %iota3A, %add3A_146 : vector<16xi32>
        %mul3A_148 = arith.constant 128 : i32
        %mul3A_149 = vector.broadcast %mul3A_148 : i32 to vector<16xi32>
        %mul3A_150 = arith.muli %add3A_147, %mul3A_149 : vector<16xi32>
        %get3A_151 = arith.index_cast %sub3A_94 : i32 to index
        %get3A_152 = arith.constant 16 : index
        %get3A_153 = tpu.vector_load %arg6[%get3A_151, %get3A_152] {strides = array<i32>} : memref<200x128xi32, #tpu.memory_space<vmem>>, vector<16xi32>,
        %and3A_154 = arith.constant 1 : i32
        %and3A_155 = vector.broadcast %and3A_154 : i32 to vector<16xi32>
        %and3A_156 = arith.andi %get3A_153, %and3A_155 : vector<16xi32>
        %mul3A_157 = arith.constant 64 : i32
        %mul3A_158 = vector.broadcast %mul3A_157 : i32 to vector<16xi32>
        %mul3A_159 = arith.muli %and3A_156, %mul3A_158 : vector<16xi32>
        %add3A_160 = arith.addi %mul3A_150, %mul3A_159 : vector<16xi32>
        %add3A_161 = arith.constant 32 : i32
        %add3A_162 = vector.broadcast %add3A_161 : i32 to vector<16xi32>
        %add3A_163 = arith.addi %iota3A, %add3A_162 : vector<16xi32>
        %mul3A_164 = arith.constant 128 : i32
        %mul3A_165 = vector.broadcast %mul3A_164 : i32 to vector<16xi32>
        %mul3A_166 = arith.muli %add3A_163, %mul3A_165 : vector<16xi32>
        %get3A_167 = arith.index_cast %sub3A_94 : i32 to index
        %get3A_168 = arith.constant 32 : index
        %get3A_169 = tpu.vector_load %arg6[%get3A_167, %get3A_168] {strides = array<i32>} : memref<200x128xi32, #tpu.memory_space<vmem>>, vector<16xi32>,
        %and3A_170 = arith.constant 1 : i32
        %and3A_171 = vector.broadcast %and3A_170 : i32 to vector<16xi32>
        %and3A_172 = arith.andi %get3A_169, %and3A_171 : vector<16xi32>
        %mul3A_173 = arith.constant 64 : i32
        %mul3A_174 = vector.broadcast %mul3A_173 : i32 to vector<16xi32>
        %mul3A_175 = arith.muli %and3A_172, %mul3A_174 : vector<16xi32>
        %add3A_176 = arith.addi %mul3A_166, %mul3A_175 : vector<16xi32>
        %add3A_177 = arith.constant 48 : i32
        %add3A_178 = vector.broadcast %add3A_177 : i32 to vector<16xi32>
        %add3A_179 = arith.addi %iota3A, %add3A_178 : vector<16xi32>
        %mul3A_180 = arith.constant 128 : i32
        %mul3A_181 = vector.broadcast %mul3A_180 : i32 to vector<16xi32>
        %mul3A_182 = arith.muli %add3A_179, %mul3A_181 : vector<16xi32>
        %get3A_183 = arith.index_cast %sub3A_94 : i32 to index
        %get3A_184 = arith.constant 48 : index
        %get3A_185 = tpu.vector_load %arg6[%get3A_183, %get3A_184] {strides = array<i32>} : memref<200x128xi32, #tpu.memory_space<vmem>>, vector<16xi32>,
        %and3A_186 = arith.constant 1 : i32
        %and3A_187 = vector.broadcast %and3A_186 : i32 to vector<16xi32>
        %and3A_188 = arith.andi %get3A_185, %and3A_187 : vector<16xi32>
        %mul3A_189 = arith.constant 64 : i32
        %mul3A_190 = vector.broadcast %mul3A_189 : i32 to vector<16xi32>
        %mul3A_191 = arith.muli %and3A_188, %mul3A_190 : vector<16xi32>
        %add3A_192 = arith.addi %mul3A_182, %mul3A_191 : vector<16xi32>
        %add3A_193 = arith.constant 64 : i32
        %add3A_194 = vector.broadcast %add3A_193 : i32 to vector<16xi32>
        %add3A_195 = arith.addi %iota3A, %add3A_194 : vector<16xi32>
        %mul3A_196 = arith.constant 128 : i32
        %mul3A_197 = vector.broadcast %mul3A_196 : i32 to vector<16xi32>
        %mul3A_198 = arith.muli %add3A_195, %mul3A_197 : vector<16xi32>
        %get3A_199 = arith.index_cast %sub3A_94 : i32 to index
        %get3A_200 = arith.constant 64 : index
        %get3A_201 = tpu.vector_load %arg6[%get3A_199, %get3A_200] {strides = array<i32>} : memref<200x128xi32, #tpu.memory_space<vmem>>, vector<16xi32>,
        %and3A_202 = arith.constant 1 : i32
        %and3A_203 = vector.broadcast %and3A_202 : i32 to vector<16xi32>
        %and3A_204 = arith.andi %get3A_201, %and3A_203 : vector<16xi32>
        %mul3A_205 = arith.constant 64 : i32
        %mul3A_206 = vector.broadcast %mul3A_205 : i32 to vector<16xi32>
        %mul3A_207 = arith.muli %and3A_204, %mul3A_206 : vector<16xi32>
        %add3A_208 = arith.addi %mul3A_198, %mul3A_207 : vector<16xi32>
        %add3A_209 = arith.constant 80 : i32
        %add3A_210 = vector.broadcast %add3A_209 : i32 to vector<16xi32>
        %add3A_211 = arith.addi %iota3A, %add3A_210 : vector<16xi32>
        %mul3A_212 = arith.constant 128 : i32
        %mul3A_213 = vector.broadcast %mul3A_212 : i32 to vector<16xi32>
        %mul3A_214 = arith.muli %add3A_211, %mul3A_213 : vector<16xi32>
        %get3A_215 = arith.index_cast %sub3A_94 : i32 to index
        %get3A_216 = arith.constant 80 : index
        %get3A_217 = tpu.vector_load %arg6[%get3A_215, %get3A_216] {strides = array<i32>} : memref<200x128xi32, #tpu.memory_space<vmem>>, vector<16xi32>,
        %and3A_218 = arith.constant 1 : i32
        %and3A_219 = vector.broadcast %and3A_218 : i32 to vector<16xi32>
        %and3A_220 = arith.andi %get3A_217, %and3A_219 : vector<16xi32>
        %mul3A_221 = arith.constant 64 : i32
        %mul3A_222 = vector.broadcast %mul3A_221 : i32 to vector<16xi32>
        %mul3A_223 = arith.muli %and3A_220, %mul3A_222 : vector<16xi32>
        %add3A_224 = arith.addi %mul3A_214, %mul3A_223 : vector<16xi32>
        %add3A_225 = arith.constant 96 : i32
        %add3A_226 = vector.broadcast %add3A_225 : i32 to vector<16xi32>
        %add3A_227 = arith.addi %iota3A, %add3A_226 : vector<16xi32>
        %mul3A_228 = arith.constant 128 : i32
        %mul3A_229 = vector.broadcast %mul3A_228 : i32 to vector<16xi32>
        %mul3A_230 = arith.muli %add3A_227, %mul3A_229 : vector<16xi32>
        %get3A_231 = arith.index_cast %sub3A_94 : i32 to index
        %get3A_232 = arith.constant 96 : index
        %get3A_233 = tpu.vector_load %arg6[%get3A_231, %get3A_232] {strides = array<i32>} : memref<200x128xi32, #tpu.memory_space<vmem>>, vector<16xi32>,
        %and3A_234 = arith.constant 1 : i32
        %and3A_235 = vector.broadcast %and3A_234 : i32 to vector<16xi32>
        %and3A_236 = arith.andi %get3A_233, %and3A_235 : vector<16xi32>
        %mul3A_237 = arith.constant 64 : i32
        %mul3A_238 = vector.broadcast %mul3A_237 : i32 to vector<16xi32>
        %mul3A_239 = arith.muli %and3A_236, %mul3A_238 : vector<16xi32>
        %add3A_240 = arith.addi %mul3A_230, %mul3A_239 : vector<16xi32>
        %add3A_241 = arith.constant 112 : i32
        %add3A_242 = vector.broadcast %add3A_241 : i32 to vector<16xi32>
        %add3A_243 = arith.addi %iota3A, %add3A_242 : vector<16xi32>
        %mul3A_244 = arith.constant 128 : i32
        %mul3A_245 = vector.broadcast %mul3A_244 : i32 to vector<16xi32>
        %mul3A_246 = arith.muli %add3A_243, %mul3A_245 : vector<16xi32>
        %get3A_247 = arith.index_cast %sub3A_94 : i32 to index
        %get3A_248 = arith.constant 112 : index
        %get3A_249 = tpu.vector_load %arg6[%get3A_247, %get3A_248] {strides = array<i32>} : memref<200x128xi32, #tpu.memory_space<vmem>>, vector<16xi32>,
        %and3A_250 = arith.constant 1 : i32
        %and3A_251 = vector.broadcast %and3A_250 : i32 to vector<16xi32>
        %and3A_252 = arith.andi %get3A_249, %and3A_251 : vector<16xi32>
        %mul3A_253 = arith.constant 64 : i32
        %mul3A_254 = vector.broadcast %mul3A_253 : i32 to vector<16xi32>
        %mul3A_255 = arith.muli %and3A_252, %mul3A_254 : vector<16xi32>
        %add3A_256 = arith.addi %mul3A_246, %mul3A_255 : vector<16xi32>
        %add3A_257 = arith.constant 0 : i32
        %add3A_258 = vector.broadcast %add3A_257 : i32 to vector<16xi32>
        %add3A_259 = arith.addi %iota3A, %add3A_258 : vector<16xi32>
        %add3A_260 = arith.constant 16 : i32
        %add3A_261 = vector.broadcast %add3A_260 : i32 to vector<16xi32>
        %add3A_262 = arith.addi %iota3A, %add3A_261 : vector<16xi32>
        %add3A_263 = arith.constant 32 : i32
        %add3A_264 = vector.broadcast %add3A_263 : i32 to vector<16xi32>
        %add3A_265 = arith.addi %iota3A, %add3A_264 : vector<16xi32>
        %add3A_266 = arith.constant 48 : i32
        %add3A_267 = vector.broadcast %add3A_266 : i32 to vector<16xi32>
        %add3A_268 = arith.addi %iota3A, %add3A_267 : vector<16xi32>
        %add3A_269 = arith.constant 64 : i32
        %add3A_270 = vector.broadcast %add3A_269 : i32 to vector<16xi32>
        %add3A_271 = arith.addi %iota3A, %add3A_270 : vector<16xi32>
        %add3A_272 = arith.constant 80 : i32
        %add3A_273 = vector.broadcast %add3A_272 : i32 to vector<16xi32>
        %add3A_274 = arith.addi %iota3A, %add3A_273 : vector<16xi32>
        %add3A_275 = arith.constant 96 : i32
        %add3A_276 = vector.broadcast %add3A_275 : i32 to vector<16xi32>
        %add3A_277 = arith.addi %iota3A, %add3A_276 : vector<16xi32>
        %add3A_278 = arith.constant 112 : i32
        %add3A_279 = vector.broadcast %add3A_278 : i32 to vector<16xi32>
        %add3A_280 = arith.addi %iota3A, %add3A_279 : vector<16xi32>
        %parallel_loop3A = arith.constant 0 : i32
        %parallel_loop3A_281 = arith.constant 16 : i32
        %parallel_loop3A_282 = arith.constant 1 : i32
        scf.for %parallel_loop3A_298 = %parallel_loop3A to %parallel_loop3A_281 step %parallel_loop3A_282  : i32 {
          %parallel_loop3A_299 = vector.broadcast %parallel_loop3A_298 : i32 to vector<16xi32>
          %parallel_loop3A_300 = arith.addi %iota3A, %parallel_loop3A_299 : vector<16xi32>
          %parallel_loop3A_301 = arith.constant 15 : i32
          %parallel_loop3A_302 = vector.broadcast %parallel_loop3A_301 : i32 to vector<16xi32>
          %parallel_loop3A_303 = arith.andi %parallel_loop3A_300, %parallel_loop3A_302 : vector<16xi32>
          %parallel_loop3A_304 = arith.constant 0 : i32
          %parallel_loop3A_305 = vector.broadcast %parallel_loop3A_304 : i32 to vector<16xi32>
          %parallel_loop3A_306 = arith.addi %parallel_loop3A_303, %parallel_loop3A_305 : vector<16xi32>
          %parallel_loop3A_307 = arith.constant 0 : i32
          %parallel_loop3A_308 = tpu.memref_slice %arg10[%rem3A_101, %parallel_loop3A_307] : memref<4x128xf32, #tpu.memory_space<vmem>> -> memref<1x128xf32, #tpu.memory_space<vmem>>
          %parallel_loop3A_309 = tpu.memref_squeeze %parallel_loop3A_308 : memref<1x128xf32, #tpu.memory_space<vmem>> -> memref<128xf32, #tpu.memory_space<vmem>>
          %parallel_loop3A_310 = tpu.vector_load_idx %parallel_loop3A_309[%parallel_loop3A_306] : memref<128xf32, #tpu.memory_space<vmem>>[vector<16xi32>], vector<16xf32>,
          %parallel_loop3A_311 = arith.addi %add3A_144, %parallel_loop3A_306 : vector<16xi32>
          %parallel_loop3A_312 = arith.constant 0 : i32
          %parallel_loop3A_313 = arith.constant 0 : i32
          %parallel_loop3A_314 = tpu.memref_slice %arg8[%rem3A_101, %parallel_loop3A_312, %parallel_loop3A_313] : memref<4x128x128xf32, #tpu.memory_space<vmem>> -> memref<1x128x128xf32, #tpu.memory_space<vmem>>
          %parallel_loop3A_315 = tpu.memref_squeeze %parallel_loop3A_314 : memref<1x128x128xf32, #tpu.memory_space<vmem>> -> memref<128x128xf32, #tpu.memory_space<vmem>>
          %parallel_loop3A_316 = tpu.vector_load_idx %parallel_loop3A_315[%broadcast_in_dim3A_129, %parallel_loop3A_311] : memref<128x128xf32, #tpu.memory_space<vmem>>[vector<16xi32>, vector<16xi32>], vector<16xf32>,
          %parallel_loop3A_317 = arith.addf %parallel_loop3A_316, %parallel_loop3A_310 : vector<16xf32>
          %parallel_loop3A_318 = arith.constant 0 : i32
          %parallel_loop3A_319 = arith.constant 0 : i32
          %parallel_loop3A_320 = tpu.memref_slice %arg9[%rem3A_101, %parallel_loop3A_318, %parallel_loop3A_319] : memref<4x64x128xf32, #tpu.memory_space<vmem>> -> memref<1x64x128xf32, #tpu.memory_space<vmem>>
          %parallel_loop3A_321 = tpu.memref_squeeze %parallel_loop3A_320 : memref<1x64x128xf32, #tpu.memory_space<vmem>> -> memref<64x128xf32, #tpu.memory_space<vmem>>
          tpu.vector_store_idx %parallel_loop3A_321[%parallel_loop3A_306, %add3A_259], %parallel_loop3A_317 : memref<64x128xf32, #tpu.memory_space<vmem>>[vector<16xi32>, vector<16xi32>], vector<16xf32>,
          %parallel_loop3A_322 = arith.addi %add3A_160, %parallel_loop3A_306 : vector<16xi32>
          %parallel_loop3A_323 = arith.constant 0 : i32
          %parallel_loop3A_324 = arith.constant 0 : i32
          %parallel_loop3A_325 = tpu.memref_slice %arg8[%rem3A_101, %parallel_loop3A_323, %parallel_loop3A_324] : memref<4x128x128xf32, #tpu.memory_space<vmem>> -> memref<1x128x128xf32, #tpu.memory_space<vmem>>
          %parallel_loop3A_326 = tpu.memref_squeeze %parallel_loop3A_325 : memref<1x128x128xf32, #tpu.memory_space<vmem>> -> memref<128x128xf32, #tpu.memory_space<vmem>>
          %parallel_loop3A_327 = tpu.vector_load_idx %parallel_loop3A_326[%broadcast_in_dim3A_129, %parallel_loop3A_322] : memref<128x128xf32, #tpu.memory_space<vmem>>[vector<16xi32>, vector<16xi32>], vector<16xf32>,
          %parallel_loop3A_328 = arith.addf %parallel_loop3A_327, %parallel_loop3A_310 : vector<16xf32>
          %parallel_loop3A_329 = arith.constant 0 : i32
          %parallel_loop3A_330 = arith.constant 0 : i32
          %parallel_loop3A_331 = tpu.memref_slice %arg9[%rem3A_101, %parallel_loop3A_329, %parallel_loop3A_330] : memref<4x64x128xf32, #tpu.memory_space<vmem>> -> memref<1x64x128xf32, #tpu.memory_space<vmem>>
          %parallel_loop3A_332 = tpu.memref_squeeze %parallel_loop3A_331 : memref<1x64x128xf32, #tpu.memory_space<vmem>> -> memref<64x128xf32, #tpu.memory_space<vmem>>
          tpu.vector_store_idx %parallel_loop3A_332[%parallel_loop3A_306, %add3A_262], %parallel_loop3A_328 : memref<64x128xf32, #tpu.memory_space<vmem>>[vector<16xi32>, vector<16xi32>], vector<16xf32>,
          %parallel_loop3A_333 = arith.addi %add3A_176, %parallel_loop3A_306 : vector<16xi32>
          %parallel_loop3A_334 = arith.constant 0 : i32
          %parallel_loop3A_335 = arith.constant 0 : i32
          %parallel_loop3A_336 = tpu.memref_slice %arg8[%rem3A_101, %parallel_loop3A_334, %parallel_loop3A_335] : memref<4x128x128xf32, #tpu.memory_space<vmem>> -> memref<1x128x128xf32, #tpu.memory_space<vmem>>
          %parallel_loop3A_337 = tpu.memref_squeeze %parallel_loop3A_336 : memref<1x128x128xf32, #tpu.memory_space<vmem>> -> memref<128x128xf32, #tpu.memory_space<vmem>>
          %parallel_loop3A_338 = tpu.vector_load_idx %parallel_loop3A_337[%broadcast_in_dim3A_129, %parallel_loop3A_333] : memref<128x128xf32, #tpu.memory_space<vmem>>[vector<16xi32>, vector<16xi32>], vector<16xf32>,
          %parallel_loop3A_339 = arith.addf %parallel_loop3A_338, %parallel_loop3A_310 : vector<16xf32>
          %parallel_loop3A_340 = arith.constant 0 : i32
          %parallel_loop3A_341 = arith.constant 0 : i32
          %parallel_loop3A_342 = tpu.memref_slice %arg9[%rem3A_101, %parallel_loop3A_340, %parallel_loop3A_341] : memref<4x64x128xf32, #tpu.memory_space<vmem>> -> memref<1x64x128xf32, #tpu.memory_space<vmem>>
          %parallel_loop3A_343 = tpu.memref_squeeze %parallel_loop3A_342 : memref<1x64x128xf32, #tpu.memory_space<vmem>> -> memref<64x128xf32, #tpu.memory_space<vmem>>
          tpu.vector_store_idx %parallel_loop3A_343[%parallel_loop3A_306, %add3A_265], %parallel_loop3A_339 : memref<64x128xf32, #tpu.memory_space<vmem>>[vector<16xi32>, vector<16xi32>], vector<16xf32>,
          %parallel_loop3A_344 = arith.addi %add3A_192, %parallel_loop3A_306 : vector<16xi32>
          %parallel_loop3A_345 = arith.constant 0 : i32
          %parallel_loop3A_346 = arith.constant 0 : i32
          %parallel_loop3A_347 = tpu.memref_slice %arg8[%rem3A_101, %parallel_loop3A_345, %parallel_loop3A_346] : memref<4x128x128xf32, #tpu.memory_space<vmem>> -> memref<1x128x128xf32, #tpu.memory_space<vmem>>
          %parallel_loop3A_348 = tpu.memref_squeeze %parallel_loop3A_347 : memref<1x128x128xf32, #tpu.memory_space<vmem>> -> memref<128x128xf32, #tpu.memory_space<vmem>>
          %parallel_loop3A_349 = tpu.vector_load_idx %parallel_loop3A_348[%broadcast_in_dim3A_129, %parallel_loop3A_344] : memref<128x128xf32, #tpu.memory_space<vmem>>[vector<16xi32>, vector<16xi32>], vector<16xf32>,
          %parallel_loop3A_350 = arith.addf %parallel_loop3A_349, %parallel_loop3A_310 : vector<16xf32>
          %parallel_loop3A_351 = arith.constant 0 : i32
          %parallel_loop3A_352 = arith.constant 0 : i32
          %parallel_loop3A_353 = tpu.memref_slice %arg9[%rem3A_101, %parallel_loop3A_351, %parallel_loop3A_352] : memref<4x64x128xf32, #tpu.memory_space<vmem>> -> memref<1x64x128xf32, #tpu.memory_space<vmem>>
          %parallel_loop3A_354 = tpu.memref_squeeze %parallel_loop3A_353 : memref<1x64x128xf32, #tpu.memory_space<vmem>> -> memref<64x128xf32, #tpu.memory_space<vmem>>
          tpu.vector_store_idx %parallel_loop3A_354[%parallel_loop3A_306, %add3A_268], %parallel_loop3A_350 : memref<64x128xf32, #tpu.memory_space<vmem>>[vector<16xi32>, vector<16xi32>], vector<16xf32>,
          %parallel_loop3A_355 = arith.addi %add3A_208, %parallel_loop3A_306 : vector<16xi32>
          %parallel_loop3A_356 = arith.constant 0 : i32
          %parallel_loop3A_357 = arith.constant 0 : i32
          %parallel_loop3A_358 = tpu.memref_slice %arg8[%rem3A_101, %parallel_loop3A_356, %parallel_loop3A_357] : memref<4x128x128xf32, #tpu.memory_space<vmem>> -> memref<1x128x128xf32, #tpu.memory_space<vmem>>
          %parallel_loop3A_359 = tpu.memref_squeeze %parallel_loop3A_358 : memref<1x128x128xf32, #tpu.memory_space<vmem>> -> memref<128x128xf32, #tpu.memory_space<vmem>>
          %parallel_loop3A_360 = tpu.vector_load_idx %parallel_loop3A_359[%broadcast_in_dim3A_129, %parallel_loop3A_355] : memref<128x128xf32, #tpu.memory_space<vmem>>[vector<16xi32>, vector<16xi32>], vector<16xf32>,
          %parallel_loop3A_361 = arith.addf %parallel_loop3A_360, %parallel_loop3A_310 : vector<16xf32>
          %parallel_loop3A_362 = arith.constant 0 : i32
          %parallel_loop3A_363 = arith.constant 0 : i32
          %parallel_loop3A_364 = tpu.memref_slice %arg9[%rem3A_101, %parallel_loop3A_362, %parallel_loop3A_363] : memref<4x64x128xf32, #tpu.memory_space<vmem>> -> memref<1x64x128xf32, #tpu.memory_space<vmem>>
          %parallel_loop3A_365 = tpu.memref_squeeze %parallel_loop3A_364 : memref<1x64x128xf32, #tpu.memory_space<vmem>> -> memref<64x128xf32, #tpu.memory_space<vmem>>
          tpu.vector_store_idx %parallel_loop3A_365[%parallel_loop3A_306, %add3A_271], %parallel_loop3A_361 : memref<64x128xf32, #tpu.memory_space<vmem>>[vector<16xi32>, vector<16xi32>], vector<16xf32>,
          %parallel_loop3A_366 = arith.addi %add3A_224, %parallel_loop3A_306 : vector<16xi32>
          %parallel_loop3A_367 = arith.constant 0 : i32
          %parallel_loop3A_368 = arith.constant 0 : i32
          %parallel_loop3A_369 = tpu.memref_slice %arg8[%rem3A_101, %parallel_loop3A_367, %parallel_loop3A_368] : memref<4x128x128xf32, #tpu.memory_space<vmem>> -> memref<1x128x128xf32, #tpu.memory_space<vmem>>
          %parallel_loop3A_370 = tpu.memref_squeeze %parallel_loop3A_369 : memref<1x128x128xf32, #tpu.memory_space<vmem>> -> memref<128x128xf32, #tpu.memory_space<vmem>>
          %parallel_loop3A_371 = tpu.vector_load_idx %parallel_loop3A_370[%broadcast_in_dim3A_129, %parallel_loop3A_366] : memref<128x128xf32, #tpu.memory_space<vmem>>[vector<16xi32>, vector<16xi32>], vector<16xf32>,
          %parallel_loop3A_372 = arith.addf %parallel_loop3A_371, %parallel_loop3A_310 : vector<16xf32>
          %parallel_loop3A_373 = arith.constant 0 : i32
          %parallel_loop3A_374 = arith.constant 0 : i32
          %parallel_loop3A_375 = tpu.memref_slice %arg9[%rem3A_101, %parallel_loop3A_373, %parallel_loop3A_374] : memref<4x64x128xf32, #tpu.memory_space<vmem>> -> memref<1x64x128xf32, #tpu.memory_space<vmem>>
          %parallel_loop3A_376 = tpu.memref_squeeze %parallel_loop3A_375 : memref<1x64x128xf32, #tpu.memory_space<vmem>> -> memref<64x128xf32, #tpu.memory_space<vmem>>
          tpu.vector_store_idx %parallel_loop3A_376[%parallel_loop3A_306, %add3A_274], %parallel_loop3A_372 : memref<64x128xf32, #tpu.memory_space<vmem>>[vector<16xi32>, vector<16xi32>], vector<16xf32>,
          %parallel_loop3A_377 = arith.addi %add3A_240, %parallel_loop3A_306 : vector<16xi32>
          %parallel_loop3A_378 = arith.constant 0 : i32
          %parallel_loop3A_379 = arith.constant 0 : i32
          %parallel_loop3A_380 = tpu.memref_slice %arg8[%rem3A_101, %parallel_loop3A_378, %parallel_loop3A_379] : memref<4x128x128xf32, #tpu.memory_space<vmem>> -> memref<1x128x128xf32, #tpu.memory_space<vmem>>
          %parallel_loop3A_381 = tpu.memref_squeeze %parallel_loop3A_380 : memref<1x128x128xf32, #tpu.memory_space<vmem>> -> memref<128x128xf32, #tpu.memory_space<vmem>>
          %parallel_loop3A_382 = tpu.vector_load_idx %parallel_loop3A_381[%broadcast_in_dim3A_129, %parallel_loop3A_377] : memref<128x128xf32, #tpu.memory_space<vmem>>[vector<16xi32>, vector<16xi32>], vector<16xf32>,
          %parallel_loop3A_383 = arith.addf %parallel_loop3A_382, %parallel_loop3A_310 : vector<16xf32>
          %parallel_loop3A_384 = arith.constant 0 : i32
          %parallel_loop3A_385 = arith.constant 0 : i32
          %parallel_loop3A_386 = tpu.memref_slice %arg9[%rem3A_101, %parallel_loop3A_384, %parallel_loop3A_385] : memref<4x64x128xf32, #tpu.memory_space<vmem>> -> memref<1x64x128xf32, #tpu.memory_space<vmem>>
          %parallel_loop3A_387 = tpu.memref_squeeze %parallel_loop3A_386 : memref<1x64x128xf32, #tpu.memory_space<vmem>> -> memref<64x128xf32, #tpu.memory_space<vmem>>
          tpu.vector_store_idx %parallel_loop3A_387[%parallel_loop3A_306, %add3A_277], %parallel_loop3A_383 : memref<64x128xf32, #tpu.memory_space<vmem>>[vector<16xi32>, vector<16xi32>], vector<16xf32>,
          %parallel_loop3A_388 = arith.addi %add3A_256, %parallel_loop3A_306 : vector<16xi32>
          %parallel_loop3A_389 = arith.constant 0 : i32
          %parallel_loop3A_390 = arith.constant 0 : i32
          %parallel_loop3A_391 = tpu.memref_slice %arg8[%rem3A_101, %parallel_loop3A_389, %parallel_loop3A_390] : memref<4x128x128xf32, #tpu.memory_space<vmem>> -> memref<1x128x128xf32, #tpu.memory_space<vmem>>
          %parallel_loop3A_392 = tpu.memref_squeeze %parallel_loop3A_391 : memref<1x128x128xf32, #tpu.memory_space<vmem>> -> memref<128x128xf32, #tpu.memory_space<vmem>>
          %parallel_loop3A_393 = tpu.vector_load_idx %parallel_loop3A_392[%broadcast_in_dim3A_129, %parallel_loop3A_388] : memref<128x128xf32, #tpu.memory_space<vmem>>[vector<16xi32>, vector<16xi32>], vector<16xf32>,
          %parallel_loop3A_394 = arith.addf %parallel_loop3A_393, %parallel_loop3A_310 : vector<16xf32>
          %parallel_loop3A_395 = arith.constant 0 : i32
          %parallel_loop3A_396 = arith.constant 0 : i32
          %parallel_loop3A_397 = tpu.memref_slice %arg9[%rem3A_101, %parallel_loop3A_395, %parallel_loop3A_396] : memref<4x64x128xf32, #tpu.memory_space<vmem>> -> memref<1x64x128xf32, #tpu.memory_space<vmem>>
          %parallel_loop3A_398 = tpu.memref_squeeze %parallel_loop3A_397 : memref<1x64x128xf32, #tpu.memory_space<vmem>> -> memref<64x128xf32, #tpu.memory_space<vmem>>
          tpu.vector_store_idx %parallel_loop3A_398[%parallel_loop3A_306, %add3A_280], %parallel_loop3A_394 : memref<64x128xf32, #tpu.memory_space<vmem>>[vector<16xi32>, vector<16xi32>], vector<16xf32>,
          %parallel_loop3A_399 = arith.constant 16 : i32
          %parallel_loop3A_400 = vector.broadcast %parallel_loop3A_399 : i32 to vector<16xi32>
          %parallel_loop3A_401 = arith.addi %parallel_loop3A_303, %parallel_loop3A_400 : vector<16xi32>
          %parallel_loop3A_402 = arith.constant 0 : i32
          %parallel_loop3A_403 = tpu.memref_slice %arg10[%rem3A_101, %parallel_loop3A_402] : memref<4x128xf32, #tpu.memory_space<vmem>> -> memref<1x128xf32, #tpu.memory_space<vmem>>
          %parallel_loop3A_404 = tpu.memref_squeeze %parallel_loop3A_403 : memref<1x128xf32, #tpu.memory_space<vmem>> -> memref<128xf32, #tpu.memory_space<vmem>>
          %parallel_loop3A_405 = tpu.vector_load_idx %parallel_loop3A_404[%parallel_loop3A_401] : memref<128xf32, #tpu.memory_space<vmem>>[vector<16xi32>], vector<16xf32>,
          %parallel_loop3A_406 = arith.addi %add3A_144, %parallel_loop3A_401 : vector<16xi32>
          %parallel_loop3A_407 = arith.constant 0 : i32
          %parallel_loop3A_408 = arith.constant 0 : i32
          %parallel_loop3A_409 = tpu.memref_slice %arg8[%rem3A_101, %parallel_loop3A_407, %parallel_loop3A_408] : memref<4x128x128xf32, #tpu.memory_space<vmem>> -> memref<1x128x128xf32, #tpu.memory_space<vmem>>
          %parallel_loop3A_410 = tpu.memref_squeeze %parallel_loop3A_409 : memref<1x128x128xf32, #tpu.memory_space<vmem>> -> memref<128x128xf32, #tpu.memory_space<vmem>>
          %parallel_loop3A_411 = tpu.vector_load_idx %parallel_loop3A_410[%broadcast_in_dim3A_129, %parallel_loop3A_406] : memref<128x128xf32, #tpu.memory_space<vmem>>[vector<16xi32>, vector<16xi32>], vector<16xf32>,
          %parallel_loop3A_412 = arith.addf %parallel_loop3A_411, %parallel_loop3A_405 : vector<16xf32>
          %parallel_loop3A_413 = arith.constant 0 : i32
          %parallel_loop3A_414 = arith.constant 0 : i32
          %parallel_loop3A_415 = tpu.memref_slice %arg9[%rem3A_101, %parallel_loop3A_413, %parallel_loop3A_414] : memref<4x64x128xf32, #tpu.memory_space<vmem>> -> memref<1x64x128xf32, #tpu.memory_space<vmem>>
          %parallel_loop3A_416 = tpu.memref_squeeze %parallel_loop3A_415 : memref<1x64x128xf32, #tpu.memory_space<vmem>> -> memref<64x128xf32, #tpu.memory_space<vmem>>
          tpu.vector_store_idx %parallel_loop3A_416[%parallel_loop3A_401, %add3A_259], %parallel_loop3A_412 : memref<64x128xf32, #tpu.memory_space<vmem>>[vector<16xi32>, vector<16xi32>], vector<16xf32>,
          %parallel_loop3A_417 = arith.addi %add3A_160, %parallel_loop3A_401 : vector<16xi32>
          %parallel_loop3A_418 = arith.constant 0 : i32
          %parallel_loop3A_419 = arith.constant 0 : i32
          %parallel_loop3A_420 = tpu.memref_slice %arg8[%rem3A_101, %parallel_loop3A_418, %parallel_loop3A_419] : memref<4x128x128xf32, #tpu.memory_space<vmem>> -> memref<1x128x128xf32, #tpu.memory_space<vmem>>
          %parallel_loop3A_421 = tpu.memref_squeeze %parallel_loop3A_420 : memref<1x128x128xf32, #tpu.memory_space<vmem>> -> memref<128x128xf32, #tpu.memory_space<vmem>>
          %parallel_loop3A_422 = tpu.vector_load_idx %parallel_loop3A_421[%broadcast_in_dim3A_129, %parallel_loop3A_417] : memref<128x128xf32, #tpu.memory_space<vmem>>[vector<16xi32>, vector<16xi32>], vector<16xf32>,
          %parallel_loop3A_423 = arith.addf %parallel_loop3A_422, %parallel_loop3A_405 : vector<16xf32>
          %parallel_loop3A_424 = arith.constant 0 : i32
          %parallel_loop3A_425 = arith.constant 0 : i32
          %parallel_loop3A_426 = tpu.memref_slice %arg9[%rem3A_101, %parallel_loop3A_424, %parallel_loop3A_425] : memref<4x64x128xf32, #tpu.memory_space<vmem>> -> memref<1x64x128xf32, #tpu.memory_space<vmem>>
          %parallel_loop3A_427 = tpu.memref_squeeze %parallel_loop3A_426 : memref<1x64x128xf32, #tpu.memory_space<vmem>> -> memref<64x128xf32, #tpu.memory_space<vmem>>
          tpu.vector_store_idx %parallel_loop3A_427[%parallel_loop3A_401, %add3A_262], %parallel_loop3A_423 : memref<64x128xf32, #tpu.memory_space<vmem>>[vector<16xi32>, vector<16xi32>], vector<16xf32>,
          %parallel_loop3A_428 = arith.addi %add3A_176, %parallel_loop3A_401 : vector<16xi32>
          %parallel_loop3A_429 = arith.constant 0 : i32
          %parallel_loop3A_430 = arith.constant 0 : i32
          %parallel_loop3A_431 = tpu.memref_slice %arg8[%rem3A_101, %parallel_loop3A_429, %parallel_loop3A_430] : memref<4x128x128xf32, #tpu.memory_space<vmem>> -> memref<1x128x128xf32, #tpu.memory_space<vmem>>
          %parallel_loop3A_432 = tpu.memref_squeeze %parallel_loop3A_431 : memref<1x128x128xf32, #tpu.memory_space<vmem>> -> memref<128x128xf32, #tpu.memory_space<vmem>>
          %parallel_loop3A_433 = tpu.vector_load_idx %parallel_loop3A_432[%broadcast_in_dim3A_129, %parallel_loop3A_428] : memref<128x128xf32, #tpu.memory_space<vmem>>[vector<16xi32>, vector<16xi32>], vector<16xf32>,
          %parallel_loop3A_434 = arith.addf %parallel_loop3A_433, %parallel_loop3A_405 : vector<16xf32>
          %parallel_loop3A_435 = arith.constant 0 : i32
          %parallel_loop3A_436 = arith.constant 0 : i32
          %parallel_loop3A_437 = tpu.memref_slice %arg9[%rem3A_101, %parallel_loop3A_435, %parallel_loop3A_436] : memref<4x64x128xf32, #tpu.memory_space<vmem>> -> memref<1x64x128xf32, #tpu.memory_space<vmem>>
          %parallel_loop3A_438 = tpu.memref_squeeze %parallel_loop3A_437 : memref<1x64x128xf32, #tpu.memory_space<vmem>> -> memref<64x128xf32, #tpu.memory_space<vmem>>
          tpu.vector_store_idx %parallel_loop3A_438[%parallel_loop3A_401, %add3A_265], %parallel_loop3A_434 : memref<64x128xf32, #tpu.memory_space<vmem>>[vector<16xi32>, vector<16xi32>], vector<16xf32>,
          %parallel_loop3A_439 = arith.addi %add3A_192, %parallel_loop3A_401 : vector<16xi32>
          %parallel_loop3A_440 = arith.constant 0 : i32
          %parallel_loop3A_441 = arith.constant 0 : i32
          %parallel_loop3A_442 = tpu.memref_slice %arg8[%rem3A_101, %parallel_loop3A_440, %parallel_loop3A_441] : memref<4x128x128xf32, #tpu.memory_space<vmem>> -> memref<1x128x128xf32, #tpu.memory_space<vmem>>
          %parallel_loop3A_443 = tpu.memref_squeeze %parallel_loop3A_442 : memref<1x128x128xf32, #tpu.memory_space<vmem>> -> memref<128x128xf32, #tpu.memory_space<vmem>>
          %parallel_loop3A_444 = tpu.vector_load_idx %parallel_loop3A_443[%broadcast_in_dim3A_129, %parallel_loop3A_439] : memref<128x128xf32, #tpu.memory_space<vmem>>[vector<16xi32>, vector<16xi32>], vector<16xf32>,
          %parallel_loop3A_445 = arith.addf %parallel_loop3A_444, %parallel_loop3A_405 : vector<16xf32>
          %parallel_loop3A_446 = arith.constant 0 : i32
          %parallel_loop3A_447 = arith.constant 0 : i32
          %parallel_loop3A_448 = tpu.memref_slice %arg9[%rem3A_101, %parallel_loop3A_446, %parallel_loop3A_447] : memref<4x64x128xf32, #tpu.memory_space<vmem>> -> memref<1x64x128xf32, #tpu.memory_space<vmem>>
          %parallel_loop3A_449 = tpu.memref_squeeze %parallel_loop3A_448 : memref<1x64x128xf32, #tpu.memory_space<vmem>> -> memref<64x128xf32, #tpu.memory_space<vmem>>
          tpu.vector_store_idx %parallel_loop3A_449[%parallel_loop3A_401, %add3A_268], %parallel_loop3A_445 : memref<64x128xf32, #tpu.memory_space<vmem>>[vector<16xi32>, vector<16xi32>], vector<16xf32>,
          %parallel_loop3A_450 = arith.addi %add3A_208, %parallel_loop3A_401 : vector<16xi32>
          %parallel_loop3A_451 = arith.constant 0 : i32
          %parallel_loop3A_452 = arith.constant 0 : i32
          %parallel_loop3A_453 = tpu.memref_slice %arg8[%rem3A_101, %parallel_loop3A_451, %parallel_loop3A_452] : memref<4x128x128xf32, #tpu.memory_space<vmem>> -> memref<1x128x128xf32, #tpu.memory_space<vmem>>
          %parallel_loop3A_454 = tpu.memref_squeeze %parallel_loop3A_453 : memref<1x128x128xf32, #tpu.memory_space<vmem>> -> memref<128x128xf32, #tpu.memory_space<vmem>>
          %parallel_loop3A_455 = tpu.vector_load_idx %parallel_loop3A_454[%broadcast_in_dim3A_129, %parallel_loop3A_450] : memref<128x128xf32, #tpu.memory_space<vmem>>[vector<16xi32>, vector<16xi32>], vector<16xf32>,
          %parallel_loop3A_456 = arith.addf %parallel_loop3A_455, %parallel_loop3A_405 : vector<16xf32>
          %parallel_loop3A_457 = arith.constant 0 : i32
          %parallel_loop3A_458 = arith.constant 0 : i32
          %parallel_loop3A_459 = tpu.memref_slice %arg9[%rem3A_101, %parallel_loop3A_457, %parallel_loop3A_458] : memref<4x64x128xf32, #tpu.memory_space<vmem>> -> memref<1x64x128xf32, #tpu.memory_space<vmem>>
          %parallel_loop3A_460 = tpu.memref_squeeze %parallel_loop3A_459 : memref<1x64x128xf32, #tpu.memory_space<vmem>> -> memref<64x128xf32, #tpu.memory_space<vmem>>
          tpu.vector_store_idx %parallel_loop3A_460[%parallel_loop3A_401, %add3A_271], %parallel_loop3A_456 : memref<64x128xf32, #tpu.memory_space<vmem>>[vector<16xi32>, vector<16xi32>], vector<16xf32>,
          %parallel_loop3A_461 = arith.addi %add3A_224, %parallel_loop3A_401 : vector<16xi32>
          %parallel_loop3A_462 = arith.constant 0 : i32
          %parallel_loop3A_463 = arith.constant 0 : i32
          %parallel_loop3A_464 = tpu.memref_slice %arg8[%rem3A_101, %parallel_loop3A_462, %parallel_loop3A_463] : memref<4x128x128xf32, #tpu.memory_space<vmem>> -> memref<1x128x128xf32, #tpu.memory_space<vmem>>
          %parallel_loop3A_465 = tpu.memref_squeeze %parallel_loop3A_464 : memref<1x128x128xf32, #tpu.memory_space<vmem>> -> memref<128x128xf32, #tpu.memory_space<vmem>>
          %parallel_loop3A_466 = tpu.vector_load_idx %parallel_loop3A_465[%broadcast_in_dim3A_129, %parallel_loop3A_461] : memref<128x128xf32, #tpu.memory_space<vmem>>[vector<16xi32>, vector<16xi32>], vector<16xf32>,
          %parallel_loop3A_467 = arith.addf %parallel_loop3A_466, %parallel_loop3A_405 : vector<16xf32>
          %parallel_loop3A_468 = arith.constant 0 : i32
          %parallel_loop3A_469 = arith.constant 0 : i32
          %parallel_loop3A_470 = tpu.memref_slice %arg9[%rem3A_101, %parallel_loop3A_468, %parallel_loop3A_469] : memref<4x64x128xf32, #tpu.memory_space<vmem>> -> memref<1x64x128xf32, #tpu.memory_space<vmem>>
          %parallel_loop3A_471 = tpu.memref_squeeze %parallel_loop3A_470 : memref<1x64x128xf32, #tpu.memory_space<vmem>> -> memref<64x128xf32, #tpu.memory_space<vmem>>
          tpu.vector_store_idx %parallel_loop3A_471[%parallel_loop3A_401, %add3A_274], %parallel_loop3A_467 : memref<64x128xf32, #tpu.memory_space<vmem>>[vector<16xi32>, vector<16xi32>], vector<16xf32>,
          %parallel_loop3A_472 = arith.addi %add3A_240, %parallel_loop3A_401 : vector<16xi32>
          %parallel_loop3A_473 = arith.constant 0 : i32
          %parallel_loop3A_474 = arith.constant 0 : i32
          %parallel_loop3A_475 = tpu.memref_slice %arg8[%rem3A_101, %parallel_loop3A_473, %parallel_loop3A_474] : memref<4x128x128xf32, #tpu.memory_space<vmem>> -> memref<1x128x128xf32, #tpu.memory_space<vmem>>
          %parallel_loop3A_476 = tpu.memref_squeeze %parallel_loop3A_475 : memref<1x128x128xf32, #tpu.memory_space<vmem>> -> memref<128x128xf32, #tpu.memory_space<vmem>>
          %parallel_loop3A_477 = tpu.vector_load_idx %parallel_loop3A_476[%broadcast_in_dim3A_129, %parallel_loop3A_472] : memref<128x128xf32, #tpu.memory_space<vmem>>[vector<16xi32>, vector<16xi32>], vector<16xf32>,
          %parallel_loop3A_478 = arith.addf %parallel_loop3A_477, %parallel_loop3A_405 : vector<16xf32>
          %parallel_loop3A_479 = arith.constant 0 : i32
          %parallel_loop3A_480 = arith.constant 0 : i32
          %parallel_loop3A_481 = tpu.memref_slice %arg9[%rem3A_101, %parallel_loop3A_479, %parallel_loop3A_480] : memref<4x64x128xf32, #tpu.memory_space<vmem>> -> memref<1x64x128xf32, #tpu.memory_space<vmem>>
          %parallel_loop3A_482 = tpu.memref_squeeze %parallel_loop3A_481 : memref<1x64x128xf32, #tpu.memory_space<vmem>> -> memref<64x128xf32, #tpu.memory_space<vmem>>
          tpu.vector_store_idx %parallel_loop3A_482[%parallel_loop3A_401, %add3A_277], %parallel_loop3A_478 : memref<64x128xf32, #tpu.memory_space<vmem>>[vector<16xi32>, vector<16xi32>], vector<16xf32>,
          %parallel_loop3A_483 = arith.addi %add3A_256, %parallel_loop3A_401 : vector<16xi32>
          %parallel_loop3A_484 = arith.constant 0 : i32
          %parallel_loop3A_485 = arith.constant 0 : i32
          %parallel_loop3A_486 = tpu.memref_slice %arg8[%rem3A_101, %parallel_loop3A_484, %parallel_loop3A_485] : memref<4x128x128xf32, #tpu.memory_space<vmem>> -> memref<1x128x128xf32, #tpu.memory_space<vmem>>
          %parallel_loop3A_487 = tpu.memref_squeeze %parallel_loop3A_486 : memref<1x128x128xf32, #tpu.memory_space<vmem>> -> memref<128x128xf32, #tpu.memory_space<vmem>>
          %parallel_loop3A_488 = tpu.vector_load_idx %parallel_loop3A_487[%broadcast_in_dim3A_129, %parallel_loop3A_483] : memref<128x128xf32, #tpu.memory_space<vmem>>[vector<16xi32>, vector<16xi32>], vector<16xf32>,
          %parallel_loop3A_489 = arith.addf %parallel_loop3A_488, %parallel_loop3A_405 : vector<16xf32>
          %parallel_loop3A_490 = arith.constant 0 : i32
          %parallel_loop3A_491 = arith.constant 0 : i32
          %parallel_loop3A_492 = tpu.memref_slice %arg9[%rem3A_101, %parallel_loop3A_490, %parallel_loop3A_491] : memref<4x64x128xf32, #tpu.memory_space<vmem>> -> memref<1x64x128xf32, #tpu.memory_space<vmem>>
          %parallel_loop3A_493 = tpu.memref_squeeze %parallel_loop3A_492 : memref<1x64x128xf32, #tpu.memory_space<vmem>> -> memref<64x128xf32, #tpu.memory_space<vmem>>
          tpu.vector_store_idx %parallel_loop3A_493[%parallel_loop3A_401, %add3A_280], %parallel_loop3A_489 : memref<64x128xf32, #tpu.memory_space<vmem>>[vector<16xi32>, vector<16xi32>], vector<16xf32>,
          %parallel_loop3A_494 = arith.constant 32 : i32
          %parallel_loop3A_495 = vector.broadcast %parallel_loop3A_494 : i32 to vector<16xi32>
          %parallel_loop3A_496 = arith.addi %parallel_loop3A_303, %parallel_loop3A_495 : vector<16xi32>
          %parallel_loop3A_497 = arith.constant 0 : i32
          %parallel_loop3A_498 = tpu.memref_slice %arg10[%rem3A_101, %parallel_loop3A_497] : memref<4x128xf32, #tpu.memory_space<vmem>> -> memref<1x128xf32, #tpu.memory_space<vmem>>
          %parallel_loop3A_499 = tpu.memref_squeeze %parallel_loop3A_498 : memref<1x128xf32, #tpu.memory_space<vmem>> -> memref<128xf32, #tpu.memory_space<vmem>>
          %parallel_loop3A_500 = tpu.vector_load_idx %parallel_loop3A_499[%parallel_loop3A_496] : memref<128xf32, #tpu.memory_space<vmem>>[vector<16xi32>], vector<16xf32>,
          %parallel_loop3A_501 = arith.addi %add3A_144, %parallel_loop3A_496 : vector<16xi32>
          %parallel_loop3A_502 = arith.constant 0 : i32
          %parallel_loop3A_503 = arith.constant 0 : i32
          %parallel_loop3A_504 = tpu.memref_slice %arg8[%rem3A_101, %parallel_loop3A_502, %parallel_loop3A_503] : memref<4x128x128xf32, #tpu.memory_space<vmem>> -> memref<1x128x128xf32, #tpu.memory_space<vmem>>
          %parallel_loop3A_505 = tpu.memref_squeeze %parallel_loop3A_504 : memref<1x128x128xf32, #tpu.memory_space<vmem>> -> memref<128x128xf32, #tpu.memory_space<vmem>>
          %parallel_loop3A_506 = tpu.vector_load_idx %parallel_loop3A_505[%broadcast_in_dim3A_129, %parallel_loop3A_501] : memref<128x128xf32, #tpu.memory_space<vmem>>[vector<16xi32>, vector<16xi32>], vector<16xf32>,
          %parallel_loop3A_507 = arith.addf %parallel_loop3A_506, %parallel_loop3A_500 : vector<16xf32>
          %parallel_loop3A_508 = arith.constant 0 : i32
          %parallel_loop3A_509 = arith.constant 0 : i32
          %parallel_loop3A_510 = tpu.memref_slice %arg9[%rem3A_101, %parallel_loop3A_508, %parallel_loop3A_509] : memref<4x64x128xf32, #tpu.memory_space<vmem>> -> memref<1x64x128xf32, #tpu.memory_space<vmem>>
          %parallel_loop3A_511 = tpu.memref_squeeze %parallel_loop3A_510 : memref<1x64x128xf32, #tpu.memory_space<vmem>> -> memref<64x128xf32, #tpu.memory_space<vmem>>
          tpu.vector_store_idx %parallel_loop3A_511[%parallel_loop3A_496, %add3A_259], %parallel_loop3A_507 : memref<64x128xf32, #tpu.memory_space<vmem>>[vector<16xi32>, vector<16xi32>], vector<16xf32>,
          %parallel_loop3A_512 = arith.addi %add3A_160, %parallel_loop3A_496 : vector<16xi32>
          %parallel_loop3A_513 = arith.constant 0 : i32
          %parallel_loop3A_514 = arith.constant 0 : i32
          %parallel_loop3A_515 = tpu.memref_slice %arg8[%rem3A_101, %parallel_loop3A_513, %parallel_loop3A_514] : memref<4x128x128xf32, #tpu.memory_space<vmem>> -> memref<1x128x128xf32, #tpu.memory_space<vmem>>
          %parallel_loop3A_516 = tpu.memref_squeeze %parallel_loop3A_515 : memref<1x128x128xf32, #tpu.memory_space<vmem>> -> memref<128x128xf32, #tpu.memory_space<vmem>>
          %parallel_loop3A_517 = tpu.vector_load_idx %parallel_loop3A_516[%broadcast_in_dim3A_129, %parallel_loop3A_512] : memref<128x128xf32, #tpu.memory_space<vmem>>[vector<16xi32>, vector<16xi32>], vector<16xf32>,
          %parallel_loop3A_518 = arith.addf %parallel_loop3A_517, %parallel_loop3A_500 : vector<16xf32>
          %parallel_loop3A_519 = arith.constant 0 : i32
          %parallel_loop3A_520 = arith.constant 0 : i32
          %parallel_loop3A_521 = tpu.memref_slice %arg9[%rem3A_101, %parallel_loop3A_519, %parallel_loop3A_520] : memref<4x64x128xf32, #tpu.memory_space<vmem>> -> memref<1x64x128xf32, #tpu.memory_space<vmem>>
          %parallel_loop3A_522 = tpu.memref_squeeze %parallel_loop3A_521 : memref<1x64x128xf32, #tpu.memory_space<vmem>> -> memref<64x128xf32, #tpu.memory_space<vmem>>
          tpu.vector_store_idx %parallel_loop3A_522[%parallel_loop3A_496, %add3A_262], %parallel_loop3A_518 : memref<64x128xf32, #tpu.memory_space<vmem>>[vector<16xi32>, vector<16xi32>], vector<16xf32>,
          %parallel_loop3A_523 = arith.addi %add3A_176, %parallel_loop3A_496 : vector<16xi32>
          %parallel_loop3A_524 = arith.constant 0 : i32
          %parallel_loop3A_525 = arith.constant 0 : i32
          %parallel_loop3A_526 = tpu.memref_slice %arg8[%rem3A_101, %parallel_loop3A_524, %parallel_loop3A_525] : memref<4x128x128xf32, #tpu.memory_space<vmem>> -> memref<1x128x128xf32, #tpu.memory_space<vmem>>
          %parallel_loop3A_527 = tpu.memref_squeeze %parallel_loop3A_526 : memref<1x128x128xf32, #tpu.memory_space<vmem>> -> memref<128x128xf32, #tpu.memory_space<vmem>>
          %parallel_loop3A_528 = tpu.vector_load_idx %parallel_loop3A_527[%broadcast_in_dim3A_129, %parallel_loop3A_523] : memref<128x128xf32, #tpu.memory_space<vmem>>[vector<16xi32>, vector<16xi32>], vector<16xf32>,
          %parallel_loop3A_529 = arith.addf %parallel_loop3A_528, %parallel_loop3A_500 : vector<16xf32>
          %parallel_loop3A_530 = arith.constant 0 : i32
          %parallel_loop3A_531 = arith.constant 0 : i32
          %parallel_loop3A_532 = tpu.memref_slice %arg9[%rem3A_101, %parallel_loop3A_530, %parallel_loop3A_531] : memref<4x64x128xf32, #tpu.memory_space<vmem>> -> memref<1x64x128xf32, #tpu.memory_space<vmem>>
          %parallel_loop3A_533 = tpu.memref_squeeze %parallel_loop3A_532 : memref<1x64x128xf32, #tpu.memory_space<vmem>> -> memref<64x128xf32, #tpu.memory_space<vmem>>
          tpu.vector_store_idx %parallel_loop3A_533[%parallel_loop3A_496, %add3A_265], %parallel_loop3A_529 : memref<64x128xf32, #tpu.memory_space<vmem>>[vector<16xi32>, vector<16xi32>], vector<16xf32>,
          %parallel_loop3A_534 = arith.addi %add3A_192, %parallel_loop3A_496 : vector<16xi32>
          %parallel_loop3A_535 = arith.constant 0 : i32
          %parallel_loop3A_536 = arith.constant 0 : i32
          %parallel_loop3A_537 = tpu.memref_slice %arg8[%rem3A_101, %parallel_loop3A_535, %parallel_loop3A_536] : memref<4x128x128xf32, #tpu.memory_space<vmem>> -> memref<1x128x128xf32, #tpu.memory_space<vmem>>
          %parallel_loop3A_538 = tpu.memref_squeeze %parallel_loop3A_537 : memref<1x128x128xf32, #tpu.memory_space<vmem>> -> memref<128x128xf32, #tpu.memory_space<vmem>>
          %parallel_loop3A_539 = tpu.vector_load_idx %parallel_loop3A_538[%broadcast_in_dim3A_129, %parallel_loop3A_534] : memref<128x128xf32, #tpu.memory_space<vmem>>[vector<16xi32>, vector<16xi32>], vector<16xf32>,
          %parallel_loop3A_540 = arith.addf %parallel_loop3A_539, %parallel_loop3A_500 : vector<16xf32>
          %parallel_loop3A_541 = arith.constant 0 : i32
          %parallel_loop3A_542 = arith.constant 0 : i32
          %parallel_loop3A_543 = tpu.memref_slice %arg9[%rem3A_101, %parallel_loop3A_541, %parallel_loop3A_542] : memref<4x64x128xf32, #tpu.memory_space<vmem>> -> memref<1x64x128xf32, #tpu.memory_space<vmem>>
          %parallel_loop3A_544 = tpu.memref_squeeze %parallel_loop3A_543 : memref<1x64x128xf32, #tpu.memory_space<vmem>> -> memref<64x128xf32, #tpu.memory_space<vmem>>
          tpu.vector_store_idx %parallel_loop3A_544[%parallel_loop3A_496, %add3A_268], %parallel_loop3A_540 : memref<64x128xf32, #tpu.memory_space<vmem>>[vector<16xi32>, vector<16xi32>], vector<16xf32>,
          %parallel_loop3A_545 = arith.addi %add3A_208, %parallel_loop3A_496 : vector<16xi32>
          %parallel_loop3A_546 = arith.constant 0 : i32
          %parallel_loop3A_547 = arith.constant 0 : i32
          %parallel_loop3A_548 = tpu.memref_slice %arg8[%rem3A_101, %parallel_loop3A_546, %parallel_loop3A_547] : memref<4x128x128xf32, #tpu.memory_space<vmem>> -> memref<1x128x128xf32, #tpu.memory_space<vmem>>
          %parallel_loop3A_549 = tpu.memref_squeeze %parallel_loop3A_548 : memref<1x128x128xf32, #tpu.memory_space<vmem>> -> memref<128x128xf32, #tpu.memory_space<vmem>>
          %parallel_loop3A_550 = tpu.vector_load_idx %parallel_loop3A_549[%broadcast_in_dim3A_129, %parallel_loop3A_545] : memref<128x128xf32, #tpu.memory_space<vmem>>[vector<16xi32>, vector<16xi32>], vector<16xf32>,
          %parallel_loop3A_551 = arith.addf %parallel_loop3A_550, %parallel_loop3A_500 : vector<16xf32>
          %parallel_loop3A_552 = arith.constant 0 : i32
          %parallel_loop3A_553 = arith.constant 0 : i32
          %parallel_loop3A_554 = tpu.memref_slice %arg9[%rem3A_101, %parallel_loop3A_552, %parallel_loop3A_553] : memref<4x64x128xf32, #tpu.memory_space<vmem>> -> memref<1x64x128xf32, #tpu.memory_space<vmem>>
          %parallel_loop3A_555 = tpu.memref_squeeze %parallel_loop3A_554 : memref<1x64x128xf32, #tpu.memory_space<vmem>> -> memref<64x128xf32, #tpu.memory_space<vmem>>
          tpu.vector_store_idx %parallel_loop3A_555[%parallel_loop3A_496, %add3A_271], %parallel_loop3A_551 : memref<64x128xf32, #tpu.memory_space<vmem>>[vector<16xi32>, vector<16xi32>], vector<16xf32>,
          %parallel_loop3A_556 = arith.addi %add3A_224, %parallel_loop3A_496 : vector<16xi32>
          %parallel_loop3A_557 = arith.constant 0 : i32
          %parallel_loop3A_558 = arith.constant 0 : i32
          %parallel_loop3A_559 = tpu.memref_slice %arg8[%rem3A_101, %parallel_loop3A_557, %parallel_loop3A_558] : memref<4x128x128xf32, #tpu.memory_space<vmem>> -> memref<1x128x128xf32, #tpu.memory_space<vmem>>
          %parallel_loop3A_560 = tpu.memref_squeeze %parallel_loop3A_559 : memref<1x128x128xf32, #tpu.memory_space<vmem>> -> memref<128x128xf32, #tpu.memory_space<vmem>>
          %parallel_loop3A_561 = tpu.vector_load_idx %parallel_loop3A_560[%broadcast_in_dim3A_129, %parallel_loop3A_556] : memref<128x128xf32, #tpu.memory_space<vmem>>[vector<16xi32>, vector<16xi32>], vector<16xf32>,
          %parallel_loop3A_562 = arith.addf %parallel_loop3A_561, %parallel_loop3A_500 : vector<16xf32>
          %parallel_loop3A_563 = arith.constant 0 : i32
          %parallel_loop3A_564 = arith.constant 0 : i32
          %parallel_loop3A_565 = tpu.memref_slice %arg9[%rem3A_101, %parallel_loop3A_563, %parallel_loop3A_564] : memref<4x64x128xf32, #tpu.memory_space<vmem>> -> memref<1x64x128xf32, #tpu.memory_space<vmem>>
          %parallel_loop3A_566 = tpu.memref_squeeze %parallel_loop3A_565 : memref<1x64x128xf32, #tpu.memory_space<vmem>> -> memref<64x128xf32, #tpu.memory_space<vmem>>
          tpu.vector_store_idx %parallel_loop3A_566[%parallel_loop3A_496, %add3A_274], %parallel_loop3A_562 : memref<64x128xf32, #tpu.memory_space<vmem>>[vector<16xi32>, vector<16xi32>], vector<16xf32>,
          %parallel_loop3A_567 = arith.addi %add3A_240, %parallel_loop3A_496 : vector<16xi32>
          %parallel_loop3A_568 = arith.constant 0 : i32
          %parallel_loop3A_569 = arith.constant 0 : i32
          %parallel_loop3A_570 = tpu.memref_slice %arg8[%rem3A_101, %parallel_loop3A_568, %parallel_loop3A_569] : memref<4x128x128xf32, #tpu.memory_space<vmem>> -> memref<1x128x128xf32, #tpu.memory_space<vmem>>
          %parallel_loop3A_571 = tpu.memref_squeeze %parallel_loop3A_570 : memref<1x128x128xf32, #tpu.memory_space<vmem>> -> memref<128x128xf32, #tpu.memory_space<vmem>>
          %parallel_loop3A_572 = tpu.vector_load_idx %parallel_loop3A_571[%broadcast_in_dim3A_129, %parallel_loop3A_567] : memref<128x128xf32, #tpu.memory_space<vmem>>[vector<16xi32>, vector<16xi32>], vector<16xf32>,
          %parallel_loop3A_573 = arith.addf %parallel_loop3A_572, %parallel_loop3A_500 : vector<16xf32>
          %parallel_loop3A_574 = arith.constant 0 : i32
          %parallel_loop3A_575 = arith.constant 0 : i32
          %parallel_loop3A_576 = tpu.memref_slice %arg9[%rem3A_101, %parallel_loop3A_574, %parallel_loop3A_575] : memref<4x64x128xf32, #tpu.memory_space<vmem>> -> memref<1x64x128xf32, #tpu.memory_space<vmem>>
          %parallel_loop3A_577 = tpu.memref_squeeze %parallel_loop3A_576 : memref<1x64x128xf32, #tpu.memory_space<vmem>> -> memref<64x128xf32, #tpu.memory_space<vmem>>
          tpu.vector_store_idx %parallel_loop3A_577[%parallel_loop3A_496, %add3A_277], %parallel_loop3A_573 : memref<64x128xf32, #tpu.memory_space<vmem>>[vector<16xi32>, vector<16xi32>], vector<16xf32>,
          %parallel_loop3A_578 = arith.addi %add3A_256, %parallel_loop3A_496 : vector<16xi32>
          %parallel_loop3A_579 = arith.constant 0 : i32
          %parallel_loop3A_580 = arith.constant 0 : i32
          %parallel_loop3A_581 = tpu.memref_slice %arg8[%rem3A_101, %parallel_loop3A_579, %parallel_loop3A_580] : memref<4x128x128xf32, #tpu.memory_space<vmem>> -> memref<1x128x128xf32, #tpu.memory_space<vmem>>
          %parallel_loop3A_582 = tpu.memref_squeeze %parallel_loop3A_581 : memref<1x128x128xf32, #tpu.memory_space<vmem>> -> memref<128x128xf32, #tpu.memory_space<vmem>>
          %parallel_loop3A_583 = tpu.vector_load_idx %parallel_loop3A_582[%broadcast_in_dim3A_129, %parallel_loop3A_578] : memref<128x128xf32, #tpu.memory_space<vmem>>[vector<16xi32>, vector<16xi32>], vector<16xf32>,
          %parallel_loop3A_584 = arith.addf %parallel_loop3A_583, %parallel_loop3A_500 : vector<16xf32>
          %parallel_loop3A_585 = arith.constant 0 : i32
          %parallel_loop3A_586 = arith.constant 0 : i32
          %parallel_loop3A_587 = tpu.memref_slice %arg9[%rem3A_101, %parallel_loop3A_585, %parallel_loop3A_586] : memref<4x64x128xf32, #tpu.memory_space<vmem>> -> memref<1x64x128xf32, #tpu.memory_space<vmem>>
          %parallel_loop3A_588 = tpu.memref_squeeze %parallel_loop3A_587 : memref<1x64x128xf32, #tpu.memory_space<vmem>> -> memref<64x128xf32, #tpu.memory_space<vmem>>
          tpu.vector_store_idx %parallel_loop3A_588[%parallel_loop3A_496, %add3A_280], %parallel_loop3A_584 : memref<64x128xf32, #tpu.memory_space<vmem>>[vector<16xi32>, vector<16xi32>], vector<16xf32>,
          %parallel_loop3A_589 = arith.constant 48 : i32
          %parallel_loop3A_590 = vector.broadcast %parallel_loop3A_589 : i32 to vector<16xi32>
          %parallel_loop3A_591 = arith.addi %parallel_loop3A_303, %parallel_loop3A_590 : vector<16xi32>
          %parallel_loop3A_592 = arith.constant 0 : i32
          %parallel_loop3A_593 = tpu.memref_slice %arg10[%rem3A_101, %parallel_loop3A_592] : memref<4x128xf32, #tpu.memory_space<vmem>> -> memref<1x128xf32, #tpu.memory_space<vmem>>
          %parallel_loop3A_594 = tpu.memref_squeeze %parallel_loop3A_593 : memref<1x128xf32, #tpu.memory_space<vmem>> -> memref<128xf32, #tpu.memory_space<vmem>>
          %parallel_loop3A_595 = tpu.vector_load_idx %parallel_loop3A_594[%parallel_loop3A_591] : memref<128xf32, #tpu.memory_space<vmem>>[vector<16xi32>], vector<16xf32>,
          %parallel_loop3A_596 = arith.addi %add3A_144, %parallel_loop3A_591 : vector<16xi32>
          %parallel_loop3A_597 = arith.constant 0 : i32
          %parallel_loop3A_598 = arith.constant 0 : i32
          %parallel_loop3A_599 = tpu.memref_slice %arg8[%rem3A_101, %parallel_loop3A_597, %parallel_loop3A_598] : memref<4x128x128xf32, #tpu.memory_space<vmem>> -> memref<1x128x128xf32, #tpu.memory_space<vmem>>
          %parallel_loop3A_600 = tpu.memref_squeeze %parallel_loop3A_599 : memref<1x128x128xf32, #tpu.memory_space<vmem>> -> memref<128x128xf32, #tpu.memory_space<vmem>>
          %parallel_loop3A_601 = tpu.vector_load_idx %parallel_loop3A_600[%broadcast_in_dim3A_129, %parallel_loop3A_596] : memref<128x128xf32, #tpu.memory_space<vmem>>[vector<16xi32>, vector<16xi32>], vector<16xf32>,
          %parallel_loop3A_602 = arith.addf %parallel_loop3A_601, %parallel_loop3A_595 : vector<16xf32>
          %parallel_loop3A_603 = arith.constant 0 : i32
          %parallel_loop3A_604 = arith.constant 0 : i32
          %parallel_loop3A_605 = tpu.memref_slice %arg9[%rem3A_101, %parallel_loop3A_603, %parallel_loop3A_604] : memref<4x64x128xf32, #tpu.memory_space<vmem>> -> memref<1x64x128xf32, #tpu.memory_space<vmem>>
          %parallel_loop3A_606 = tpu.memref_squeeze %parallel_loop3A_605 : memref<1x64x128xf32, #tpu.memory_space<vmem>> -> memref<64x128xf32, #tpu.memory_space<vmem>>
          tpu.vector_store_idx %parallel_loop3A_606[%parallel_loop3A_591, %add3A_259], %parallel_loop3A_602 : memref<64x128xf32, #tpu.memory_space<vmem>>[vector<16xi32>, vector<16xi32>], vector<16xf32>,
          %parallel_loop3A_607 = arith.addi %add3A_160, %parallel_loop3A_591 : vector<16xi32>
          %parallel_loop3A_608 = arith.constant 0 : i32
          %parallel_loop3A_609 = arith.constant 0 : i32
          %parallel_loop3A_610 = tpu.memref_slice %arg8[%rem3A_101, %parallel_loop3A_608, %parallel_loop3A_609] : memref<4x128x128xf32, #tpu.memory_space<vmem>> -> memref<1x128x128xf32, #tpu.memory_space<vmem>>
          %parallel_loop3A_611 = tpu.memref_squeeze %parallel_loop3A_610 : memref<1x128x128xf32, #tpu.memory_space<vmem>> -> memref<128x128xf32, #tpu.memory_space<vmem>>
          %parallel_loop3A_612 = tpu.vector_load_idx %parallel_loop3A_611[%broadcast_in_dim3A_129, %parallel_loop3A_607] : memref<128x128xf32, #tpu.memory_space<vmem>>[vector<16xi32>, vector<16xi32>], vector<16xf32>,
          %parallel_loop3A_613 = arith.addf %parallel_loop3A_612, %parallel_loop3A_595 : vector<16xf32>
          %parallel_loop3A_614 = arith.constant 0 : i32
          %parallel_loop3A_615 = arith.constant 0 : i32
          %parallel_loop3A_616 = tpu.memref_slice %arg9[%rem3A_101, %parallel_loop3A_614, %parallel_loop3A_615] : memref<4x64x128xf32, #tpu.memory_space<vmem>> -> memref<1x64x128xf32, #tpu.memory_space<vmem>>
          %parallel_loop3A_617 = tpu.memref_squeeze %parallel_loop3A_616 : memref<1x64x128xf32, #tpu.memory_space<vmem>> -> memref<64x128xf32, #tpu.memory_space<vmem>>
          tpu.vector_store_idx %parallel_loop3A_617[%parallel_loop3A_591, %add3A_262], %parallel_loop3A_613 : memref<64x128xf32, #tpu.memory_space<vmem>>[vector<16xi32>, vector<16xi32>], vector<16xf32>,
          %parallel_loop3A_618 = arith.addi %add3A_176, %parallel_loop3A_591 : vector<16xi32>
          %parallel_loop3A_619 = arith.constant 0 : i32
          %parallel_loop3A_620 = arith.constant 0 : i32
          %parallel_loop3A_621 = tpu.memref_slice %arg8[%rem3A_101, %parallel_loop3A_619, %parallel_loop3A_620] : memref<4x128x128xf32, #tpu.memory_space<vmem>> -> memref<1x128x128xf32, #tpu.memory_space<vmem>>
          %parallel_loop3A_622 = tpu.memref_squeeze %parallel_loop3A_621 : memref<1x128x128xf32, #tpu.memory_space<vmem>> -> memref<128x128xf32, #tpu.memory_space<vmem>>
          %parallel_loop3A_623 = tpu.vector_load_idx %parallel_loop3A_622[%broadcast_in_dim3A_129, %parallel_loop3A_618] : memref<128x128xf32, #tpu.memory_space<vmem>>[vector<16xi32>, vector<16xi32>], vector<16xf32>,
          %parallel_loop3A_624 = arith.addf %parallel_loop3A_623, %parallel_loop3A_595 : vector<16xf32>
          %parallel_loop3A_625 = arith.constant 0 : i32
          %parallel_loop3A_626 = arith.constant 0 : i32
          %parallel_loop3A_627 = tpu.memref_slice %arg9[%rem3A_101, %parallel_loop3A_625, %parallel_loop3A_626] : memref<4x64x128xf32, #tpu.memory_space<vmem>> -> memref<1x64x128xf32, #tpu.memory_space<vmem>>
          %parallel_loop3A_628 = tpu.memref_squeeze %parallel_loop3A_627 : memref<1x64x128xf32, #tpu.memory_space<vmem>> -> memref<64x128xf32, #tpu.memory_space<vmem>>
          tpu.vector_store_idx %parallel_loop3A_628[%parallel_loop3A_591, %add3A_265], %parallel_loop3A_624 : memref<64x128xf32, #tpu.memory_space<vmem>>[vector<16xi32>, vector<16xi32>], vector<16xf32>,
          %parallel_loop3A_629 = arith.addi %add3A_192, %parallel_loop3A_591 : vector<16xi32>
          %parallel_loop3A_630 = arith.constant 0 : i32
          %parallel_loop3A_631 = arith.constant 0 : i32
          %parallel_loop3A_632 = tpu.memref_slice %arg8[%rem3A_101, %parallel_loop3A_630, %parallel_loop3A_631] : memref<4x128x128xf32, #tpu.memory_space<vmem>> -> memref<1x128x128xf32, #tpu.memory_space<vmem>>
          %parallel_loop3A_633 = tpu.memref_squeeze %parallel_loop3A_632 : memref<1x128x128xf32, #tpu.memory_space<vmem>> -> memref<128x128xf32, #tpu.memory_space<vmem>>
          %parallel_loop3A_634 = tpu.vector_load_idx %parallel_loop3A_633[%broadcast_in_dim3A_129, %parallel_loop3A_629] : memref<128x128xf32, #tpu.memory_space<vmem>>[vector<16xi32>, vector<16xi32>], vector<16xf32>,
          %parallel_loop3A_635 = arith.addf %parallel_loop3A_634, %parallel_loop3A_595 : vector<16xf32>
          %parallel_loop3A_636 = arith.constant 0 : i32
          %parallel_loop3A_637 = arith.constant 0 : i32
          %parallel_loop3A_638 = tpu.memref_slice %arg9[%rem3A_101, %parallel_loop3A_636, %parallel_loop3A_637] : memref<4x64x128xf32, #tpu.memory_space<vmem>> -> memref<1x64x128xf32, #tpu.memory_space<vmem>>
          %parallel_loop3A_639 = tpu.memref_squeeze %parallel_loop3A_638 : memref<1x64x128xf32, #tpu.memory_space<vmem>> -> memref<64x128xf32, #tpu.memory_space<vmem>>
          tpu.vector_store_idx %parallel_loop3A_639[%parallel_loop3A_591, %add3A_268], %parallel_loop3A_635 : memref<64x128xf32, #tpu.memory_space<vmem>>[vector<16xi32>, vector<16xi32>], vector<16xf32>,
          %parallel_loop3A_640 = arith.addi %add3A_208, %parallel_loop3A_591 : vector<16xi32>
          %parallel_loop3A_641 = arith.constant 0 : i32
          %parallel_loop3A_642 = arith.constant 0 : i32
          %parallel_loop3A_643 = tpu.memref_slice %arg8[%rem3A_101, %parallel_loop3A_641, %parallel_loop3A_642] : memref<4x128x128xf32, #tpu.memory_space<vmem>> -> memref<1x128x128xf32, #tpu.memory_space<vmem>>
          %parallel_loop3A_644 = tpu.memref_squeeze %parallel_loop3A_643 : memref<1x128x128xf32, #tpu.memory_space<vmem>> -> memref<128x128xf32, #tpu.memory_space<vmem>>
          %parallel_loop3A_645 = tpu.vector_load_idx %parallel_loop3A_644[%broadcast_in_dim3A_129, %parallel_loop3A_640] : memref<128x128xf32, #tpu.memory_space<vmem>>[vector<16xi32>, vector<16xi32>], vector<16xf32>,
          %parallel_loop3A_646 = arith.addf %parallel_loop3A_645, %parallel_loop3A_595 : vector<16xf32>
          %parallel_loop3A_647 = arith.constant 0 : i32
          %parallel_loop3A_648 = arith.constant 0 : i32
          %parallel_loop3A_649 = tpu.memref_slice %arg9[%rem3A_101, %parallel_loop3A_647, %parallel_loop3A_648] : memref<4x64x128xf32, #tpu.memory_space<vmem>> -> memref<1x64x128xf32, #tpu.memory_space<vmem>>
          %parallel_loop3A_650 = tpu.memref_squeeze %parallel_loop3A_649 : memref<1x64x128xf32, #tpu.memory_space<vmem>> -> memref<64x128xf32, #tpu.memory_space<vmem>>
          tpu.vector_store_idx %parallel_loop3A_650[%parallel_loop3A_591, %add3A_271], %parallel_loop3A_646 : memref<64x128xf32, #tpu.memory_space<vmem>>[vector<16xi32>, vector<16xi32>], vector<16xf32>,
          %parallel_loop3A_651 = arith.addi %add3A_224, %parallel_loop3A_591 : vector<16xi32>
          %parallel_loop3A_652 = arith.constant 0 : i32
          %parallel_loop3A_653 = arith.constant 0 : i32
          %parallel_loop3A_654 = tpu.memref_slice %arg8[%rem3A_101, %parallel_loop3A_652, %parallel_loop3A_653] : memref<4x128x128xf32, #tpu.memory_space<vmem>> -> memref<1x128x128xf32, #tpu.memory_space<vmem>>
          %parallel_loop3A_655 = tpu.memref_squeeze %parallel_loop3A_654 : memref<1x128x128xf32, #tpu.memory_space<vmem>> -> memref<128x128xf32, #tpu.memory_space<vmem>>
          %parallel_loop3A_656 = tpu.vector_load_idx %parallel_loop3A_655[%broadcast_in_dim3A_129, %parallel_loop3A_651] : memref<128x128xf32, #tpu.memory_space<vmem>>[vector<16xi32>, vector<16xi32>], vector<16xf32>,
          %parallel_loop3A_657 = arith.addf %parallel_loop3A_656, %parallel_loop3A_595 : vector<16xf32>
          %parallel_loop3A_658 = arith.constant 0 : i32
          %parallel_loop3A_659 = arith.constant 0 : i32
          %parallel_loop3A_660 = tpu.memref_slice %arg9[%rem3A_101, %parallel_loop3A_658, %parallel_loop3A_659] : memref<4x64x128xf32, #tpu.memory_space<vmem>> -> memref<1x64x128xf32, #tpu.memory_space<vmem>>
          %parallel_loop3A_661 = tpu.memref_squeeze %parallel_loop3A_660 : memref<1x64x128xf32, #tpu.memory_space<vmem>> -> memref<64x128xf32, #tpu.memory_space<vmem>>
          tpu.vector_store_idx %parallel_loop3A_661[%parallel_loop3A_591, %add3A_274], %parallel_loop3A_657 : memref<64x128xf32, #tpu.memory_space<vmem>>[vector<16xi32>, vector<16xi32>], vector<16xf32>,
          %parallel_loop3A_662 = arith.addi %add3A_240, %parallel_loop3A_591 : vector<16xi32>
          %parallel_loop3A_663 = arith.constant 0 : i32
          %parallel_loop3A_664 = arith.constant 0 : i32
          %parallel_loop3A_665 = tpu.memref_slice %arg8[%rem3A_101, %parallel_loop3A_663, %parallel_loop3A_664] : memref<4x128x128xf32, #tpu.memory_space<vmem>> -> memref<1x128x128xf32, #tpu.memory_space<vmem>>
          %parallel_loop3A_666 = tpu.memref_squeeze %parallel_loop3A_665 : memref<1x128x128xf32, #tpu.memory_space<vmem>> -> memref<128x128xf32, #tpu.memory_space<vmem>>
          %parallel_loop3A_667 = tpu.vector_load_idx %parallel_loop3A_666[%broadcast_in_dim3A_129, %parallel_loop3A_662] : memref<128x128xf32, #tpu.memory_space<vmem>>[vector<16xi32>, vector<16xi32>], vector<16xf32>,
          %parallel_loop3A_668 = arith.addf %parallel_loop3A_667, %parallel_loop3A_595 : vector<16xf32>
          %parallel_loop3A_669 = arith.constant 0 : i32
          %parallel_loop3A_670 = arith.constant 0 : i32
          %parallel_loop3A_671 = tpu.memref_slice %arg9[%rem3A_101, %parallel_loop3A_669, %parallel_loop3A_670] : memref<4x64x128xf32, #tpu.memory_space<vmem>> -> memref<1x64x128xf32, #tpu.memory_space<vmem>>
          %parallel_loop3A_672 = tpu.memref_squeeze %parallel_loop3A_671 : memref<1x64x128xf32, #tpu.memory_space<vmem>> -> memref<64x128xf32, #tpu.memory_space<vmem>>
          tpu.vector_store_idx %parallel_loop3A_672[%parallel_loop3A_591, %add3A_277], %parallel_loop3A_668 : memref<64x128xf32, #tpu.memory_space<vmem>>[vector<16xi32>, vector<16xi32>], vector<16xf32>,
          %parallel_loop3A_673 = arith.addi %add3A_256, %parallel_loop3A_591 : vector<16xi32>
          %parallel_loop3A_674 = arith.constant 0 : i32
          %parallel_loop3A_675 = arith.constant 0 : i32
          %parallel_loop3A_676 = tpu.memref_slice %arg8[%rem3A_101, %parallel_loop3A_674, %parallel_loop3A_675] : memref<4x128x128xf32, #tpu.memory_space<vmem>> -> memref<1x128x128xf32, #tpu.memory_space<vmem>>
          %parallel_loop3A_677 = tpu.memref_squeeze %parallel_loop3A_676 : memref<1x128x128xf32, #tpu.memory_space<vmem>> -> memref<128x128xf32, #tpu.memory_space<vmem>>
          %parallel_loop3A_678 = tpu.vector_load_idx %parallel_loop3A_677[%broadcast_in_dim3A_129, %parallel_loop3A_673] : memref<128x128xf32, #tpu.memory_space<vmem>>[vector<16xi32>, vector<16xi32>], vector<16xf32>,
          %parallel_loop3A_679 = arith.addf %parallel_loop3A_678, %parallel_loop3A_595 : vector<16xf32>
          %parallel_loop3A_680 = arith.constant 0 : i32
          %parallel_loop3A_681 = arith.constant 0 : i32
          %parallel_loop3A_682 = tpu.memref_slice %arg9[%rem3A_101, %parallel_loop3A_680, %parallel_loop3A_681] : memref<4x64x128xf32, #tpu.memory_space<vmem>> -> memref<1x64x128xf32, #tpu.memory_space<vmem>>
          %parallel_loop3A_683 = tpu.memref_squeeze %parallel_loop3A_682 : memref<1x64x128xf32, #tpu.memory_space<vmem>> -> memref<64x128xf32, #tpu.memory_space<vmem>>
          tpu.vector_store_idx %parallel_loop3A_683[%parallel_loop3A_591, %add3A_280], %parallel_loop3A_679 : memref<64x128xf32, #tpu.memory_space<vmem>>[vector<16xi32>, vector<16xi32>], vector<16xf32>,
        } {sc.loop_unroll_factor = 4 : i64, sc.parallel_access}
        %dma_start3A = arith.constant 0 : i32
        %dma_start3A_283 = arith.constant 0 : i32
        %dma_start3A_284 = tpu.memref_slice %arg9[%rem3A_101, %dma_start3A, %dma_start3A_283] : memref<4x64x128xf32, #tpu.memory_space<vmem>> -> memref<1x64x128xf32, #tpu.memory_space<vmem>>
        %dma_start3A_285 = tpu.memref_squeeze %dma_start3A_284 : memref<1x64x128xf32, #tpu.memory_space<vmem>> -> memref<64x128xf32, #tpu.memory_space<vmem>>
        %dma_start3A_286 = arith.constant 0 : i32
        %dma_start3A_287 = tpu.memref_slice %arg5[%sub3A_94, %dma_start3A_286, %mul3A_2] : memref<200x64x4096xf32, #tpu.memory_space<hbm>> -> memref<1x64x128xf32, #tpu.memory_space<hbm>>
        %dma_start3A_288 = tpu.memref_squeeze %dma_start3A_287 : memref<1x64x128xf32, #tpu.memory_space<hbm>> -> memref<64x128xf32, #tpu.memory_space<hbm>>
        %dma_start3A_289 = tpu.memref_slice %arg13[%rem3A_101] : memref<4x!tpu.dma_semaphore, #tpu.memory_space<semaphore_mem>> -> memref<1x!tpu.dma_semaphore, #tpu.memory_space<semaphore_mem>>
        %dma_start3A_290 = tpu.memref_squeeze %dma_start3A_289 : memref<1x!tpu.dma_semaphore, #tpu.memory_space<semaphore_mem>> -> memref<!tpu.dma_semaphore, #tpu.memory_space<semaphore_mem>>
        %dma_start3A_291 = arith.constant 0 : i32
        %dma_start3A_292 = tpu.memref_slice %arg5[%sub3A_94, %dma_start3A_291, %mul3A_2] : memref<200x64x4096xf32, #tpu.memory_space<hbm>> -> memref<1x64x128xf32, #tpu.memory_space<hbm>>
        %dma_start3A_293 = tpu.memref_squeeze %dma_start3A_292 : memref<1x64x128xf32, #tpu.memory_space<hbm>> -> memref<64x128xf32, #tpu.memory_space<hbm>>
        %dma_start3A_294 = arith.constant 0 : i32
        %dma_start3A_295 = arith.constant 0 : i32
        %dma_start3A_296 = tpu.memref_slice %arg9[%rem3A_101, %dma_start3A_294, %dma_start3A_295] : memref<4x64x128xf32, #tpu.memory_space<vmem>> -> memref<1x64x128xf32, #tpu.memory_space<vmem>>
        %dma_start3A_297 = tpu.memref_squeeze %dma_start3A_296 : memref<1x64x128xf32, #tpu.memory_space<vmem>> -> memref<64x128xf32, #tpu.memory_space<vmem>>
        tpu.enqueue_dma source(%dma_start3A_297 : memref<64x128xf32, #tpu.memory_space<vmem>>) target(%dma_start3A_293 : memref<64x128xf32, #tpu.memory_space<hbm>>) target_semaphore(%dma_start3A_290 : memref<!tpu.dma_semaphore, #tpu.memory_space<semaphore_mem>>)
      } else {
      }
    }
    %scan3A_7 = arith.constant 202 : i32
    %dma_wait3A = arith.constant 0 : i32
    %dma_wait3A_8 = arith.constant 0 : i32
    %dma_wait3A_9 = arith.constant 0 : i32
    %dma_wait3A_10 = arith.constant 0 : i32
    %dma_wait3A_11 = arith.constant 0 : i32
    %dma_wait3A_12 = tpu.memref_slice %arg9[%dma_wait3A, %dma_wait3A_10, %dma_wait3A_11] : memref<4x64x128xf32, #tpu.memory_space<vmem>> -> memref<1x64x128xf32, #tpu.memory_space<vmem>>
    %dma_wait3A_13 = tpu.memref_squeeze %dma_wait3A_12 : memref<1x64x128xf32, #tpu.memory_space<vmem>> -> memref<64x128xf32, #tpu.memory_space<vmem>>
    %dma_wait3A_14 = arith.constant 0 : i32
    %dma_wait3A_15 = arith.constant 0 : i32
    %dma_wait3A_16 = tpu.memref_slice %arg5[%dma_wait3A_8, %dma_wait3A_14, %dma_wait3A_15] : memref<200x64x4096xf32, #tpu.memory_space<hbm>> -> memref<1x64x128xf32, #tpu.memory_space<hbm>>
    %dma_wait3A_17 = tpu.memref_squeeze %dma_wait3A_16 : memref<1x64x128xf32, #tpu.memory_space<hbm>> -> memref<64x128xf32, #tpu.memory_space<hbm>>
    %dma_wait3A_18 = tpu.memref_slice %arg13[%dma_wait3A_9] : memref<4x!tpu.dma_semaphore, #tpu.memory_space<semaphore_mem>> -> memref<1x!tpu.dma_semaphore, #tpu.memory_space<semaphore_mem>>
    %dma_wait3A_19 = tpu.memref_squeeze %dma_wait3A_18 : memref<1x!tpu.dma_semaphore, #tpu.memory_space<semaphore_mem>> -> memref<!tpu.dma_semaphore, #tpu.memory_space<semaphore_mem>>
    %dma_wait3A_20 = arith.constant 0 : i32
    %dma_wait3A_21 = arith.constant 0 : i32
    %dma_wait3A_22 = tpu.memref_slice %arg5[%dma_wait3A_8, %dma_wait3A_20, %dma_wait3A_21] : memref<200x64x4096xf32, #tpu.memory_space<hbm>> -> memref<1x64x128xf32, #tpu.memory_space<hbm>>
    %dma_wait3A_23 = tpu.memref_squeeze %dma_wait3A_22 : memref<1x64x128xf32, #tpu.memory_space<hbm>> -> memref<64x128xf32, #tpu.memory_space<hbm>>
    %dma_wait3A_24 = arith.constant 0 : i32
    %dma_wait3A_25 = arith.constant 0 : i32
    %dma_wait3A_26 = tpu.memref_slice %arg9[%dma_wait3A, %dma_wait3A_24, %dma_wait3A_25] : memref<4x64x128xf32, #tpu.memory_space<vmem>> -> memref<1x64x128xf32, #tpu.memory_space<vmem>>
    %dma_wait3A_27 = tpu.memref_squeeze %dma_wait3A_26 : memref<1x64x128xf32, #tpu.memory_space<vmem>> -> memref<64x128xf32, #tpu.memory_space<vmem>>
    tpu.wait_dma2 semaphore(%dma_wait3A_19 : memref<!tpu.dma_semaphore, #tpu.memory_space<semaphore_mem>>) src(%dma_wait3A_27 : memref<64x128xf32, #tpu.memory_space<vmem>>) dst(%dma_wait3A_23 : memref<64x128xf32, #tpu.memory_space<hbm>>)
    %dma_wait3A_28 = arith.constant 1 : i32
    %dma_wait3A_29 = arith.constant 0 : i32
    %dma_wait3A_30 = arith.constant 1 : i32
    %dma_wait3A_31 = arith.constant 0 : i32
    %dma_wait3A_32 = arith.constant 0 : i32
    %dma_wait3A_33 = tpu.memref_slice %arg9[%dma_wait3A_28, %dma_wait3A_31, %dma_wait3A_32] : memref<4x64x128xf32, #tpu.memory_space<vmem>> -> memref<1x64x128xf32, #tpu.memory_space<vmem>>
    %dma_wait3A_34 = tpu.memref_squeeze %dma_wait3A_33 : memref<1x64x128xf32, #tpu.memory_space<vmem>> -> memref<64x128xf32, #tpu.memory_space<vmem>>
    %dma_wait3A_35 = arith.constant 0 : i32
    %dma_wait3A_36 = arith.constant 0 : i32
    %dma_wait3A_37 = tpu.memref_slice %arg5[%dma_wait3A_29, %dma_wait3A_35, %dma_wait3A_36] : memref<200x64x4096xf32, #tpu.memory_space<hbm>> -> memref<1x64x128xf32, #tpu.memory_space<hbm>>
    %dma_wait3A_38 = tpu.memref_squeeze %dma_wait3A_37 : memref<1x64x128xf32, #tpu.memory_space<hbm>> -> memref<64x128xf32, #tpu.memory_space<hbm>>
    %dma_wait3A_39 = tpu.memref_slice %arg13[%dma_wait3A_30] : memref<4x!tpu.dma_semaphore, #tpu.memory_space<semaphore_mem>> -> memref<1x!tpu.dma_semaphore, #tpu.memory_space<semaphore_mem>>
    %dma_wait3A_40 = tpu.memref_squeeze %dma_wait3A_39 : memref<1x!tpu.dma_semaphore, #tpu.memory_space<semaphore_mem>> -> memref<!tpu.dma_semaphore, #tpu.memory_space<semaphore_mem>>
    %dma_wait3A_41 = arith.constant 0 : i32
    %dma_wait3A_42 = arith.constant 0 : i32
    %dma_wait3A_43 = tpu.memref_slice %arg5[%dma_wait3A_29, %dma_wait3A_41, %dma_wait3A_42] : memref<200x64x4096xf32, #tpu.memory_space<hbm>> -> memref<1x64x128xf32, #tpu.memory_space<hbm>>
    %dma_wait3A_44 = tpu.memref_squeeze %dma_wait3A_43 : memref<1x64x128xf32, #tpu.memory_space<hbm>> -> memref<64x128xf32, #tpu.memory_space<hbm>>
    %dma_wait3A_45 = arith.constant 0 : i32
    %dma_wait3A_46 = arith.constant 0 : i32
    %dma_wait3A_47 = tpu.memref_slice %arg9[%dma_wait3A_28, %dma_wait3A_45, %dma_wait3A_46] : memref<4x64x128xf32, #tpu.memory_space<vmem>> -> memref<1x64x128xf32, #tpu.memory_space<vmem>>
    %dma_wait3A_48 = tpu.memref_squeeze %dma_wait3A_47 : memref<1x64x128xf32, #tpu.memory_space<vmem>> -> memref<64x128xf32, #tpu.memory_space<vmem>>
    tpu.wait_dma2 semaphore(%dma_wait3A_40 : memref<!tpu.dma_semaphore, #tpu.memory_space<semaphore_mem>>) src(%dma_wait3A_48 : memref<64x128xf32, #tpu.memory_space<vmem>>) dst(%dma_wait3A_44 : memref<64x128xf32, #tpu.memory_space<hbm>>)
    %dma_wait3A_49 = arith.constant 2 : i32
    %dma_wait3A_50 = arith.constant 0 : i32
    %dma_wait3A_51 = arith.constant 2 : i32
    %dma_wait3A_52 = arith.constant 0 : i32
    %dma_wait3A_53 = arith.constant 0 : i32
    %dma_wait3A_54 = tpu.memref_slice %arg9[%dma_wait3A_49, %dma_wait3A_52, %dma_wait3A_53] : memref<4x64x128xf32, #tpu.memory_space<vmem>> -> memref<1x64x128xf32, #tpu.memory_space<vmem>>
    %dma_wait3A_55 = tpu.memref_squeeze %dma_wait3A_54 : memref<1x64x128xf32, #tpu.memory_space<vmem>> -> memref<64x128xf32, #tpu.memory_space<vmem>>
    %dma_wait3A_56 = arith.constant 0 : i32
    %dma_wait3A_57 = arith.constant 0 : i32
    %dma_wait3A_58 = tpu.memref_slice %arg5[%dma_wait3A_50, %dma_wait3A_56, %dma_wait3A_57] : memref<200x64x4096xf32, #tpu.memory_space<hbm>> -> memref<1x64x128xf32, #tpu.memory_space<hbm>>
    %dma_wait3A_59 = tpu.memref_squeeze %dma_wait3A_58 : memref<1x64x128xf32, #tpu.memory_space<hbm>> -> memref<64x128xf32, #tpu.memory_space<hbm>>
    %dma_wait3A_60 = tpu.memref_slice %arg13[%dma_wait3A_51] : memref<4x!tpu.dma_semaphore, #tpu.memory_space<semaphore_mem>> -> memref<1x!tpu.dma_semaphore, #tpu.memory_space<semaphore_mem>>
    %dma_wait3A_61 = tpu.memref_squeeze %dma_wait3A_60 : memref<1x!tpu.dma_semaphore, #tpu.memory_space<semaphore_mem>> -> memref<!tpu.dma_semaphore, #tpu.memory_space<semaphore_mem>>
    %dma_wait3A_62 = arith.constant 0 : i32
    %dma_wait3A_63 = arith.constant 0 : i32
    %dma_wait3A_64 = tpu.memref_slice %arg5[%dma_wait3A_50, %dma_wait3A_62, %dma_wait3A_63] : memref<200x64x4096xf32, #tpu.memory_space<hbm>> -> memref<1x64x128xf32, #tpu.memory_space<hbm>>
    %dma_wait3A_65 = tpu.memref_squeeze %dma_wait3A_64 : memref<1x64x128xf32, #tpu.memory_space<hbm>> -> memref<64x128xf32, #tpu.memory_space<hbm>>
    %dma_wait3A_66 = arith.constant 0 : i32
    %dma_wait3A_67 = arith.constant 0 : i32
    %dma_wait3A_68 = tpu.memref_slice %arg9[%dma_wait3A_49, %dma_wait3A_66, %dma_wait3A_67] : memref<4x64x128xf32, #tpu.memory_space<vmem>> -> memref<1x64x128xf32, #tpu.memory_space<vmem>>
    %dma_wait3A_69 = tpu.memref_squeeze %dma_wait3A_68 : memref<1x64x128xf32, #tpu.memory_space<vmem>> -> memref<64x128xf32, #tpu.memory_space<vmem>>
    tpu.wait_dma2 semaphore(%dma_wait3A_61 : memref<!tpu.dma_semaphore, #tpu.memory_space<semaphore_mem>>) src(%dma_wait3A_69 : memref<64x128xf32, #tpu.memory_space<vmem>>) dst(%dma_wait3A_65 : memref<64x128xf32, #tpu.memory_space<hbm>>)
    %dma_wait3A_70 = arith.constant 3 : i32
    %dma_wait3A_71 = arith.constant 0 : i32
    %dma_wait3A_72 = arith.constant 3 : i32
    %dma_wait3A_73 = arith.constant 0 : i32
    %dma_wait3A_74 = arith.constant 0 : i32
    %dma_wait3A_75 = tpu.memref_slice %arg9[%dma_wait3A_70, %dma_wait3A_73, %dma_wait3A_74] : memref<4x64x128xf32, #tpu.memory_space<vmem>> -> memref<1x64x128xf32, #tpu.memory_space<vmem>>
    %dma_wait3A_76 = tpu.memref_squeeze %dma_wait3A_75 : memref<1x64x128xf32, #tpu.memory_space<vmem>> -> memref<64x128xf32, #tpu.memory_space<vmem>>
    %dma_wait3A_77 = arith.constant 0 : i32
    %dma_wait3A_78 = arith.constant 0 : i32
    %dma_wait3A_79 = tpu.memref_slice %arg5[%dma_wait3A_71, %dma_wait3A_77, %dma_wait3A_78] : memref<200x64x4096xf32, #tpu.memory_space<hbm>> -> memref<1x64x128xf32, #tpu.memory_space<hbm>>
    %dma_wait3A_80 = tpu.memref_squeeze %dma_wait3A_79 : memref<1x64x128xf32, #tpu.memory_space<hbm>> -> memref<64x128xf32, #tpu.memory_space<hbm>>
    %dma_wait3A_81 = tpu.memref_slice %arg13[%dma_wait3A_72] : memref<4x!tpu.dma_semaphore, #tpu.memory_space<semaphore_mem>> -> memref<1x!tpu.dma_semaphore, #tpu.memory_space<semaphore_mem>>
    %dma_wait3A_82 = tpu.memref_squeeze %dma_wait3A_81 : memref<1x!tpu.dma_semaphore, #tpu.memory_space<semaphore_mem>> -> memref<!tpu.dma_semaphore, #tpu.memory_space<semaphore_mem>>
    %dma_wait3A_83 = arith.constant 0 : i32
    %dma_wait3A_84 = arith.constant 0 : i32
    %dma_wait3A_85 = tpu.memref_slice %arg5[%dma_wait3A_71, %dma_wait3A_83, %dma_wait3A_84] : memref<200x64x4096xf32, #tpu.memory_space<hbm>> -> memref<1x64x128xf32, #tpu.memory_space<hbm>>
    %dma_wait3A_86 = tpu.memref_squeeze %dma_wait3A_85 : memref<1x64x128xf32, #tpu.memory_space<hbm>> -> memref<64x128xf32, #tpu.memory_space<hbm>>
    %dma_wait3A_87 = arith.constant 0 : i32
    %dma_wait3A_88 = arith.constant 0 : i32
    %dma_wait3A_89 = tpu.memref_slice %arg9[%dma_wait3A_70, %dma_wait3A_87, %dma_wait3A_88] : memref<4x64x128xf32, #tpu.memory_space<vmem>> -> memref<1x64x128xf32, #tpu.memory_space<vmem>>
    %dma_wait3A_90 = tpu.memref_squeeze %dma_wait3A_89 : memref<1x64x128xf32, #tpu.memory_space<vmem>> -> memref<64x128xf32, #tpu.memory_space<vmem>>
    tpu.wait_dma2 semaphore(%dma_wait3A_82 : memref<!tpu.dma_semaphore, #tpu.memory_space<semaphore_mem>>) src(%dma_wait3A_90 : memref<64x128xf32, #tpu.memory_space<vmem>>) dst(%dma_wait3A_86 : memref<64x128xf32, #tpu.memory_space<hbm>>)
    return
  }
}

</mosaic_0001>

<sc_bundles>
// kernel: kernel.3.cloned.1.call-start
scs
__scs_entry_jumppad:
0x0: {  	(pc) =	sbr.rel $0x88, $3  }
0x1: {  	(tag) =	ssettag $0x0;
	lr =	simm.s32 $0x1  }
0x2: {  	[smem:$0x3F9E] =	sst lr;
	_ =	strace $0xD0000000  }
0x3: {  	_ = 	snop  }
0x4: {  	_ = 	snop  }
0x5: {  	_ = 	snop  }
0x6: {  	_ = 	snop  }
0x7: {  	_ = 	snop  }
__scs_overlays_trampoline_lowered:
0x8: {  	[smem:$0x3FAD] =	sst s0  }
0x9: {  	[smem:$0x3FAE] =	sst s1  }
0xa: {  	[smem:$0x3FAF] =	sst s2  }
0xb: {  	[smem:$0x3FB0] =	sst s3  }
0xc: {  	[smem:$0x3FB1] =	sst s4  }
0xd: {  	[smem:$0x3FB2] =	sst s5  }
0xe: {  	[smem:$0x3FB3] =	sst s6  }
0xf: {  	[smem:$0x3FB4] =	sst s7  }
0x10: {  	[smem:$0x3FB5] =	sst s8  }
0x11: {  	[smem:$0x3FB6] =	sst s9;
	s0 =	simm.s32 @!p0 $0x0  }
0x12: {  	s1 =	sld [smem:$0x3F9C];
	s0 =	simm.s32 @p0 $0x1  }
0x13: {  	[smem:$0x3FB7] =	sst s0;
	s0 =	simm.s32 @!p1 $0x0  }
0x14: {  	s2 =	sld [smem:$0x3F9B];
	s0 =	simm.s32 @p1 $0x1  }
0x15: {  	[smem:$0x3FB8] =	sst s0;
	s0 =	simm.s32 @!p2 $0x0  }
0x16: {  	s3 =	sld [smem:$0x3FDB];
	s0 =	simm.s32 @p2 $0x1  }
0x17: {  	s4 =	simm.s32 $0x1BF5;
	[smem:$0x3FBA] =	sst s0  }
0x18: {  	s0 =	sld [smem:$0x3F9D];
	_ =	swait.ge [sflag:s4], $0x0  }
0x19: {  	s7 =	sld [smem:$0x3F9E]  }
0x1a: {  	s8 =	sadd.s32 $0xFFFFE003, lr  }
0x1b: {  	s9 =	sadd.s32 $0xFFFFFEF7, lr;
	s5 =	simm.s32 $0xFFFFFFFF;
	p2 =	slt.u32 s8, $0xFFFFF086  }
0x1c: {  	p1 =	slt.u32 s9, $0xF7A;
	s5 =	simm.s32 @!p2 $0x0  }
0x1d: {  	s5 =	simm.s32 @p1 $0x1;
	p0 =	seq.s32 s7, s2  }
0x1e: {  	s7 =	smul.u32 @!p0 $0xF7A, s2;
	p2 =	seq.s32 @!p0 s5, $0x0  }
0x1f: {  	s9 =	smul.u32 $0xF7A, s1;
	s8 =	simm.s32 @!p0 $0x1BF5;
	p2 =	por !p2, p0  }
0x20: {  	[sflag:s8] =	ssyncset.s32 @!p0 $0xFFFFF086;
	s6 =	sadd.s32 @!p0 s3, s7;
	s7 =	simm.s32 @!p0 $0x108  }
0x21: {  	s3 =	sadd.s32 s3, s9;
	s6 =	sadd.s32 @!p0 $0x88, s6;
	s7 =	simm.s32 @p2 $0x1082  }
0x22: {  	[simem:s7], [sflag:s8] =	dma.local @!p0 [hbm:s6], $0xF7A  }
0x23: {  	s9 =	sor.u32 $0xD0000000, s2;
	s6 =	simm.s32 $0x108;
	_ =	swait.ge @!p0 [sflag:s8], $0x0  }
0x24: {  	s3 =	sadd.s32 $0x88, s3;
	s6 =	simm.s32 @!p1 $0x1082;
	[sflag:s4] =	ssyncset.s32 $0xFFFFF086  }
0x25: {  	[simem:s6], [sflag:s4] =	dma.local [hbm:s3], $0xF7A  }
0x26: {  	[smem:$0x3F9E] =	sst s1;
	(tag) =	ssettag s2;
	_ =	strace s9  }
0x27: {  	s1 =	sld [smem:$0x3FAE]  }
0x28: {  	s2 =	sld [smem:$0x3FAF]  }
0x29: {  	s4 =	sld [smem:$0x3FB1]  }
0x2a: {  	p0 =	seq.s32 s5, $0x0;
	s5 =	sld [smem:$0x3FB2]  }
0x2b: {  	s6 =	sld [smem:$0x3FB3]  }
0x2c: {  	s7 =	sld [smem:$0x3FB4]  }
0x2d: {  	s3 =	simm.s32 $0x108;
	s8 =	sld [smem:$0x3FB5]  }
0x2e: {  	s3 =	simm.s32 @!p0 $0x1082;
	s9 =	sld [smem:$0x3FB6]  }
0x2f: {  	lr =	sadd.s32 s0, s3;
	s0 =	sld [smem:$0x3FAD]  }
0x30: {  	s3 =	sld [smem:$0x3FB0]  }
0x31: {  	[smem:$0x3FB9] =	sst s10  }
0x32: {  	s10 =	sld [smem:$0x3FB7];
	_ =	sdelay $0x3  }
0x33: {  	p0 =	seq.s32 s10, $0x1;
	s10 =	sld [smem:$0x3FB9];
	_ =	sdelay $0x3  }
0x34: {  	[smem:$0x3FB9] =	sst s10  }
0x35: {  	s10 =	sld [smem:$0x3FB8];
	_ =	sdelay $0x3  }
0x36: {  	p1 =	seq.s32 s10, $0x1;
	s10 =	sld [smem:$0x3FB9];
	_ =	sdelay $0x3  }
0x37: {  	[smem:$0x3FB9] =	sst s10  }
0x38: {  	s10 =	sld [smem:$0x3FBA]  }
0x39: {  	_ = 	snop;
	(pc) =	sbr.ind lr, $3  }
0x3a: {  	_ = 	snop  }
0x3b: {  	_ = 	snop  }
0x3c: {  	p2 =	seq.s32 s10, $0x1;
	s10 =	sld [smem:$0x3FB9]  }
0x3d: {  	_ =	shalt  }
0x3e: {  	_ =	shalt  }
0x3f: {  	_ =	shalt  }
0x40: {  	_ =	shalt  }
0x41: {  	_ =	shalt  }
0x42: {  	_ =	shalt  }
0x43: {  	_ =	shalt  }
0x44: {  	_ =	shalt  }
0x45: {  	_ =	shalt  }
0x46: {  	_ =	shalt  }
0x47: {  	_ =	shalt  }
0x48: {  	_ =	shalt  }
0x49: {  	_ =	shalt  }
0x4a: {  	_ =	shalt  }
0x4b: {  	_ =	shalt  }
0x4c: {  	_ =	shalt  }
0x4d: {  	_ =	shalt  }
0x4e: {  	_ =	shalt  }
0x4f: {  	_ =	shalt  }
0x50: {  	_ =	shalt  }
0x51: {  	_ =	shalt  }
0x52: {  	_ =	shalt  }
0x53: {  	_ =	shalt  }
0x54: {  	_ =	shalt  }
0x55: {  	_ =	shalt  }
0x56: {  	_ =	shalt  }
0x57: {  	_ =	shalt  }
0x58: {  	_ =	shalt  }
0x59: {  	_ =	shalt  }
0x5a: {  	_ =	shalt  }
0x5b: {  	_ =	shalt  }
0x5c: {  	_ =	shalt  }
0x5d: {  	_ =	shalt  }
0x5e: {  	_ =	shalt  }
0x5f: {  	_ =	shalt  }
0x60: {  	_ =	shalt  }
0x61: {  	_ =	shalt  }
0x62: {  	_ =	shalt  }
0x63: {  	_ =	shalt  }
0x64: {  	_ =	shalt  }
0x65: {  	_ =	shalt  }
0x66: {  	_ =	shalt  }
0x67: {  	_ =	shalt  }
0x68: {  	_ =	shalt  }
0x69: {  	_ =	shalt  }
0x6a: {  	_ =	shalt  }
0x6b: {  	_ =	shalt  }
0x6c: {  	_ =	shalt  }
0x6d: {  	_ =	shalt  }
0x6e: {  	_ =	shalt  }
0x6f: {  	_ =	shalt  }
0x70: {  	_ =	shalt  }
0x71: {  	_ =	shalt  }
0x72: {  	_ =	shalt  }
0x73: {  	_ =	shalt  }
0x74: {  	_ =	shalt  }
0x75: {  	_ =	shalt  }
0x76: {  	_ =	shalt  }
0x77: {  	_ =	shalt  }
0x78: {  	_ =	shalt  }
0x79: {  	_ =	shalt  }
0x7a: {  	_ =	shalt  }
0x7b: {  	_ =	shalt  }
0x7c: {  	_ =	shalt  }
0x7d: {  	_ =	shalt  }
0x7e: {  	_ =	shalt  }
0x7f: {  	_ =	shalt  }
0x80: {  	_ =	shalt  }
0x81: {  	_ =	shalt  }
0x82: {  	_ =	shalt  }
0x83: {  	_ =	shalt  }
0x84: {  	_ =	shalt  }
0x85: {  	_ =	shalt  }
0x86: {  	_ =	shalt  }
0x87: {  	_ =	shalt  }
.Lfunc_end0:
.L_simem_size_0:
called_computation_lowered:
.L_overlay_start_0:
0x88: {  	s2 =	sld [smem:$0x3FD9]  }
0x89: {  	s3 =	sld [smem:$0x3FFE];
	_ =	sdelay $0x1  }
0x8a: {  	s1 =	srdreg.scid  }
0x8b: {  	s0 =	sand.u32 $0x1, s1  }
0x8c: {  	s17 =	sshll.u32 s0, $0xA;
	s2 =	sadd.s32 s3, s2  }
0x8d: {  	s2 =	sadd.s32 s2, s17  }
0x8e: {  	[smem:$0x3FC5] =	sst s2  }
0x8f: {  	_ = 	snop  }
0x90: {  	s2 =	sld [smem:$0x3FC9]  }
0x91: {  	s18 =	sld [smem:$0x3FD0];
	(tm) =	ssettm $0x1  }
0x92: {  	s4 =	sld [smem:$0x3FFB];
	_ =	sdelay $0x3  }
0x93: {  	_ =	strace s4  }
0x94: {  	s4 =	sld [smem:$0x3FFC];
	_ =	sdelay $0x3  }
0x95: {  	_ =	strace s4  }
0x96: {  	s4 =	sld [smem:$0x3FFD];
	_ =	sdelay $0x3  }
0x97: {  	_ =	strace s4  }
0x98: {  	_ =	strace $0x8FFFFFFF  }
0x99: {  	s19 =	sld [smem:$0x3FDB];
	_ =	sdelay $0x1  }
0x9a: {  	s5 =	simm.s32 $_scs_section_size  }
0x9b: {  	s6 =	simm.s32 $_size__tile_overlayer_lowered;
	s7 =	simm.s32 $_tile_overlayer_lowered  }
0x9c: {  	s22 =	simm.s32 $0x1BFF;
	s21 =	sshll.u32 s7, $0x1;
	s4 =	sadd.s32 s5, s19  }
0x9d: {  	s8 =	simm.s32 $0x0;
	s20 =	sshll.u32 s6, $0x1;
	s6 =	sadd.s32 s21, s4  }
0x9e: {  	[timem:s8], [sflag:s22] =	dma.local [hbm:s6], s20  }
0x9f: {  	_ =	swait.ge [sflag:s22], s20  }
0xa0: {  	s5 =	ssub.s32 $0x0, s20;
	[sflag:s22] =	ssyncset.done $0x0  }
0xa1: {  	[sflag:s22] =	ssyncadd.s32 s5;
	_ =	sdelay $0x1  }
0xa2: {  	s23 =	simm.s32 $0x1B8B  }
0xa3: {  	_ =	swait.ge [sflag:s23], $0x1  }
0xa4: {  	[sflag:s23] =	ssyncset.done $0x0  }
0xa5: {  	s25 =	simm.s32 $0x1B8E;
	s24 =	sld [smem:$0x3FFE];
	[sflag:s23] =	ssyncadd.s32 $0xFFFFFFFF  }
0xa6: {  	s26 =	simm.s32 $execute0_lowered;
	[smem:$0x3FD2] =	sst s25  }
0xa7: {  	s6 =	sshll.u32 s26, $0x1;
	_ =	strace $0x80000046;
	[dreg:$0x1] =	wrdreg $0xFFFFFFFF  }
0xa8: {  	s28 =	simm.s32 $_size_execute0_lowered;
	s4 =	sadd.s32 s4, s6;
	[dreg:$0x0] =	wrdreg $0x0  }
0xa9: {  	s6 =	sshll.u32 s28, $0x1;
	[dreg:$0x2] =	wrdreg s4  }
0xaa: {  	[dreg:$0x3] =	wrdreg s6  }
0xab: {  	[dreg:$0x4] =	wrdreg $0xC0  }
0xac: {  	_ =	task [dreg:s8], $0x5FFFF  }
0xad: {  	[dreg:$0x1] =	wrdreg $0xFFFFFFFF  }
0xae: {  	[dreg:$0x0] =	wrdreg $0x60  }
0xaf: {  	[dreg:$0x2] =	wrdreg s2  }
0xb0: {  	[dreg:$0x3] =	wrdreg s24  }
0xb1: {  	[dreg:$0x4] =	wrdreg s18  }
0xb2: {  	[dreg:$0x5] =	wrdreg $0x9  }
0xb3: {  	_ =	task.clear_ibuf [dreg:s8], $0x6FFFF;
	_ =	strace $0x90000046  }
0xb4: {  	s29 =	simm.s32 $0x9;
	_ =	strace $0x80000048  }
0xb5: {  	_ =	swait.ge [sflag:s29], $0x1  }
0xb6: {  	[sflag:s29] =	ssyncadd.s32 $0xFFFFFFFF  }
0xb7: {  	_ =	strace $0x90000048  }
0xb8: {  	_ =	sfence  }
0xb9: {  	s30 =	sld [smem:$0x0];
	_ =	sdelay $0x2  }
0xba: {  	s31 =	sshll.u32 s1, $0xD;
	s1 =	sshrl.u32 s1, $0x2  }
0xbb: {  	s3 =	sand.u32 $0x4000, s31;
	s1 =	sadd.s32 s1, s30  }
0xbc: {  	s0 =	sor.u32 s3, s0;
	s1 =	sshll.u32 s1, $0x11  }
0xbd: {  	s0 =	sor.u32 s1, s0  }
0xbe: {  	s0 =	sadd.s32 $0x8F2B, s0  }
0xbf: {  	[sflag:s0] =	ssyncadd.remote.s32 $0x1  }
0xc0: {  	_ =	sfence.sel $0xFFFF  }
0xc1: {  	[dreg:$0x0] =	wrdreg $0xFFFFFFFF;
	(pc) =	sbr.abs _section_cstart, $3  }
0xc2: {  	[dreg:$0x1] =	wrdreg $0xFFFFFFFF  }
0xc3: {  	_ =	task.clear_ibuf [dreg:s8], $0x2FFFF;
	_ =	strace $0x9FFFFFFF  }
0xc4: {  	(tm) =	ssettm $0x7FFFFFFF  }
0xc5: {  	_ =	shalt  }
tec
execute0_lowered:
.L_overlay_start_1:
0x0: {  	(tag) =	ssettag $0x1  }
0x1: {  	s7 =	rddreg [dreg:$0x0]  }
0x2: {  	s6 =	rddreg [dreg:$0x1]  }
0x3: {  	s1 =	rddreg [dreg:$0x2];
	s3 =	simm.s32 $0x0;
	v54 =	vlaneseq.u32  }
0x4: {  	[smem:$0x7FF] =	sst s3;
	v27 =	vor.u32 $0x50, v54  }
0x5: {  	s0 =	rddreg [dreg:$0x3];
	v9 =	vor.u32 $0x20, v54;
	_ =	strace $0x80000047;
	[tilespmem:$0x1FF90] =	vst v27  }
0x6: {  	v10 =	vor.u32 $0x60, v54;
	[tilespmem:$0x1FFA0] =	vst v9  }
0x7: {  	v26 =	vor.u32 $0x40, v54;
	[tilespmem:$0x1FFB0] =	vst v10  }
0x8: {  	v12 =	vor.u32 $0x30, v54;
	[tilespmem:$0x1FFC0] =	vst v26  }
0x9: {  	v0 =	vmul.u32 $0x80, v54;
	v11 =	vor.u32 $0x70, v54;
	[tilespmem:$0x1FFE0] =	vst v12  }
0xa: {  	[tilespmem:$0x1FFF0] =	vst v11  }
0xb: {  	v1 =	vor.u32 $0x800, v0;
	[tilespmem:$0x1FF70] =	vst v0  }
0xc: {  	s4 =	srdreg.scid;
	s2 =	stileid.u32;
	s10 =	simm.s32 $0x8000;
	v59 =	vor.u32 $0x1000, v0;
	[tilespmem:$0x1FF10] =	vst v1  }
0xd: {  	s11 =	simm.s32 $0xD;
	s12 =	simm.s32 $0x80;
	s13 =	simm.s32 $0x9;
	v60 =	vor.u32 $0x1800, v0;
	[tilespmem:$0x1FF20] =	vst v59  }
0xe: {  	s14 =	simm.s32 $0xA;
	s15 =	simm.s32 $0xB;
	s16 =	simm.s32 $0xC;
	v61 =	vor.u32 $0x2000, v0;
	[tilespmem:$0x1FF30] =	vst v60  }
.Ltmp0:
0xf: {  	s17 =	simm.s32 $0x0;
	s4 =	sand.u32 $0x1, s4;
	v62 =	vor.u32 $0x2800, v0;
	[tilespmem:$0x1FF40] =	vst v61;
	(pc) =	sbr.rel .LBB2_1-.Ltmp0, $4  }
0x10: {  	s5 =	sshll.u32 s2, $0xB;
	s8 =	ssub.s32 $0x2, s4;
	s4 =	sshll.u32 s4, $0xA;
	v63 =	vor.u32 $0x3000, v0;
	[tilespmem:$0x1FF50] =	vst v62  }
0x11: {  	s9 =	sshrl.u32 s8, $0x1;
	s4 =	sor.u32 s4, s5;
	s5 =	sadd.s32 $0xF42C00, s6;
	v0 =	vor.u32 $0x3800, v0;
	[tilespmem:$0x1FF60] =	vst v63  }
0x12: {  	s6 =	sadd.s32 $0x800, s6;
	s8 =	ssub.s32 s8, s9;
	s31 =	sshrl.u32 s4, $0x3;
	[tilespmem:$0x1FF80] =	vst v0;
	v59 =	vor.u32 $0x10, v54  }
0x13: {  	s9 =	simm.s32 $0x400;
	s7 =	sadd.s32 s7, s31;
	s8 =	smax.u32 s8, $0x1;
	[tilespmem:$0x1FFD0] =	vst v59  }
.LBB2_9:
0x14: {  	_ =	swait.ge [sflag:s13], $0x2000  }
0x15: {  	[sflag:s13] =	ssyncset.done $0x0  }
0x16: {  	[sflag:s13] =	ssyncadd.s32 $0xFFFFE000  }
0x17: {  	_ =	swait.ge [sflag:s14], $0x2000  }
0x18: {  	[sflag:s14] =	ssyncset.done $0x0  }
0x19: {  	s17 =	sadd.s32 $0x1, s17;
	[sflag:s14] =	ssyncadd.s32 $0xFFFFE000  }
0x1a: {  	p0 =	sne.s32 s17, s8;
	_ =	swait.ge [sflag:s15], $0x2000  }
.Ltmp1:
0x1b: {  	[sflag:s15] =	ssyncset.done $0x0;
	(pc) =	sbr.rel @!p0 .LBB2_10-.Ltmp1, $4  }
0x1c: {  	[sflag:s15] =	ssyncadd.s32 $0xFFFFE000  }
0x1d: {  	_ =	swait.ge [sflag:s16], $0x2000  }
0x1e: {  	[sflag:s16] =	ssyncset.done $0x0  }
0x1f: {  	[sflag:s16] =	ssyncadd.s32 $0xFFFFE000  }
.LBB2_1:
.Ltmp2:
0x20: {  	(pc) =	sbr.rel .LBB2_2-.Ltmp2, $4  }
0x21: {  	[tilespmem:s3], [sflag:$0xD] =	stream.strided.gather [hbm4b:s7+s9], $0x6400, s10, s9, $0x38;
	[tilespmem:$0x1E800] =	vst v63  }
0x22: {  	_ =	swait.ge [sflag:s11], $0x6400  }
0x23: {  	[sflag:s11] =	ssyncset.done $0x0  }
0x24: {  	s18 =	simm.s32 $0x0;
	[sflag:s11] =	ssyncadd.s32 $0xFFFF9C00  }
.LBB2_8:
0x25: {  	s18 =	sadd.s32 $0x1, s18  }
0x26: {  	p0 =	sne.s32 s18, $0xCA  }
.Ltmp3:
0x27: {  	_ = 	snop;
	(pc) =	sbr.rel @!p0 .LBB2_9-.Ltmp3, $1  }
0x28: {  	_ =	sdelay $0x3  }
.LBB2_2:
0x29: {  	p0 =	slt.u32 s18, $0xC8  }
.Ltmp4:
0x2a: {  	_ = 	snop;
	(pc) =	sbr.rel @!p0 .LBB2_3-.Ltmp4, $1  }
0x2b: {  	_ =	sdelay $0x3  }
0x2c: {  	s19 =	sand.u32 $0x3, s18;
	p0 =	slt.u32 s18, $0x4  }
0x2d: {  	s20 =	sadd.s32 @!p0 $0x9, s19  }
0x2e: {  	s28 =	sshll.u32 s18, $0x4;
	s29 =	sshll.u32 s18, $0x7;
	_ =	swait.ge @!p0 [sflag:s20], $0x2000  }
0x2f: {  	s21 =	sshll.u32 s19, $0x7;
	s23 =	sadd.s32 $0x1, s19;
	[sflag:s20] =	ssyncset.done @!p0 $0x0  }
0x30: {  	s22 =	sor.u32 $0x1E600, s21;
	[sflag:s20] =	ssyncadd.s32 @!p0 $0xFFFFE000;
	s20 =	sadd.s32 s6, s28  }
0x31: {  	[tilespmem:s22], [sflag:s23] =	stream.linear.gather [hbm4b:s20+s3], $0x80, $0x38;
	[tilespmem:$0x1E800] =	vst v63  }
0x32: {  	s20 =	sand.u32 $0x3FFFFF80, s29  }
0x33: {  	v1 =	vld [tilespmem:s20+$0x0];
	_ =	sdelay $0x4  }
0x34: {  	v1 =	vshrl.u32 v1, $0x1  }
0x35: {  	[tilespmem:s21+$0x6400] =	vst v1  }
0x36: {  	v1 =	vld [tilespmem:s20+$0x10];
	_ =	sdelay $0x4  }
0x37: {  	v1 =	vshrl.u32 v1, $0x1  }
0x38: {  	[tilespmem:s21+$0x6410] =	vst v1  }
0x39: {  	v1 =	vld [tilespmem:s20+$0x20];
	_ =	sdelay $0x4  }
0x3a: {  	v1 =	vshrl.u32 v1, $0x1  }
0x3b: {  	[tilespmem:s21+$0x6420] =	vst v1  }
0x3c: {  	v1 =	vld [tilespmem:s20+$0x30];
	_ =	sdelay $0x4  }
0x3d: {  	v1 =	vshrl.u32 v1, $0x1  }
0x3e: {  	[tilespmem:s21+$0x6430] =	vst v1  }
0x3f: {  	v1 =	vld [tilespmem:s20+$0x40];
	_ =	sdelay $0x4  }
0x40: {  	v1 =	vshrl.u32 v1, $0x1  }
0x41: {  	[tilespmem:s21+$0x6440] =	vst v1  }
0x42: {  	v1 =	vld [tilespmem:s20+$0x50];
	_ =	sdelay $0x4  }
0x43: {  	v1 =	vshrl.u32 v1, $0x1  }
0x44: {  	[tilespmem:s21+$0x6450] =	vst v1  }
0x45: {  	v1 =	vld [tilespmem:s20+$0x60];
	_ =	sdelay $0x4  }
0x46: {  	v1 =	vshrl.u32 v1, $0x1  }
0x47: {  	[tilespmem:s21+$0x6460] =	vst v1  }
0x48: {  	v1 =	vld [tilespmem:s20+$0x70];
	_ =	sdelay $0x4  }
0x49: {  	s30 =	sshll.u32 s19, $0xE;
	v1 =	vshrl.u32 v1, $0x1  }
0x4a: {  	s19 =	sadd.s32 $0x5, s19;
	s31 =	sor.u32 $0x6400, s21;
	s20 =	sadd.s32 $0x6600, s30;
	[tilespmem:s21+$0x6470] =	vst v1  }
0x4b: {  	[tilespmem:s20], [sflag:s19] =	stream.indirect.gather [hbm4b:s5+s12], $0x80, s31, s12, $0xb8;
	[tilespmem:$0x1E800] =	vst v63  }
0x4c: {  	s20 =	sadd.s32 $0xFFFFFFFE, s18  }
0x4d: {  	p0 =	sgt.u32 s20, $0xC7  }
.Ltmp5:
0x4e: {  	_ = 	snop;
	(pc) =	sbr.rel @p0 .LBB2_8-.Ltmp5, $4  }
.Ltmp6:
0x4f: {  	_ = 	snop;
	(pc) =	sbr.rel @!p0 .LBB2_5-.Ltmp6, $4  }
0x50: {  	_ = 	snop  }
0x51: {  	_ = 	snop  }
0x52: {  	_ = 	snop  }
0x53: {  	_ = 	snop  }
.LBB2_3:
0x54: {  	s20 =	sadd.s32 $0xFFFFFFFE, s18  }
.LBB2_5:
0x55: {  	s19 =	sand.u32 $0x3, s20  }
0x56: {  	s21 =	sadd.s32 $0x1, s19  }
0x57: {  	_ =	swait.ge [sflag:s21], $0x80  }
0x58: {  	[sflag:s21] =	ssyncset.done $0x0  }
0x59: {  	s25 =	sadd.s32 $0x5, s19;
	[sflag:s21] =	ssyncadd.s32 $0xFFFFFF80  }
0x5a: {  	_ =	swait.ge [sflag:s25], $0x4000  }
0x5b: {  	s22 =	sshll.u32 s20, $0x9;
	[sflag:s25] =	ssyncset.done $0x0  }
0x5c: {  	s26 =	sshra.s32 s22, $0x2;
	[sflag:s25] =	ssyncadd.s32 $0xFFFFC000  }
0x5d: {  	v1 =	vld [tilespmem:s26+$0x0];
	_ =	sdelay $0x1  }
0x5e: {  	v0 =	vld [tilespmem:$0x1FF70];
	_ =	sdelay $0x2  }
0x5f: {  	s28 =	simm.s32 $0x0;
	v1 =	vshll.u32 v1, $0x6  }
0x60: {  	v29 =	vadd.s32 s28, v54;
	v1 =	vand.u32 $0x40, v1  }
0x61: {  	v33 =	vand.u32 $0xF, v29;
	v23 =	vor.u32 v0, v1  }
0x62: {  	v1 =	vld [tilespmem:s26+$0x10];
	v2 =	vor.u32 v33, v23;
	_ =	sdelay $0x1  }
0x63: {  	s29 =	sshll.u32 s19, $0x7;
	v0 =	vld [tilespmem:$0x1FF10]  }
0x64: {  	s30 =	sshll.u32 s19, $0xE;
	s23 =	sor.u32 $0x1E600, s29  }
0x65: {  	s22 =	sadd.s32 $0x6600, s30;
	v3 =	vld.idx.msk [tilespmem:v33+s23+$0x0], $0xffff  }
0x66: {  	v1 =	vshll.u32 v1, $0x6;
	v2 =	vld.idx.msk [tilespmem:v2+s22+$0x0], $0xffff  }
0x67: {  	v6 =	vshll.u32 v33, $0x7;
	v1 =	vand.u32 $0x40, v1  }
0x68: {  	v4 =	vld [tilespmem:s26+$0x20];
	v22 =	vor.u32 v0, v1;
	v1 =	vor.u32 v54, v6  }
0x69: {  	v5 =	vld [tilespmem:s26+$0x30]  }
0x6a: {  	v7 =	vld [tilespmem:s26+$0x40]  }
0x6b: {  	s24 =	sshll.u32 s19, $0xD;
	v16 =	vld [tilespmem:s26+$0x50];
	v2 =	vadd.f32 v2, v3  }
0x6c: {  	s21 =	sadd.s32 $0x16600, s24;
	v17 =	vld [tilespmem:s26+$0x60];
	v8 =	vor.u32 v33, v22  }
0x6d: {  	v28 =	vld [tilespmem:s26+$0x70];
	[tilespmem:v1+s21+$0x0] =	vst.idx.msk $0xffff, v2  }
0x6e: {  	v0 =	vld [tilespmem:$0x1FF20];
	_ =	sdelay $0x2  }
0x6f: {  	v1 =	vshll.u32 v4, $0x6;
	v2 =	vld.idx.msk [tilespmem:v8+s22+$0x0], $0xffff  }
0x70: {  	v1 =	vand.u32 $0x40, v1  }
0x71: {  	v21 =	vor.u32 v0, v1;
	v1 =	vor.u32 v59, v6;
	_ =	sdelay $0x2  }
0x72: {  	v2 =	vadd.f32 v2, v3  }
0x73: {  	v4 =	vor.u32 v33, v21  }
0x74: {  	[tilespmem:v1+s21+$0x0] =	vst.idx.msk $0xffff, v2  }
0x75: {  	v0 =	vld [tilespmem:$0x1FF30];
	_ =	sdelay $0x2  }
0x76: {  	v1 =	vshll.u32 v5, $0x6;
	v2 =	vld.idx.msk [tilespmem:v4+s22+$0x0], $0xffff  }
0x77: {  	v1 =	vand.u32 $0x40, v1  }
0x78: {  	v20 =	vor.u32 v0, v1;
	v1 =	vor.u32 v9, v6;
	_ =	sdelay $0x2  }
0x79: {  	v2 =	vadd.f32 v2, v3  }
0x7a: {  	v4 =	vor.u32 v33, v20  }
0x7b: {  	[tilespmem:v1+s21+$0x0] =	vst.idx.msk $0xffff, v2  }
0x7c: {  	v0 =	vld [tilespmem:$0x1FF40];
	_ =	sdelay $0x2  }
0x7d: {  	v1 =	vshll.u32 v7, $0x6;
	v2 =	vld.idx.msk [tilespmem:v4+s22+$0x0], $0xffff  }
0x7e: {  	v1 =	vand.u32 $0x40, v1  }
0x7f: {  	v19 =	vor.u32 v0, v1;
	v1 =	vor.u32 v12, v6;
	_ =	sdelay $0x2  }
0x80: {  	v2 =	vadd.f32 v2, v3  }
0x81: {  	v4 =	vor.u32 v33, v19  }
0x82: {  	[tilespmem:v1+s21+$0x0] =	vst.idx.msk $0xffff, v2  }
0x83: {  	s25 =	simm.s32 $0x2;
	v0 =	vld [tilespmem:$0x1FF50]  }
0x84: {  	s31 =	simm.s32 $0x3;
	v43 =	vadd.s32 s25, v54  }
0x85: {  	v15 =	vadd.s32 s31, v54;
	v31 =	vand.u32 $0xF, v43  }
0x86: {  	v32 =	vand.u32 $0xF, v15;
	v8 =	vor.u32 v31, v23;
	v1 =	vshll.u32 v16, $0x6;
	v2 =	vld.idx.msk [tilespmem:v4+s22+$0x0], $0xffff  }
0x87: {  	v5 =	vor.u32 v32, v23;
	v1 =	vand.u32 $0x40, v1  }
0x88: {  	v18 =	vor.u32 v0, v1;
	v1 =	vor.u32 v26, v6  }
0x89: {  	v7 =	vor.u32 v33, v18;
	_ =	sdelay $0x1  }
0x8a: {  	v38 =	vld.idx.msk [tilespmem:v8+s22+$0x0], $0xffff;
	v2 =	vadd.f32 v2, v3  }
0x8b: {  	v57 =	vld.idx.msk [tilespmem:v5+s22+$0x0], $0xffff  }
0x8c: {  	v5 =	vld.idx.msk [tilespmem:v31+s23+$0x0], $0xffff;
	[tilespmem:v1+s21+$0x0] =	vst.idx.msk $0xffff, v2  }
0x8d: {  	s26 =	simm.s32 $0x1;
	v7 =	vld.idx.msk [tilespmem:v7+s22+$0x0], $0xffff  }
0x8e: {  	v25 =	vadd.s32 s26, v54;
	v4 =	vld.idx.msk [tilespmem:v32+s23+$0x0], $0xffff  }
0x8f: {  	v37 =	vor.u32 v27, v6;
	v30 =	vand.u32 $0xF, v25;
	v1 =	vshll.u32 v32, $0x7;
	v0 =	vld [tilespmem:$0x1FF60]  }
0x90: {  	v24 =	vshll.u32 v31, $0x7;
	v35 =	vor.u32 v30, v23;
	v34 =	vor.u32 v54, v1  }
0x91: {  	v58 =	vor.u32 v54, v24;
	v36 =	vor.u32 v32, v22  }
0x92: {  	v2 =	vshll.u32 v17, $0x6;
	v7 =	vadd.f32 v7, v3  }
0x93: {  	v8 =	vadd.f32 v57, v4;
	v2 =	vand.u32 $0x40, v2  }
0x94: {  	v17 =	vor.u32 v0, v2;
	[tilespmem:v37+s21+$0x0] =	vst.idx.msk $0xffff, v7;
	v7 =	vadd.f32 v38, v5  }
0x95: {  	v60 =	vld.idx.msk [tilespmem:v35+s22+$0x0], $0xffff;
	[tilespmem:v34+s21+$0x0] =	vst.idx.msk $0xffff, v8;
	v39 =	vor.u32 v33, v17  }
0x96: {  	v36 =	vld.idx.msk [tilespmem:v36+s22+$0x0], $0xffff;
	[tilespmem:v58+s21+$0x0] =	vst.idx.msk $0xffff, v7  }
0x97: {  	v0 =	vld [tilespmem:$0x1FF80]  }
0x98: {  	v61 =	vor.u32 v31, v22;
	v2 =	vld.idx.msk [tilespmem:v30+s23+$0x0], $0xffff  }
0x99: {  	v44 =	vor.u32 v59, v1;
	v8 =	vshll.u32 v30, $0x7  }
0x9a: {  	v28 =	vshll.u32 v28, $0x6;
	v41 =	vor.u32 v32, v21;
	v62 =	vor.u32 v54, v8;
	v63 =	vld.idx.msk [tilespmem:v39+s22+$0x0], $0xffff  }
0x9b: {  	v28 =	vand.u32 $0x40, v28;
	v40 =	vor.u32 v30, v22  }
0x9c: {  	v7 =	vor.u32 v10, v6;
	v36 =	vadd.f32 v36, v4;
	v13 =	vor.u32 v0, v28  }
0x9d: {  	v34 =	vadd.f32 v60, v2;
	v28 =	vld.idx.msk [tilespmem:v61+s22+$0x0], $0xffff;
	v45 =	vor.u32 v33, v13  }
0x9e: {  	[tilespmem:v44+s21+$0x0] =	vst.idx.msk $0xffff, v36  }
0x9f: {  	v46 =	vor.u32 v59, v24;
	[tilespmem:v62+s21+$0x0] =	vst.idx.msk $0xffff, v34;
	v39 =	vld.idx.msk [tilespmem:v41+s22+$0x0], $0xffff;
	v47 =	vadd.f32 v63, v3  }
0xa0: {  	v49 =	vor.u32 v31, v21;
	v48 =	vld.idx.msk [tilespmem:v40+s22+$0x0], $0xffff  }
0xa1: {  	v50 =	vor.u32 v9, v1;
	[tilespmem:v7+s21+$0x0] =	vst.idx.msk $0xffff, v47  }
0xa2: {  	v52 =	vor.u32 v32, v20;
	v7 =	vadd.f32 v28, v5;
	v28 =	vor.u32 v59, v8;
	v35 =	vld.idx.msk [tilespmem:v45+s22+$0x0], $0xffff  }
0xa3: {  	v51 =	vor.u32 v30, v21  }
0xa4: {  	v6 =	vor.u32 v11, v6;
	v53 =	vadd.f32 v39, v4;
	[tilespmem:v46+s21+$0x0] =	vst.idx.msk $0xffff, v7  }
0xa5: {  	v36 =	vadd.f32 v48, v2;
	v7 =	vor.u32 $0x10, v29;
	v34 =	vld.idx.msk [tilespmem:v49+s22+$0x0], $0xffff  }
0xa6: {  	[tilespmem:v50+s21+$0x0] =	vst.idx.msk $0xffff, v53;
	v55 =	vor.u32 v7, v23  }
0xa7: {  	v37 =	vld.idx.msk [tilespmem:v52+s22+$0x0], $0xffff;
	[tilespmem:v28+s21+$0x0] =	vst.idx.msk $0xffff, v36;
	v28 =	vor.u32 v9, v24;
	v3 =	vadd.f32 v35, v3  }
0xa8: {  	v57 =	vor.u32 v31, v20;
	v56 =	vld.idx.msk [tilespmem:v51+s22+$0x0], $0xffff  }
0xa9: {  	v60 =	vor.u32 v12, v1;
	[tilespmem:v6+s21+$0x0] =	vst.idx.msk $0xffff, v3  }
0xaa: {  	v58 =	vor.u32 v9, v8;
	v62 =	vor.u32 v32, v19;
	v6 =	vadd.f32 v34, v5;
	v3 =	vld.idx.msk [tilespmem:v7+s23+$0x0], $0xffff  }
0xab: {  	v61 =	vor.u32 v30, v20;
	v39 =	vld.idx.msk [tilespmem:v55+s22+$0x0], $0xffff  }
0xac: {  	v37 =	vadd.f32 v37, v4;
	[tilespmem:v28+s21+$0x0] =	vst.idx.msk $0xffff, v6;
	v6 =	vshll.u32 v7, $0x7  }
0xad: {  	v28 =	vld.idx.msk [tilespmem:v57+s22+$0x0], $0xffff;
	v35 =	vadd.f32 v56, v2;
	v63 =	vor.u32 v54, v6  }
0xae: {  	v42 =	vor.u32 v7, v22;
	[tilespmem:v60+s21+$0x0] =	vst.idx.msk $0xffff, v37  }
0xaf: {  	v14 =	vor.u32 v12, v24;
	v45 =	vld.idx.msk [tilespmem:v62+s22+$0x0], $0xffff;
	[tilespmem:v58+s21+$0x0] =	vst.idx.msk $0xffff, v35  }
0xb0: {  	v16 =	vor.u32 v31, v19;
	v35 =	vld.idx.msk [tilespmem:v61+s22+$0x0], $0xffff;
	v44 =	vadd.f32 v39, v3  }
0xb1: {  	v47 =	vor.u32 v26, v1;
	v50 =	vor.u32 v32, v18  }
0xb2: {  	v46 =	vor.u32 v12, v8;
	v28 =	vadd.f32 v28, v5;
	[tilespmem:v63+s21+$0x0] =	vst.idx.msk $0xffff, v44  }
0xb3: {  	v48 =	vor.u32 v30, v19;
	v49 =	vld.idx.msk [tilespmem:v42+s22+$0x0], $0xffff  }
0xb4: {  	v53 =	vadd.f32 v45, v4;
	[tilespmem:v14+s21+$0x0] =	vst.idx.msk $0xffff, v28  }
0xb5: {  	v52 =	vor.u32 v59, v6;
	v28 =	vld.idx.msk [tilespmem:v16+s22+$0x0], $0xffff;
	v51 =	vadd.f32 v35, v2  }
0xb6: {  	v55 =	vor.u32 v7, v21;
	[tilespmem:v47+s21+$0x0] =	vst.idx.msk $0xffff, v53  }
0xb7: {  	v56 =	vor.u32 v26, v24;
	v61 =	vld.idx.msk [tilespmem:v50+s22+$0x0], $0xffff;
	[tilespmem:v46+s21+$0x0] =	vst.idx.msk $0xffff, v51  }
0xb8: {  	v58 =	vor.u32 v31, v18;
	v57 =	vld.idx.msk [tilespmem:v48+s22+$0x0], $0xffff;
	v60 =	vadd.f32 v49, v3  }
0xb9: {  	v62 =	vor.u32 v26, v8;
	v63 =	vor.u32 v27, v1  }
0xba: {  	v16 =	vor.u32 v32, v17;
	v28 =	vadd.f32 v28, v5;
	[tilespmem:v52+s21+$0x0] =	vst.idx.msk $0xffff, v60  }
0xbb: {  	v14 =	vor.u32 v30, v18;
	v39 =	vld.idx.msk [tilespmem:v55+s22+$0x0], $0xffff  }
0xbc: {  	v47 =	vadd.f32 v61, v4;
	[tilespmem:v56+s21+$0x0] =	vst.idx.msk $0xffff, v28  }
0xbd: {  	v46 =	vor.u32 v9, v6;
	v28 =	vld.idx.msk [tilespmem:v58+s22+$0x0], $0xffff;
	v45 =	vadd.f32 v57, v2  }
0xbe: {  	v48 =	vor.u32 v7, v20;
	[tilespmem:v63+s21+$0x0] =	vst.idx.msk $0xffff, v47  }
0xbf: {  	v49 =	vor.u32 v27, v24;
	v53 =	vld.idx.msk [tilespmem:v16+s22+$0x0], $0xffff;
	[tilespmem:v62+s21+$0x0] =	vst.idx.msk $0xffff, v45  }
0xc0: {  	v51 =	vor.u32 v31, v17;
	v50 =	vld.idx.msk [tilespmem:v14+s22+$0x0], $0xffff;
	v52 =	vadd.f32 v39, v3  }
0xc1: {  	v55 =	vor.u32 v27, v8;
	v56 =	vor.u32 v10, v1  }
0xc2: {  	v58 =	vor.u32 v32, v13;
	v28 =	vadd.f32 v28, v5;
	[tilespmem:v46+s21+$0x0] =	vst.idx.msk $0xffff, v52  }
0xc3: {  	v57 =	vor.u32 v30, v17;
	v40 =	vld.idx.msk [tilespmem:v48+s22+$0x0], $0xffff  }
0xc4: {  	v62 =	vadd.f32 v53, v4;
	[tilespmem:v49+s21+$0x0] =	vst.idx.msk $0xffff, v28  }
0xc5: {  	v61 =	vor.u32 v12, v6;
	v28 =	vld.idx.msk [tilespmem:v51+s22+$0x0], $0xffff;
	v60 =	vadd.f32 v50, v2  }
0xc6: {  	v63 =	vor.u32 v7, v19;
	[tilespmem:v56+s21+$0x0] =	vst.idx.msk $0xffff, v62  }
0xc7: {  	v14 =	vor.u32 v10, v24;
	v46 =	vld.idx.msk [tilespmem:v58+s22+$0x0], $0xffff;
	[tilespmem:v55+s21+$0x0] =	vst.idx.msk $0xffff, v60  }
0xc8: {  	v44 =	vor.u32 v31, v13;
	v16 =	vld.idx.msk [tilespmem:v57+s22+$0x0], $0xffff;
	v45 =	vadd.f32 v40, v3  }
0xc9: {  	v1 =	vor.u32 v11, v1  }
0xca: {  	v47 =	vor.u32 v10, v8;
	v28 =	vadd.f32 v28, v5;
	[tilespmem:v61+s21+$0x0] =	vst.idx.msk $0xffff, v45  }
0xcb: {  	v48 =	vor.u32 v30, v13;
	v38 =	vld.idx.msk [tilespmem:v63+s22+$0x0], $0xffff;
	[tilespmem:$0x1FE20] =	vst v15  }
0xcc: {  	v39 =	vor.u32 $0x10, v15;
	v4 =	vadd.f32 v46, v4;
	[tilespmem:v14+s21+$0x0] =	vst.idx.msk $0xffff, v28  }
0xcd: {  	v49 =	vor.u32 v26, v6;
	v28 =	vor.u32 v39, v23;
	v34 =	vld.idx.msk [tilespmem:v44+s22+$0x0], $0xffff;
	v36 =	vadd.f32 v16, v2  }
0xce: {  	[tilespmem:v1+s21+$0x0] =	vst.idx.msk $0xffff, v4  }
0xcf: {  	v24 =	vor.u32 v11, v24;
	v50 =	vor.u32 v7, v18;
	[tilespmem:v47+s21+$0x0] =	vst.idx.msk $0xffff, v36  }
0xd0: {  	v40 =	vor.u32 $0x10, v43;
	v1 =	vld.idx.msk [tilespmem:v48+s22+$0x0], $0xffff;
	[tilespmem:$0x1FE30] =	vst v43;
	v4 =	vadd.f32 v38, v3  }
0xd1: {  	v43 =	vor.u32 v40, v23;
	v35 =	vld.idx.msk [tilespmem:v39+s23+$0x0], $0xffff  }
0xd2: {  	v8 =	vor.u32 v11, v8;
	v28 =	vld.idx.msk [tilespmem:v28+s22+$0x0], $0xffff;
	v5 =	vadd.f32 v34, v5;
	[tilespmem:v49+s21+$0x0] =	vst.idx.msk $0xffff, v4  }
0xd3: {  	v41 =	vor.u32 $0x10, v25;
	v38 =	vshll.u32 v39, $0x7;
	[tilespmem:$0x1FE40] =	vst v25  }
0xd4: {  	v51 =	vor.u32 v54, v38;
	v4 =	vld.idx.msk [tilespmem:v50+s22+$0x0], $0xffff;
	[tilespmem:v24+s21+$0x0] =	vst.idx.msk $0xffff, v5;
	v5 =	vor.u32 v41, v23  }
0xd5: {  	s28 =	simm.s32 $0x4;
	v52 =	vor.u32 v39, v22;
	v36 =	vld.idx.msk [tilespmem:v40+s23+$0x0], $0xffff;
	v1 =	vadd.f32 v1, v2  }
0xd6: {  	v0 =	vadd.s32 s28, v54;
	v44 =	vor.u32 v27, v6;
	v45 =	vld.idx.msk [tilespmem:v43+s22+$0x0], $0xffff  }
0xd7: {  	v2 =	vor.u32 v7, v17;
	v43 =	vshll.u32 v40, $0x7;
	v46 =	vadd.f32 v28, v35;
	[tilespmem:v8+s21+$0x0] =	vst.idx.msk $0xffff, v1  }
0xd8: {  	v14 =	vand.u32 $0xF, v0;
	v1 =	vor.u32 v54, v43;
	v34 =	vld.idx.msk [tilespmem:v41+s23+$0x0], $0xffff  }
0xd9: {  	v8 =	vor.u32 v40, v22;
	[tilespmem:v51+s21+$0x0] =	vst.idx.msk $0xffff, v46;
	v4 =	vadd.f32 v4, v3;
	v5 =	vld.idx.msk [tilespmem:v5+s22+$0x0], $0xffff  }
0xda: {  	v42 =	vshll.u32 v41, $0x7;
	v53 =	vor.u32 v14, v23;
	v46 =	vld.idx.msk [tilespmem:v52+s22+$0x0], $0xffff  }
0xdb: {  	v55 =	vor.u32 v54, v42;
	[tilespmem:v44+s21+$0x0] =	vst.idx.msk $0xffff, v4;
	v4 =	vadd.f32 v45, v36  }
0xdc: {  	v48 =	vor.u32 v41, v22;
	v56 =	vor.u32 v59, v38;
	v47 =	vld.idx.msk [tilespmem:v2+s22+$0x0], $0xffff  }
0xdd: {  	v49 =	vor.u32 v39, v21;
	[tilespmem:v1+s21+$0x0] =	vst.idx.msk $0xffff, v4  }
0xde: {  	v1 =	vor.u32 v10, v6;
	v4 =	vld.idx.msk [tilespmem:v8+s22+$0x0], $0xffff;
	v5 =	vadd.f32 v5, v34  }
0xdf: {  	v37 =	vld.idx.msk [tilespmem:v53+s22+$0x0], $0xffff;
	v7 =	vor.u32 v7, v13;
	v8 =	vadd.f32 v46, v35  }
0xe0: {  	v2 =	vld.idx.msk [tilespmem:v14+s23+$0x0], $0xffff;
	[tilespmem:v55+s21+$0x0] =	vst.idx.msk $0xffff, v5;
	v5 =	vor.u32 v59, v43  }
0xe1: {  	v57 =	vor.u32 v40, v21;
	[tilespmem:v56+s21+$0x0] =	vst.idx.msk $0xffff, v8;
	v8 =	vadd.f32 v47, v3;
	v44 =	vld.idx.msk [tilespmem:v48+s22+$0x0], $0xffff  }
0xe2: {  	v58 =	vld.idx.msk [tilespmem:v49+s22+$0x0], $0xffff  }
0xe3: {  	[tilespmem:v1+s21+$0x0] =	vst.idx.msk $0xffff, v8;
	v1 =	vadd.f32 v4, v36;
	v8 =	vor.u32 v59, v42  }
0xe4: {  	v61 =	vor.u32 v41, v21;
	v60 =	vor.u32 v9, v38;
	v4 =	vshll.u32 v14, $0x7;
	v7 =	vld.idx.msk [tilespmem:v7+s22+$0x0], $0xffff  }
0xe5: {  	v62 =	vor.u32 v54, v4;
	[tilespmem:v5+s21+$0x0] =	vst.idx.msk $0xffff, v1;
	v1 =	vor.u32 v39, v20  }
0xe6: {  	v6 =	vor.u32 v11, v6;
	v5 =	vor.u32 v14, v22;
	v45 =	vld.idx.msk [tilespmem:v57+s22+$0x0], $0xffff;
	v44 =	vadd.f32 v44, v34  }
0xe7: {  	v50 =	vadd.f32 v37, v2;
	v37 =	vor.u32 $0x20, v33;
	v46 =	vadd.f32 v58, v35  }
0xe8: {  	v33 =	vor.u32 v37, v23;
	[tilespmem:v8+s21+$0x0] =	vst.idx.msk $0xffff, v44;
	v8 =	vor.u32 v9, v43  }
0xe9: {  	v63 =	vor.u32 v40, v20;
	[tilespmem:v60+s21+$0x0] =	vst.idx.msk $0xffff, v46;
	v3 =	vadd.f32 v7, v3;
	v7 =	vld.idx.msk [tilespmem:v61+s22+$0x0], $0xffff  }
0xea: {  	[tilespmem:v62+s21+$0x0] =	vst.idx.msk $0xffff, v50;
	v1 =	vld.idx.msk [tilespmem:v1+s22+$0x0], $0xffff  }
0xeb: {  	v15 =	vor.u32 v9, v42;
	v5 =	vld.idx.msk [tilespmem:v5+s22+$0x0], $0xffff;
	[tilespmem:v6+s21+$0x0] =	vst.idx.msk $0xffff, v3;
	v6 =	vadd.f32 v45, v36  }
0xec: {  	v16 =	vor.u32 v41, v20;
	v55 =	vor.u32 v12, v38;
	v3 =	vld.idx.msk [tilespmem:v37+s23+$0x0], $0xffff  }
0xed: {  	v56 =	vld.idx.msk [tilespmem:v33+s22+$0x0], $0xffff;
	[tilespmem:v8+s21+$0x0] =	vst.idx.msk $0xffff, v6;
	v6 =	vor.u32 v39, v19  }
0xee: {  	v57 =	vor.u32 v59, v4;
	v33 =	vshll.u32 v37, $0x7;
	v8 =	vld.idx.msk [tilespmem:v63+s22+$0x0], $0xffff;
	v7 =	vadd.f32 v7, v34  }
0xef: {  	v58 =	vor.u32 v14, v21;
	v60 =	vor.u32 v54, v33;
	v1 =	vadd.f32 v1, v35  }
0xf0: {  	v51 =	vor.u32 v37, v22;
	[tilespmem:v15+s21+$0x0] =	vst.idx.msk $0xffff, v7;
	v7 =	vor.u32 v12, v43  }
0xf1: {  	v61 =	vor.u32 v40, v19;
	v5 =	vadd.f32 v5, v2;
	v45 =	vld.idx.msk [tilespmem:v16+s22+$0x0], $0xffff;
	[tilespmem:v55+s21+$0x0] =	vst.idx.msk $0xffff, v1  }
0xf2: {  	v1 =	vadd.f32 v56, v3;
	v6 =	vld.idx.msk [tilespmem:v6+s22+$0x0], $0xffff  }
0xf3: {  	[tilespmem:v57+s21+$0x0] =	vst.idx.msk $0xffff, v5;
	v5 =	vadd.f32 v8, v36;
	v8 =	vor.u32 v12, v42  }
0xf4: {  	v62 =	vor.u32 v26, v38;
	v44 =	vld.idx.msk [tilespmem:v58+s22+$0x0], $0xffff;
	[tilespmem:v60+s21+$0x0] =	vst.idx.msk $0xffff, v1;
	v1 =	vor.u32 v41, v19  }
0xf5: {  	v63 =	vld.idx.msk [tilespmem:v51+s22+$0x0], $0xffff;
	[tilespmem:v7+s21+$0x0] =	vst.idx.msk $0xffff, v5;
	v5 =	vor.u32 v39, v18  }
0xf6: {  	v15 =	vor.u32 v9, v4;
	v7 =	vld.idx.msk [tilespmem:v61+s22+$0x0], $0xffff;
	v45 =	vadd.f32 v45, v34  }
0xf7: {  	v16 =	vor.u32 v14, v20;
	v55 =	vor.u32 v59, v33;
	v6 =	vadd.f32 v6, v35  }
0xf8: {  	v56 =	vor.u32 v37, v21;
	[tilespmem:v8+s21+$0x0] =	vst.idx.msk $0xffff, v45;
	v8 =	vor.u32 v26, v43  }
0xf9: {  	v57 =	vor.u32 v40, v18;
	v44 =	vadd.f32 v44, v2;
	v1 =	vld.idx.msk [tilespmem:v1+s22+$0x0], $0xffff;
	[tilespmem:v62+s21+$0x0] =	vst.idx.msk $0xffff, v6  }
0xfa: {  	v6 =	vadd.f32 v63, v3;
	v5 =	vld.idx.msk [tilespmem:v5+s22+$0x0], $0xffff  }
0xfb: {  	v58 =	vor.u32 v26, v42;
	[tilespmem:v15+s21+$0x0] =	vst.idx.msk $0xffff, v44;
	v7 =	vadd.f32 v7, v36  }
0xfc: {  	v60 =	vor.u32 v27, v38;
	v46 =	vld.idx.msk [tilespmem:v16+s22+$0x0], $0xffff;
	[tilespmem:v55+s21+$0x0] =	vst.idx.msk $0xffff, v6;
	v6 =	vor.u32 v41, v18  }
0xfd: {  	v61 =	vld.idx.msk [tilespmem:v56+s22+$0x0], $0xffff;
	[tilespmem:v8+s21+$0x0] =	vst.idx.msk $0xffff, v7;
	v7 =	vor.u32 v39, v17  }
0xfe: {  	v62 =	vor.u32 v12, v4;
	v8 =	vld.idx.msk [tilespmem:v57+s22+$0x0], $0xffff;
	v1 =	vadd.f32 v1, v34  }
0xff: {  	v63 =	vor.u32 v14, v19;
	v15 =	vor.u32 v9, v33;
	v5 =	vadd.f32 v5, v35  }
0x100: {  	v16 =	vor.u32 v37, v20;
	[tilespmem:v58+s21+$0x0] =	vst.idx.msk $0xffff, v1;
	v1 =	vor.u32 v27, v43  }
0x101: {  	v55 =	vor.u32 v40, v17;
	v53 =	vadd.f32 v46, v2;
	v6 =	vld.idx.msk [tilespmem:v6+s22+$0x0], $0xffff;
	[tilespmem:v60+s21+$0x0] =	vst.idx.msk $0xffff, v5  }
0x102: {  	v5 =	vadd.f32 v61, v3;
	v7 =	vld.idx.msk [tilespmem:v7+s22+$0x0], $0xffff  }
0x103: {  	v56 =	vor.u32 v27, v42;
	[tilespmem:v62+s21+$0x0] =	vst.idx.msk $0xffff, v53;
	v8 =	vadd.f32 v8, v36  }
0x104: {  	v57 =	vor.u32 v10, v38;
	v45 =	vld.idx.msk [tilespmem:v63+s22+$0x0], $0xffff;
	[tilespmem:v15+s21+$0x0] =	vst.idx.msk $0xffff, v5;
	v5 =	vor.u32 v41, v17  }
0x105: {  	v58 =	vld.idx.msk [tilespmem:v16+s22+$0x0], $0xffff;
	[tilespmem:v1+s21+$0x0] =	vst.idx.msk $0xffff, v8;
	v1 =	vor.u32 v39, v13  }
0x106: {  	v60 =	vor.u32 v26, v4;
	v8 =	vld.idx.msk [tilespmem:v55+s22+$0x0], $0xffff;
	v6 =	vadd.f32 v6, v34  }
0x107: {  	v61 =	vor.u32 v14, v18;
	v62 =	vor.u32 v12, v33;
	v7 =	vadd.f32 v7, v35  }
0x108: {  	v63 =	vor.u32 v37, v19;
	[tilespmem:v56+s21+$0x0] =	vst.idx.msk $0xffff, v6;
	v6 =	vor.u32 v10, v43  }
0x109: {  	v40 =	vor.u32 v40, v13;
	v15 =	vadd.f32 v45, v2;
	v5 =	vld.idx.msk [tilespmem:v5+s22+$0x0], $0xffff;
	[tilespmem:v57+s21+$0x0] =	vst.idx.msk $0xffff, v7  }
0x10a: {  	v7 =	vadd.f32 v58, v3;
	v1 =	vld.idx.msk [tilespmem:v1+s22+$0x0], $0xffff  }
0x10b: {  	v16 =	vor.u32 v10, v42;
	[tilespmem:v60+s21+$0x0] =	vst.idx.msk $0xffff, v15;
	v8 =	vadd.f32 v8, v36  }
0x10c: {  	v38 =	vor.u32 v11, v38;
	v44 =	vld.idx.msk [tilespmem:v61+s22+$0x0], $0xffff;
	[tilespmem:v62+s21+$0x0] =	vst.idx.msk $0xffff, v7;
	v7 =	vor.u32 v41, v13  }
0x10d: {  	v50 =	vor.u32 $0x20, v32;
	v52 =	vld.idx.msk [tilespmem:v63+s22+$0x0], $0xffff;
	[tilespmem:v6+s21+$0x0] =	vst.idx.msk $0xffff, v8  }
0x10e: {  	v32 =	vor.u32 v50, v23;
	v8 =	vor.u32 v27, v4;
	v6 =	vld.idx.msk [tilespmem:v40+s22+$0x0], $0xffff;
	v5 =	vadd.f32 v5, v34  }
0x10f: {  	v53 =	vor.u32 v14, v17;
	v55 =	vor.u32 v26, v33;
	v1 =	vadd.f32 v1, v35  }
0x110: {  	v56 =	vor.u32 v37, v18;
	[tilespmem:v16+s21+$0x0] =	vst.idx.msk $0xffff, v5;
	v5 =	vor.u32 v11, v43  }
0x111: {  	v46 =	vor.u32 $0x20, v31;
	v57 =	vadd.f32 v44, v2;
	v7 =	vld.idx.msk [tilespmem:v7+s22+$0x0], $0xffff;
	[tilespmem:v38+s21+$0x0] =	vst.idx.msk $0xffff, v1  }
0x112: {  	v31 =	vor.u32 v46, v23;
	v1 =	vadd.f32 v52, v3;
	v43 =	vld.idx.msk [tilespmem:v50+s23+$0x0], $0xffff  }
0x113: {  	[tilespmem:v8+s21+$0x0] =	vst.idx.msk $0xffff, v57;
	v8 =	vld.idx.msk [tilespmem:v32+s22+$0x0], $0xffff;
	v6 =	vadd.f32 v6, v36  }
0x114: {  	v58 =	vor.u32 v11, v42;
	v60 =	vld.idx.msk [tilespmem:v53+s22+$0x0], $0xffff;
	[tilespmem:v55+s21+$0x0] =	vst.idx.msk $0xffff, v1  }
0x115: {  	v48 =	vor.u32 $0x20, v30;
	v49 =	vshll.u32 v50, $0x7;
	v1 =	vld.idx.msk [tilespmem:v56+s22+$0x0], $0xffff;
	[tilespmem:v5+s21+$0x0] =	vst.idx.msk $0xffff, v6  }
0x116: {  	v5 =	vor.u32 v48, v23;
	v6 =	vor.u32 v54, v49;
	v41 =	vld.idx.msk [tilespmem:v46+s23+$0x0], $0xffff  }
0x117: {  	v30 =	vor.u32 v10, v4;
	v61 =	vor.u32 v50, v22;
	v7 =	vadd.f32 v7, v34;
	v31 =	vld.idx.msk [tilespmem:v31+s22+$0x0], $0xffff  }
0x118: {  	v45 =	vshll.u32 v46, $0x7;
	v62 =	vor.u32 v14, v13;
	v63 =	vor.u32 v27, v33;
	[tilespmem:$0x1FE50] =	vst v14  }
0x119: {  	v15 =	vor.u32 v54, v45;
	[tilespmem:v58+s21+$0x0] =	vst.idx.msk $0xffff, v7;
	v7 =	vadd.f32 v8, v43  }
0x11a: {  	v8 =	vor.u32 v37, v17;
	v14 =	vadd.f32 v60, v2;
	v40 =	vld.idx.msk [tilespmem:v48+s23+$0x0], $0xffff  }
0x11b: {  	v16 =	vor.u32 v46, v22;
	v1 =	vadd.f32 v1, v3;
	v5 =	vld.idx.msk [tilespmem:v5+s22+$0x0], $0xffff;
	[tilespmem:v6+s21+$0x0] =	vst.idx.msk $0xffff, v7  }
0x11c: {  	v42 =	vshll.u32 v48, $0x7;
	[tilespmem:v30+s21+$0x0] =	vst.idx.msk $0xffff, v14;
	v6 =	vld.idx.msk [tilespmem:v61+s22+$0x0], $0xffff;
	v30 =	vadd.f32 v31, v41  }
0x11d: {  	v7 =	vld.idx.msk [tilespmem:v62+s22+$0x0], $0xffff;
	[tilespmem:v63+s21+$0x0] =	vst.idx.msk $0xffff, v1;
	v1 =	vor.u32 v54, v42  }
0x11e: {  	v47 =	vor.u32 v59, v49;
	[tilespmem:v15+s21+$0x0] =	vst.idx.msk $0xffff, v30  }
0x11f: {  	v4 =	vor.u32 v11, v4;
	v8 =	vld.idx.msk [tilespmem:v8+s22+$0x0], $0xffff;
	[tilespmem:$0x1FE60] =	vst v0  }
0x120: {  	v53 =	vor.u32 v10, v33;
	v30 =	vor.u32 v50, v21;
	v51 =	vld.idx.msk [tilespmem:v16+s22+$0x0], $0xffff;
	v5 =	vadd.f32 v5, v40  }
0x121: {  	v37 =	vor.u32 v37, v13;
	v31 =	vor.u32 v48, v22;
	v6 =	vadd.f32 v6, v43  }
0x122: {  	v2 =	vadd.f32 v7, v2;
	[tilespmem:v1+s21+$0x0] =	vst.idx.msk $0xffff, v5;
	v1 =	vor.u32 v59, v45  }
0x123: {  	v56 =	vor.u32 $0x10, v0;
	[tilespmem:v47+s21+$0x0] =	vst.idx.msk $0xffff, v6  }
0x124: {  	v52 =	vor.u32 v56, v23;
	[tilespmem:v4+s21+$0x0] =	vst.idx.msk $0xffff, v2;
	v2 =	vadd.f32 v8, v3  }
0x125: {  	v4 =	vld.idx.msk [tilespmem:v30+s22+$0x0], $0xffff;
	v6 =	vadd.f32 v51, v41  }
0x126: {  	v7 =	vor.u32 v46, v21;
	v5 =	vld.idx.msk [tilespmem:v31+s22+$0x0], $0xffff;
	[tilespmem:v53+s21+$0x0] =	vst.idx.msk $0xffff, v2  }
0x127: {  	v31 =	vld.idx.msk [tilespmem:v37+s22+$0x0], $0xffff;
	[tilespmem:v1+s21+$0x0] =	vst.idx.msk $0xffff, v6;
	v1 =	vor.u32 v9, v49  }
0x128: {  	v8 =	vor.u32 v59, v42;
	v28 =	vld.idx.msk [tilespmem:v56+s23+$0x0], $0xffff  }
0x129: {  	v33 =	vor.u32 v11, v33;
	v30 =	vld.idx.msk [tilespmem:v52+s22+$0x0], $0xffff;
	v2 =	vor.u32 v48, v21  }
0x12a: {  	v35 =	vshll.u32 v56, $0x7;
	v37 =	vor.u32 $0x30, v29;
	v4 =	vadd.f32 v4, v43  }
0x12b: {  	v55 =	vor.u32 v54, v35;
	v6 =	vld.idx.msk [tilespmem:v7+s22+$0x0], $0xffff;
	v7 =	vor.u32 v50, v20;
	v5 =	vadd.f32 v5, v40  }
0x12c: {  	v57 =	vor.u32 v56, v22;
	[tilespmem:v1+s21+$0x0] =	vst.idx.msk $0xffff, v4;
	v1 =	vadd.f32 v31, v3  }
0x12d: {  	[tilespmem:v8+s21+$0x0] =	vst.idx.msk $0xffff, v5;
	v5 =	vor.u32 v9, v45  }
0x12e: {  	s29 =	simm.s32 $0x7;
	v8 =	vadd.f32 v30, v28;
	v2 =	vld.idx.msk [tilespmem:v2+s22+$0x0], $0xffff;
	[tilespmem:v33+s21+$0x0] =	vst.idx.msk $0xffff, v1  }
0x12f: {  	v39 =	vadd.s32 s29, v54;
	v30 =	vor.u32 v46, v20;
	v0 =	vld.idx.msk [tilespmem:v37+s23+$0x0], $0xffff  }
0x130: {  	v3 =	vor.u32 v37, v23;
	[tilespmem:v55+s21+$0x0] =	vst.idx.msk $0xffff, v8;
	v4 =	vld.idx.msk [tilespmem:v7+s22+$0x0], $0xffff;
	v6 =	vadd.f32 v6, v41  }
0x131: {  	v32 =	vand.u32 $0xF, v39;
	v7 =	vld.idx.msk [tilespmem:v57+s22+$0x0], $0xffff;
	v1 =	vor.u32 v9, v42  }
0x132: {  	v8 =	vor.u32 v32, v23;
	[tilespmem:v5+s21+$0x0] =	vst.idx.msk $0xffff, v6;
	v5 =	vor.u32 v12, v49  }
0x133: {  	v58 =	vor.u32 v48, v20;
	v60 =	vor.u32 v50, v19;
	v61 =	vor.u32 v59, v35  }
0x134: {  	v6 =	vld.idx.msk [tilespmem:v30+s22+$0x0], $0xffff;
	v2 =	vadd.f32 v2, v40;
	v30 =	vmov v0;
	v0 =	vor.u32 v37, v13  }
0x135: {  	v62 =	vor.u32 v56, v21;
	v3 =	vld.idx.msk [tilespmem:v3+s22+$0x0], $0xffff;
	v4 =	vadd.f32 v4, v43;
	[tilespmem:$0x1FE70] =	vst v0  }
0x136: {  	v34 =	vshll.u32 v37, $0x7;
	v7 =	vadd.f32 v7, v28;
	v55 =	vld.idx.msk [tilespmem:v32+s23+$0x0], $0xffff;
	[tilespmem:v1+s21+$0x0] =	vst.idx.msk $0xffff, v2  }
0x137: {  	v0 =	vor.u32 v37, v17;
	v8 =	vld.idx.msk [tilespmem:v8+s22+$0x0], $0xffff;
	v1 =	vor.u32 v12, v45;
	[tilespmem:v5+s21+$0x0] =	vst.idx.msk $0xffff, v4  }
0x138: {  	v2 =	vor.u32 v54, v34;
	v63 =	vld.idx.msk [tilespmem:v58+s22+$0x0], $0xffff;
	v58 =	vshll.u32 v32, $0x7;
	[tilespmem:$0x1FE80] =	vst v0  }
0x139: {  	v14 =	vor.u32 v46, v19;
	[tilespmem:v61+s21+$0x0] =	vst.idx.msk $0xffff, v7;
	v7 =	vor.u32 v54, v58  }
0x13a: {  	v6 =	vadd.f32 v6, v41;
	v4 =	vor.u32 v37, v22;
	v5 =	vld.idx.msk [tilespmem:v60+s22+$0x0], $0xffff  }
0x13b: {  	v15 =	vor.u32 v32, v22;
	v3 =	vadd.f32 v3, v30;
	v0 =	vor.u32 v12, v42;
	[tilespmem:$0x1FE90] =	vst v22  }
0x13c: {  	v44 =	vld.idx.msk [tilespmem:v62+s22+$0x0], $0xffff;
	[tilespmem:v1+s21+$0x0] =	vst.idx.msk $0xffff, v6;
	v1 =	vor.u32 v26, v49;
	v6 =	vadd.f32 v8, v55  }
0x13d: {  	v53 =	vor.u32 v48, v19;
	[tilespmem:v2+s21+$0x0] =	vst.idx.msk $0xffff, v3  }
0x13e: {  	v8 =	vor.u32 v9, v35;
	v3 =	vld.idx.msk [tilespmem:v14+s22+$0x0], $0xffff;
	v16 =	vadd.f32 v63, v40;
	[tilespmem:v7+s21+$0x0] =	vst.idx.msk $0xffff, v6  }
0x13f: {  	v2 =	vor.u32 v50, v18;
	v4 =	vld.idx.msk [tilespmem:v4+s22+$0x0], $0xffff;
	v5 =	vadd.f32 v5, v43;
	[tilespmem:$0x1FEA0] =	vst v19  }
0x140: {  	v10 =	vor.u32 v46, v18;
	v6 =	vor.u32 v56, v20;
	[tilespmem:v0+s21+$0x0] =	vst.idx.msk $0xffff, v16  }
0x141: {  	v7 =	vor.u32 v26, v45;
	v36 =	vld.idx.msk [tilespmem:v15+s22+$0x0], $0xffff;
	v44 =	vadd.f32 v44, v28;
	[tilespmem:v1+s21+$0x0] =	vst.idx.msk $0xffff, v5  }
0x142: {  	v47 =	vor.u32 v37, v19;
	v1 =	vld.idx.msk [tilespmem:v53+s22+$0x0], $0xffff;
	v5 =	vor.u32 v59, v34;
	[tilespmem:$0x1FEB0] =	vst v20  }
0x143: {  	v22 =	vor.u32 v26, v42;
	[tilespmem:v8+s21+$0x0] =	vst.idx.msk $0xffff, v44;
	v8 =	vor.u32 v59, v58  }
0x144: {  	v19 =	vor.u32 v37, v21;
	v3 =	vadd.f32 v3, v41;
	v2 =	vld.idx.msk [tilespmem:v2+s22+$0x0], $0xffff;
	[tilespmem:$0x1FEC0] =	vst v21  }
0x145: {  	v4 =	vadd.f32 v4, v30;
	v21 =	vor.u32 v32, v21;
	v44 =	vld.idx.msk [tilespmem:v6+s22+$0x0], $0xffff;
	[tilespmem:$0x1FED0] =	vst v18  }
0x146: {  	[tilespmem:v7+s21+$0x0] =	vst.idx.msk $0xffff, v3;
	v7 =	vor.u32 v27, v49;
	v3 =	vadd.f32 v36, v55  }
0x147: {  	s30 =	simm.s32 $0x6;
	v60 =	vor.u32 v48, v18;
	v61 =	vor.u32 v50, v17;
	v0 =	vlaneseq.u32;
	[tilespmem:v5+s21+$0x0] =	vst.idx.msk $0xffff, v4  }
0x148: {  	v51 =	vadd.s32 s30, v0;
	v4 =	vadd.f32 v1, v40;
	v0 =	vld.idx.msk [tilespmem:v10+s22+$0x0], $0xffff;
	[tilespmem:v8+s21+$0x0] =	vst.idx.msk $0xffff, v3  }
0x149: {  	v38 =	vor.u32 v56, v13;
	v36 =	vand.u32 $0xF, v51;
	v33 =	vld.idx.msk [tilespmem:v19+s22+$0x0], $0xffff;
	v2 =	vadd.f32 v2, v43;
	[tilespmem:$0x1FEE0] =	vst v13  }
0x14a: {  	v52 =	vor.u32 v56, v17;
	v29 =	vor.u32 v37, v18;
	[tilespmem:v22+s21+$0x0] =	vst.idx.msk $0xffff, v4  }
0x14b: {  	s31 =	simm.s32 $0x5;
	v57 =	vor.u32 v37, v20;
	v54 =	vlaneseq.u32;
	v62 =	vor.u32 v12, v35;
	v1 =	vld.idx.msk [tilespmem:v21+s22+$0x0], $0xffff;
	[tilespmem:v7+s21+$0x0] =	vst.idx.msk $0xffff, v2  }
0x14c: {  	v53 =	vadd.s32 s31, v54;
	v5 =	vor.u32 v9, v58;
	v6 =	vor.u32 v36, v23;
	v63 =	vld.idx.msk [tilespmem:v60+s22+$0x0], $0xffff;
	[tilespmem:$0x1FEF0] =	vst v17  }
0x14d: {  	v37 =	vand.u32 $0xF, v53;
	v3 =	vor.u32 v27, v45;
	v60 =	vor.u32 v46, v17;
	v61 =	vld.idx.msk [tilespmem:v61+s22+$0x0], $0xffff;
	[tilespmem:$0x1FF00] =	vst v23  }
0x14e: {  	s24 =	simm.s32 $0x8;
	v2 =	vadd.f32 v44, v28;
	v7 =	vor.u32 v37, v23;
	v4 =	vadd.f32 v0, v41;
	v59 =	vld.idx.msk [tilespmem:v36+s23+$0x0], $0xffff  }
.LBB2_6:
0x14f: {  	_ = 	snop  }
0x150: {  	v20 =	vld [tilespmem:$0x1FED0]  }
0x151: {  	v6 =	vld.idx.msk [tilespmem:v6+s22+$0x0], $0xffff  }
0x152: {  	v22 =	vld [tilespmem:$0x1FEB0]  }
0x153: {  	v19 =	vld [tilespmem:$0x1FEF0]  }
0x154: {  	v17 =	vld [tilespmem:$0x1FFB0]  }
0x155: {  	v18 =	vld [tilespmem:$0x1FEE0]  }
0x156: {  	v7 =	vld.idx.msk [tilespmem:v7+s22+$0x0], $0xffff  }
0x157: {  	v16 =	vld [tilespmem:$0x1FE90]  }
0x158: {  	v21 =	vld [tilespmem:$0x1FEA0]  }
0x159: {  	v14 =	vld [tilespmem:$0x1FFE0]  }
0x15a: {  	v8 =	vor.u32 v27, v42;
	v1 =	vadd.f32 v1, v55;
	v12 =	vld [tilespmem:$0x1FFD0];
	[tilespmem:v62+s21+$0x0] =	vst.idx.msk $0xffff, v2;
	v62 =	vshll.u32 v36, $0x7  }
0x15b: {  	v23 =	vld [tilespmem:$0x1FEC0];
	[tilespmem:v3+s21+$0x0] =	vst.idx.msk $0xffff, v4;
	v26 =	vor.u32 v54, v62;
	v25 =	vor.u32 v48, v19  }
0x15c: {  	v3 =	vld.idx.msk [tilespmem:v60+s22+$0x0], $0xffff;
	[tilespmem:v5+s21+$0x0] =	vst.idx.msk $0xffff, v1;
	v1 =	vor.u32 v9, v34;
	v24 =	vor.u32 v32, v22  }
0x15d: {  	v0 =	vld [tilespmem:$0x1FE20];
	v63 =	vadd.f32 v63, v40;
	v4 =	vor.u32 v17, v49;
	v27 =	vor.u32 v36, v16  }
0x15e: {  	[tilespmem:$0x1FDE0] =	vst v52;
	v13 =	vld [tilespmem:$0x1FF00];
	v6 =	vadd.f32 v6, v59;
	v52 =	vor.u32 v17, v45  }
0x15f: {  	v60 =	vld.idx.msk [tilespmem:v37+s23+$0x0], $0xffff;
	v5 =	vadd.f32 v33, v30;
	[tilespmem:v8+s21+$0x0] =	vst.idx.msk $0xffff, v63  }
0x160: {  	v50 =	vor.u32 v50, v18;
	v8 =	vadd.f32 v61, v43;
	[tilespmem:v26+s21+$0x0] =	vst.idx.msk $0xffff, v6;
	v25 =	vld.idx.msk [tilespmem:v25+s22+$0x0], $0xffff  }
0x161: {  	v61 =	vshll.u32 v37, $0x7;
	[tilespmem:v1+s21+$0x0] =	vst.idx.msk $0xffff, v5;
	v3 =	vadd.f32 v3, v41;
	v24 =	vld.idx.msk [tilespmem:v24+s22+$0x0], $0xffff  }
0x162: {  	v46 =	vor.u32 v46, v18;
	v31 =	vor.u32 v54, v61;
	[tilespmem:v4+s21+$0x0] =	vst.idx.msk $0xffff, v8;
	v26 =	vld.idx.msk [tilespmem:v27+s22+$0x0], $0xffff  }
0x163: {  	v8 =	vor.u32 v37, v16;
	[tilespmem:v52+s21+$0x0] =	vst.idx.msk $0xffff, v3;
	v52 =	vmov v34;
	v34 =	vld [tilespmem:$0x1FFF0]  }
0x164: {  	v15 =	vld [tilespmem:$0x1FFC0];
	v5 =	vadd.f32 v7, v60;
	v7 =	vor.u32 v14, v58;
	v4 =	vor.u32 v56, v21  }
0x165: {  	v1 =	vor.u32 v17, v42;
	v27 =	vor.u32 v48, v18;
	v48 =	vor.u32 $0x30, v0;
	v0 =	vld [tilespmem:$0x1FE30]  }
0x166: {  	v10 =	vadd.s32 s24, v54;
	v2 =	vor.u32 v56, v20;
	v63 =	vor.u32 v36, v23;
	v6 =	vld.idx.msk [tilespmem:v50+s22+$0x0], $0xffff  }
0x167: {  	[tilespmem:v31+s21+$0x0] =	vst.idx.msk $0xffff, v5;
	v5 =	vor.u32 v12, v62;
	v31 =	vld.idx.msk [tilespmem:v46+s22+$0x0], $0xffff;
	v24 =	vadd.f32 v24, v55  }
0x168: {  	v56 =	vor.u32 v32, v21;
	v3 =	vor.u32 v34, v49;
	v25 =	vadd.f32 v25, v40;
	v8 =	vld.idx.msk [tilespmem:v8+s22+$0x0], $0xffff  }
0x169: {  	v4 =	vld.idx.msk [tilespmem:v4+s22+$0x0], $0xffff;
	[tilespmem:v7+s21+$0x0] =	vst.idx.msk $0xffff, v24;
	v24 =	vor.u32 v34, v45;
	v45 =	vand.u32 $0xF, v10  }
0x16a: {  	v49 =	vor.u32 $0x30, v0;
	[tilespmem:v1+s21+$0x0] =	vst.idx.msk $0xffff, v25;
	v25 =	vadd.f32 v26, v59;
	v0 =	vor.u32 v45, v16  }
0x16b: {  	v1 =	vadd.f32 v6, v43;
	[tilespmem:$0x1FE00] =	vst v0;
	v0 =	vld [tilespmem:$0x1FE40]  }
0x16c: {  	v6 =	vor.u32 v48, v13;
	v26 =	vor.u32 v12, v61;
	v7 =	vld.idx.msk [tilespmem:v27+s22+$0x0], $0xffff;
	[tilespmem:v5+s21+$0x0] =	vst.idx.msk $0xffff, v25  }
0x16d: {  	v27 =	vld.idx.msk [tilespmem:v57+s22+$0x0], $0xffff;
	[tilespmem:v3+s21+$0x0] =	vst.idx.msk $0xffff, v1;
	v1 =	vor.u32 v37, v23  }
0x16e: {  	v25 =	vor.u32 v34, v42;
	v42 =	vor.u32 v15, v35;
	v5 =	vld.idx.msk [tilespmem:v63+s22+$0x0], $0xffff  }
0x16f: {  	[tilespmem:$0x1FDF0] =	vst v38;
	v33 =	vor.u32 v49, v13;
	v8 =	vadd.f32 v8, v60;
	v3 =	vld.idx.msk [tilespmem:v56+s22+$0x0], $0xffff  }
0x170: {  	v11 =	vmovc v39;
	v31 =	vadd.f32 v31, v41;
	v4 =	vadd.f32 v4, v28;
	v41 =	vld.idx.msk [tilespmem:v48+s23+$0x0], $0xffff;
	v56 =	vor.u32 $0x30, v0  }
0x171: {  	v6 =	vld.idx.msk [tilespmem:v6+s22+$0x0], $0xffff;
	[tilespmem:v26+s21+$0x0] =	vst.idx.msk $0xffff, v8;
	v8 =	vor.u32 v9, v62;
	v38 =	vor.u32 v56, v13  }
0x172: {  	[tilespmem:v24+s21+$0x0] =	vst.idx.msk $0xffff, v31;
	v24 =	vor.u32 v36, v22;
	v7 =	vadd.f32 v7, v40;
	v1 =	vld.idx.msk [tilespmem:v1+s22+$0x0], $0xffff  }
0x173: {  	v50 =	vshll.u32 v48, $0x7;
	v46 =	vor.u32 v48, v16;
	v63 =	vmov v35;
	v40 =	vld.idx.msk [tilespmem:v49+s23+$0x0], $0xffff;
	[tilespmem:v42+s21+$0x0] =	vst.idx.msk $0xffff, v4  }
0x174: {  	[tilespmem:v25+s21+$0x0] =	vst.idx.msk $0xffff, v7;
	v7 =	vld.idx.msk [tilespmem:v33+s22+$0x0], $0xffff;
	v4 =	vadd.f32 v5, v59;
	v25 =	vor.u32 v9, v61  }
0x175: {  	v35 =	vmovc v53;
	v53 =	vshll.u32 v49, $0x7;
	v0 =	vor.u32 v17, v52;
	v5 =	vor.u32 v54, v50;
	v42 =	vld.idx.msk [tilespmem:v56+s23+$0x0], $0xffff  }
0x176: {  	v33 =	vor.u32 v37, v22;
	[tilespmem:v8+s21+$0x0] =	vst.idx.msk $0xffff, v4;
	v4 =	vor.u32 v15, v58;
	v39 =	vld.idx.msk [tilespmem:v38+s22+$0x0], $0xffff  }
0x177: {  	v43 =	vmovc v51;
	v51 =	vshll.u32 v56, $0x7;
	v8 =	vld.idx.msk [tilespmem:v24+s22+$0x0], $0xffff;
	v24 =	vor.u32 v54, v53;
	v1 =	vadd.f32 v1, v60  }
0x178: {  	[tilespmem:$0x1FDD0] =	vst v0;
	v0 =	vor.u32 v54, v51;
	v6 =	vadd.f32 v6, v41;
	v54 =	vor.u32 v49, v16  }
0x179: {  	v3 =	vadd.f32 v3, v55;
	[tilespmem:v25+s21+$0x0] =	vst.idx.msk $0xffff, v1;
	v1 =	vor.u32 v14, v62  }
0x17a: {  	v26 =	vor.u32 v14, v52;
	[tilespmem:v5+s21+$0x0] =	vst.idx.msk $0xffff, v6;
	v5 =	vadd.f32 v7, v40  }
0x17b: {  	v6 =	vld.idx.msk [tilespmem:v46+s22+$0x0], $0xffff;
	[tilespmem:v4+s21+$0x0] =	vst.idx.msk $0xffff, v3;
	v3 =	vadd.f32 v39, v42  }
0x17c: {  	v31 =	vor.u32 v32, v20;
	v7 =	vld.idx.msk [tilespmem:v33+s22+$0x0], $0xffff;
	[tilespmem:v24+s21+$0x0] =	vst.idx.msk $0xffff, v5;
	v5 =	vadd.f32 v8, v59  }
0x17d: {  	v27 =	vadd.f32 v27, v30;
	[tilespmem:v0+s21+$0x0] =	vst.idx.msk $0xffff, v3;
	v0 =	vld.idx.msk [tilespmem:v54+s22+$0x0], $0xffff  }
0x17e: {  	v44 =	vor.u32 v56, v16;
	[tilespmem:v1+s21+$0x0] =	vst.idx.msk $0xffff, v5;
	v1 =	vld [tilespmem:$0x1FF90]  }
0x17f: {  	[tilespmem:v26+s21+$0x0] =	vst.idx.msk $0xffff, v27;
	v25 =	vor.u32 v36, v21;
	v8 =	vor.u32 v14, v61  }
0x180: {  	v3 =	vor.u32 v12, v50;
	v5 =	vld.idx.msk [tilespmem:v47+s22+$0x0], $0xffff  }
0x181: {  	v26 =	vor.u32 v48, v23;
	v27 =	vor.u32 v37, v21;
	v38 =	vor.u32 v12, v53;
	v4 =	vld.idx.msk [tilespmem:v31+s22+$0x0], $0xffff  }
0x182: {  	v31 =	vor.u32 v15, v52;
	v33 =	vor.u32 v32, v19;
	v7 =	vadd.f32 v7, v60  }
0x183: {  	v39 =	vor.u32 v12, v51;
	v6 =	vadd.f32 v6, v41;
	v24 =	vld.idx.msk [tilespmem:v44+s22+$0x0], $0xffff;
	v1 =	vor.u32 v1, v58  }
0x184: {  	v54 =	vor.u32 v56, v23;
	v25 =	vld.idx.msk [tilespmem:v25+s22+$0x0], $0xffff;
	[tilespmem:v8+s21+$0x0] =	vst.idx.msk $0xffff, v7;
	v0 =	vadd.f32 v0, v40  }
0x185: {  	v44 =	vor.u32 v49, v23;
	[tilespmem:v3+s21+$0x0] =	vst.idx.msk $0xffff, v6;
	v5 =	vadd.f32 v5, v30  }
0x186: {  	v4 =	vadd.f32 v4, v55;
	v7 =	vld.idx.msk [tilespmem:v27+s22+$0x0], $0xffff;
	v3 =	vor.u32 v15, v62;
	[tilespmem:v38+s21+$0x0] =	vst.idx.msk $0xffff, v0  }
0x187: {  	v8 =	vor.u32 v36, v20;
	v6 =	vld.idx.msk [tilespmem:v26+s22+$0x0], $0xffff;
	[tilespmem:v31+s21+$0x0] =	vst.idx.msk $0xffff, v5  }
0x188: {  	v38 =	vld.idx.msk [tilespmem:v2+s22+$0x0], $0xffff;
	[tilespmem:v1+s21+$0x0] =	vst.idx.msk $0xffff, v4;
	v1 =	vadd.f32 v24, v42  }
0x189: {  	v26 =	vor.u32 v15, v61;
	v0 =	vadd.f32 v25, v59;
	v4 =	vld.idx.msk [tilespmem:v33+s22+$0x0], $0xffff  }
0x18a: {  	v25 =	vor.u32 v9, v50;
	[tilespmem:v39+s21+$0x0] =	vst.idx.msk $0xffff, v1;
	v1 =	vld.idx.msk [tilespmem:v44+s22+$0x0], $0xffff  }
0x18b: {  	v27 =	vor.u32 v48, v22;
	[tilespmem:v3+s21+$0x0] =	vst.idx.msk $0xffff, v0;
	v0 =	vor.u32 v17, v58;
	v5 =	vld.idx.msk [tilespmem:v54+s22+$0x0], $0xffff  }
0x18c: {  	v2 =	vadd.f32 v7, v60;
	v3 =	vld.idx.msk [tilespmem:v8+s22+$0x0], $0xffff;
	v8 =	vor.u32 v32, v18  }
0x18d: {  	[tilespmem:$0x1FE10] =	vst v10;
	v6 =	vadd.f32 v6, v41  }
0x18e: {  	[tilespmem:v26+s21+$0x0] =	vst.idx.msk $0xffff, v2;
	v2 =	vld [tilespmem:$0x1FF90];
	v4 =	vadd.f32 v4, v55  }
0x18f: {  	v10 =	vld [tilespmem:$0x1FF90];
	[tilespmem:v25+s21+$0x0] =	vst.idx.msk $0xffff, v6  }
0x190: {  	v31 =	vor.u32 v37, v20;
	v33 =	vor.u32 v9, v53;
	v25 =	vld.idx.msk [tilespmem:v27+s22+$0x0], $0xffff;
	[tilespmem:v0+s21+$0x0] =	vst.idx.msk $0xffff, v4  }
0x191: {  	v7 =	vor.u32 v9, v51;
	v0 =	vadd.f32 v5, v42;
	v5 =	vld.idx.msk [tilespmem:v8+s22+$0x0], $0xffff  }
0x192: {  	v44 =	vor.u32 v49, v22;
	v8 =	vld [tilespmem:$0x1FF90]  }
0x193: {  	v46 =	vor.u32 v56, v22;
	v1 =	vadd.f32 v1, v40;
	v6 =	vor.u32 v2, v62;
	_ =	sdelay $0x1  }
0x194: {  	v26 =	vld.idx.msk [tilespmem:v31+s22+$0x0], $0xffff;
	[tilespmem:v33+s21+$0x0] =	vst.idx.msk $0xffff, v1  }
0x195: {  	v3 =	vadd.f32 v3, v59;
	[tilespmem:v7+s21+$0x0] =	vst.idx.msk $0xffff, v0;
	v7 =	vor.u32 v14, v50  }
0x196: {  	v24 =	vor.u32 v10, v52;
	v27 =	vor.u32 v36, v19;
	v0 =	vld.idx.msk [tilespmem:v44+s22+$0x0], $0xffff;
	v8 =	vor.u32 v8, v61  }
0x197: {  	v33 =	vor.u32 v48, v21;
	v31 =	vld.idx.msk [tilespmem:v46+s22+$0x0], $0xffff;
	[tilespmem:v6+s21+$0x0] =	vst.idx.msk $0xffff, v3;
	v3 =	vor.u32 v34, v58  }
0x198: {  	v54 =	vld.idx.msk [tilespmem:v29+s22+$0x0], $0xffff;
	v25 =	vadd.f32 v25, v41;
	v44 =	vor.u32 v37, v19;
	v58 =	vor.u32 v14, v53  }
0x199: {  	v9 =	vor.u32 v49, v21;
	v29 =	vmovc v28;
	v28 =	vor.u32 v14, v51;
	v26 =	vadd.f32 v26, v60  }
0x19a: {  	v2 =	vld [tilespmem:$0x1FF90];
	v5 =	vadd.f32 v5, v55;
	v55 =	vor.u32 v56, v21;
	[tilespmem:v7+s21+$0x0] =	vst.idx.msk $0xffff, v25  }
0x19b: {  	v47 =	vor.u32 $0x10, v11;
	v6 =	vld.idx.msk [tilespmem:v27+s22+$0x0], $0xffff;
	v0 =	vadd.f32 v0, v40;
	[tilespmem:v8+s21+$0x0] =	vst.idx.msk $0xffff, v26  }
0x19c: {  	v27 =	vor.u32 v47, v13;
	v8 =	vld.idx.msk [tilespmem:v33+s22+$0x0], $0xffff;
	[tilespmem:v3+s21+$0x0] =	vst.idx.msk $0xffff, v5;
	v3 =	vadd.f32 v31, v42  }
0x19d: {  	v7 =	vor.u32 v17, v62;
	[tilespmem:v58+s21+$0x0] =	vst.idx.msk $0xffff, v0;
	v31 =	vadd.f32 v54, v30;
	v25 =	vld.idx.msk [tilespmem:v44+s22+$0x0], $0xffff  }
0x19e: {  	v10 =	vlaneseq.u32;
	v39 =	vshll.u32 v45, $0x7;
	[tilespmem:v28+s21+$0x0] =	vst.idx.msk $0xffff, v3;
	v3 =	vld.idx.msk [tilespmem:v9+s22+$0x0], $0xffff  }
0x19f: {  	v1 =	vor.u32 v10, v39;
	[tilespmem:v24+s21+$0x0] =	vst.idx.msk $0xffff, v31;
	v24 =	vld.idx.msk [tilespmem:v55+s22+$0x0], $0xffff;
	v55 =	vshll.u32 v47, $0x7  }
0x1a0: {  	v0 =	vadd.f32 v6, v59;
	v9 =	vor.u32 v17, v61;
	v54 =	vor.u32 v10, v55;
	v10 =	vld [tilespmem:$0x1FE80]  }
0x1a1: {  	v26 =	vor.u32 v36, v18;
	v6 =	vor.u32 v15, v50;
	v46 =	vld.idx.msk [tilespmem:v47+s23+$0x0], $0xffff  }
0x1a2: {  	v28 =	vor.u32 v48, v20;
	[tilespmem:v7+s21+$0x0] =	vst.idx.msk $0xffff, v0;
	v0 =	vld.idx.msk [tilespmem:v27+s22+$0x0], $0xffff;
	v27 =	vor.u32 v15, v53  }
0x1a3: {  	[tilespmem:$0x1FE20] =	vst v11;
	v4 =	vor.u32 v2, v63;
	v5 =	vadd.f32 v38, v29;
	v25 =	vadd.f32 v25, v60  }
0x1a4: {  	v33 =	vor.u32 v15, v51;
	v31 =	vor.u32 v37, v18;
	v38 =	vld.idx.msk [tilespmem:v45+s23+$0x0], $0xffff;
	v8 =	vadd.f32 v8, v41  }
0x1a5: {  	v44 =	vor.u32 v49, v20;
	v3 =	vadd.f32 v3, v40;
	[tilespmem:v9+s21+$0x0] =	vst.idx.msk $0xffff, v25;
	v25 =	vld [tilespmem:$0x1FF90]  }
0x1a6: {  	v11 =	vor.u32 v56, v20;
	v26 =	vld.idx.msk [tilespmem:v26+s22+$0x0], $0xffff;
	[tilespmem:v6+s21+$0x0] =	vst.idx.msk $0xffff, v8  }
0x1a7: {  	v0 =	vadd.f32 v0, v46;
	v8 =	vld.idx.msk [tilespmem:v28+s22+$0x0], $0xffff;
	[tilespmem:v27+s21+$0x0] =	vst.idx.msk $0xffff, v3  }
0x1a8: {  	v10 =	vld.idx.msk [tilespmem:v10+s22+$0x0], $0xffff;
	[tilespmem:v4+s21+$0x0] =	vst.idx.msk $0xffff, v5;
	v5 =	vadd.f32 v24, v42  }
0x1a9: {  	v6 =	vor.u32 v34, v62;
	[tilespmem:v54+s21+$0x0] =	vst.idx.msk $0xffff, v0;
	v4 =	vld.idx.msk [tilespmem:v31+s22+$0x0], $0xffff  }
0x1aa: {  	v7 =	vor.u32 v47, v16;
	v25 =	vor.u32 v25, v50;
	[tilespmem:v33+s21+$0x0] =	vst.idx.msk $0xffff, v5;
	v5 =	vld.idx.msk [tilespmem:v44+s22+$0x0], $0xffff  }
0x1ab: {  	v3 =	vadd.f32 v26, v59;
	v26 =	vor.u32 v34, v61;
	v0 =	vld.idx.msk [tilespmem:v11+s22+$0x0], $0xffff;
	v11 =	vor.u32 v48, v19  }
0x1ac: {  	v58 =	vor.u32 $0x10, v43  }
0x1ad: {  	v27 =	vld [tilespmem:$0x1FF90];
	v24 =	vor.u32 v58, v13;
	v8 =	vadd.f32 v8, v41  }
0x1ae: {  	[tilespmem:v6+s21+$0x0] =	vst.idx.msk $0xffff, v3;
	v6 =	vadd.f32 v10, v30;
	v10 =	vld [tilespmem:$0x1FF90];
	v4 =	vadd.f32 v4, v60  }
0x1af: {  	v57 =	vor.u32 v45, v13;
	v3 =	vld.idx.msk [tilespmem:v7+s22+$0x0], $0xffff;
	[tilespmem:v25+s21+$0x0] =	vst.idx.msk $0xffff, v8  }
0x1b0: {  	[tilespmem:v26+s21+$0x0] =	vst.idx.msk $0xffff, v4;
	v4 =	vadd.f32 v5, v40;
	v5 =	vld.idx.msk [tilespmem:v11+s22+$0x0], $0xffff  }
0x1b1: {  	v59 =	vor.u32 $0x10, v35;
	v11 =	vld [tilespmem:$0x1FDD0]  }
0x1b2: {  	v7 =	vor.u32 v59, v13;
	v27 =	vor.u32 v27, v51;
	v33 =	vld.idx.msk [tilespmem:v58+s23+$0x0], $0xffff  }
0x1b3: {  	v24 =	vld.idx.msk [tilespmem:v24+s22+$0x0], $0xffff;
	v10 =	vor.u32 v10, v53  }
0x1b4: {  	[tilespmem:$0x1FE30] =	vst v43;
	v43 =	vshll.u32 v58, $0x7;
	v28 =	vor.u32 v49, v19;
	v54 =	vlaneseq.u32;
	v9 =	vld.idx.msk [tilespmem:v57+s22+$0x0], $0xffff  }
0x1b5: {  	v8 =	vor.u32 v54, v43;
	v25 =	vld [tilespmem:$0x1FDE0];
	v0 =	vadd.f32 v0, v42  }
0x1b6: {  	v57 =	vld.idx.msk [tilespmem:v59+s23+$0x0], $0xffff  }
0x1b7: {  	v7 =	vld.idx.msk [tilespmem:v7+s22+$0x0], $0xffff;
	[tilespmem:v27+s21+$0x0] =	vst.idx.msk $0xffff, v0  }
0x1b8: {  	v44 =	vor.u32 v56, v19;
	[tilespmem:v10+s21+$0x0] =	vst.idx.msk $0xffff, v4;
	v10 =	vadd.f32 v24, v33  }
0x1b9: {  	v31 =	vor.u32 v12, v55;
	[tilespmem:v11+s21+$0x0] =	vst.idx.msk $0xffff, v6;
	v0 =	vld.idx.msk [tilespmem:v28+s22+$0x0], $0xffff  }
0x1ba: {  	v6 =	vadd.f32 v9, v38;
	v9 =	vor.u32 v58, v16;
	[tilespmem:v8+s21+$0x0] =	vst.idx.msk $0xffff, v10;
	v8 =	vld [tilespmem:$0x1FE70]  }
0x1bb: {  	v10 =	vor.u32 v17, v53;
	_ =	sdelay $0x1  }
0x1bc: {  	[tilespmem:$0x1FE40] =	vst v35;
	v35 =	vshll.u32 v59, $0x7;
	v3 =	vadd.f32 v3, v46;
	v11 =	vld.idx.msk [tilespmem:v44+s22+$0x0], $0xffff  }
0x1bd: {  	v4 =	vor.u32 v47, v23;
	v24 =	vor.u32 v17, v50;
	v25 =	vld.idx.msk [tilespmem:v25+s22+$0x0], $0xffff;
	v0 =	vadd.f32 v0, v40  }
0x1be: {  	v26 =	vor.u32 v54, v35;
	[tilespmem:v31+s21+$0x0] =	vst.idx.msk $0xffff, v3;
	v9 =	vld.idx.msk [tilespmem:v9+s22+$0x0], $0xffff  }
0x1bf: {  	v2 =	vor.u32 v17, v63;
	v3 =	vor.u32 v48, v18;
	[tilespmem:v10+s21+$0x0] =	vst.idx.msk $0xffff, v0;
	v0 =	vld [tilespmem:$0x1FFA0]  }
0x1c0: {  	v31 =	vor.u32 v49, v18;
	v27 =	vor.u32 v59, v16;
	v5 =	vadd.f32 v5, v41;
	v10 =	vld [tilespmem:$0x1FDF0]  }
0x1c1: {  	v28 =	vor.u32 v17, v51;
	v8 =	vld.idx.msk [tilespmem:v8+s22+$0x0], $0xffff;
	[tilespmem:v1+s21+$0x0] =	vst.idx.msk $0xffff, v6;
	v1 =	vadd.f32 v7, v57  }
0x1c2: {  	v4 =	vld.idx.msk [tilespmem:v4+s22+$0x0], $0xffff;
	[tilespmem:v24+s21+$0x0] =	vst.idx.msk $0xffff, v5;
	v5 =	vadd.f32 v11, v42  }
0x1c3: {  	v11 =	vadd.f32 v25, v29;
	[tilespmem:v26+s21+$0x0] =	vst.idx.msk $0xffff, v1;
	v1 =	vor.u32 v12, v43  }
0x1c4: {  	v3 =	vld.idx.msk [tilespmem:v3+s22+$0x0], $0xffff;
	v7 =	vor.u32 v34, v52  }
0x1c5: {  	v6 =	vor.u32 v56, v18;
	[tilespmem:v2+s21+$0x0] =	vst.idx.msk $0xffff, v11;
	v24 =	vld.idx.msk [tilespmem:v27+s22+$0x0], $0xffff;
	v0 =	vor.u32 v0, v55  }
0x1c6: {  	v2 =	vadd.f32 v9, v33;
	v9 =	vor.u32 v34, v50;
	[tilespmem:v28+s21+$0x0] =	vst.idx.msk $0xffff, v5;
	v5 =	vld.idx.msk [tilespmem:v31+s22+$0x0], $0xffff  }
0x1c7: {  	v25 =	vor.u32 v58, v23;
	v8 =	vadd.f32 v8, v30  }
0x1c8: {  	v4 =	vadd.f32 v4, v46;
	v28 =	vld [tilespmem:$0x1FE50];
	[tilespmem:v1+s21+$0x0] =	vst.idx.msk $0xffff, v2;
	v1 =	vor.u32 v34, v53  }
0x1c9: {  	v3 =	vadd.f32 v3, v41;
	v10 =	vld.idx.msk [tilespmem:v10+s22+$0x0], $0xffff;
	[tilespmem:v7+s21+$0x0] =	vst.idx.msk $0xffff, v8  }
0x1ca: {  	v11 =	vor.u32 v12, v35;
	v6 =	vld.idx.msk [tilespmem:v6+s22+$0x0], $0xffff;
	[tilespmem:v0+s21+$0x0] =	vst.idx.msk $0xffff, v4  }
0x1cb: {  	v7 =	vor.u32 v59, v23;
	v4 =	vadd.f32 v5, v40;
	[tilespmem:v9+s21+$0x0] =	vst.idx.msk $0xffff, v3;
	v3 =	vld [tilespmem:$0x1FFA0]  }
0x1cc: {  	v2 =	vld.idx.msk [tilespmem:v25+s22+$0x0], $0xffff;
	v25 =	vor.u32 v34, v51  }
0x1cd: {  	v24 =	vadd.f32 v24, v57;
	[tilespmem:v1+s21+$0x0] =	vst.idx.msk $0xffff, v4;
	v4 =	vld [tilespmem:$0x1FE00];
	_ =	sdelay $0x1  }
0x1ce: {  	v8 =	vor.u32 v47, v22;
	[tilespmem:v11+s21+$0x0] =	vst.idx.msk $0xffff, v24;
	v5 =	vadd.f32 v6, v42  }
0x1cf: {  	v7 =	vld.idx.msk [tilespmem:v7+s22+$0x0], $0xffff;
	v3 =	vor.u32 v3, v43  }
0x1d0: {  	v26 =	vor.u32 v34, v63;
	v9 =	vor.u32 v58, v22;
	[tilespmem:v25+s21+$0x0] =	vst.idx.msk $0xffff, v5;
	v5 =	vld [tilespmem:$0x1FFA0]  }
0x1d1: {  	v30 =	vor.u32 $0x20, v28  }
0x1d2: {  	v0 =	vor.u32 v30, v13;
	v2 =	vadd.f32 v2, v33  }
0x1d3: {  	v6 =	vadd.f32 v10, v29;
	v1 =	vld.idx.msk [tilespmem:v8+s22+$0x0], $0xffff  }
0x1d4: {  	[tilespmem:v3+s21+$0x0] =	vst.idx.msk $0xffff, v2;
	v4 =	vld.idx.msk [tilespmem:v4+s22+$0x0], $0xffff  }
0x1d5: {  	v5 =	vor.u32 v5, v35;
	[tilespmem:v26+s21+$0x0] =	vst.idx.msk $0xffff, v6;
	v3 =	vld.idx.msk [tilespmem:v9+s22+$0x0], $0xffff  }
0x1d6: {  	v9 =	vor.u32 v12, v39;
	v29 =	vld.idx.msk [tilespmem:v30+s23+$0x0], $0xffff  }
0x1d7: {  	v2 =	vor.u32 v14, v55;
	v6 =	vor.u32 v59, v22;
	v0 =	vld.idx.msk [tilespmem:v0+s22+$0x0], $0xffff  }
0x1d8: {  	v28 =	vmovc v45;
	v31 =	vshll.u32 v30, $0x7;
	v8 =	vor.u32 v47, v21;
	v7 =	vadd.f32 v7, v57  }
0x1d9: {  	v11 =	vor.u32 v54, v31;
	v10 =	vor.u32 v28, v23;
	v4 =	vadd.f32 v4, v38  }
0x1da: {  	v1 =	vadd.f32 v1, v46;
	[tilespmem:v5+s21+$0x0] =	vst.idx.msk $0xffff, v7;
	v5 =	vor.u32 v14, v43  }
0x1db: {  	v24 =	vor.u32 v30, v16;
	[tilespmem:v9+s21+$0x0] =	vst.idx.msk $0xffff, v4;
	v9 =	vld [tilespmem:$0x1FFA0]  }
0x1dc: {  	[tilespmem:v2+s21+$0x0] =	vst.idx.msk $0xffff, v1;
	v6 =	vld.idx.msk [tilespmem:v6+s22+$0x0], $0xffff;
	v0 =	vadd.f32 v0, v29  }
0x1dd: {  	v1 =	vld.idx.msk [tilespmem:v8+s22+$0x0], $0xffff;
	v2 =	vadd.f32 v3, v33  }
0x1de: {  	v7 =	vor.u32 v58, v21;
	v3 =	vld.idx.msk [tilespmem:v10+s22+$0x0], $0xffff;
	[tilespmem:v11+s21+$0x0] =	vst.idx.msk $0xffff, v0;
	v0 =	vor.u32 v14, v35  }
0x1df: {  	[tilespmem:v5+s21+$0x0] =	vst.idx.msk $0xffff, v2;
	v2 =	vor.u32 v15, v55  }
0x1e0: {  	v8 =	vor.u32 v59, v21;
	v4 =	vld.idx.msk [tilespmem:v24+s22+$0x0], $0xffff;
	v9 =	vor.u32 v9, v39  }
0x1e1: {  	v10 =	vor.u32 v28, v22;
	v6 =	vadd.f32 v6, v57  }
0x1e2: {  	v11 =	vor.u32 v12, v31;
	v1 =	vadd.f32 v1, v46  }
0x1e3: {  	v5 =	vld.idx.msk [tilespmem:v7+s22+$0x0], $0xffff;
	v7 =	vor.u32 v47, v20;
	[tilespmem:v0+s21+$0x0] =	vst.idx.msk $0xffff, v6;
	v3 =	vadd.f32 v3, v38  }
0x1e4: {  	v27 =	vld [tilespmem:$0x1FF90];
	v24 =	vor.u32 v30, v23;
	[tilespmem:v2+s21+$0x0] =	vst.idx.msk $0xffff, v1  }
0x1e5: {  	v0 =	vor.u32 v15, v43;
	v6 =	vld.idx.msk [tilespmem:v8+s22+$0x0], $0xffff;
	v1 =	vadd.f32 v4, v29;
	[tilespmem:v9+s21+$0x0] =	vst.idx.msk $0xffff, v3  }
0x1e6: {  	v8 =	vor.u32 v58, v20;
	v4 =	vld.idx.msk [tilespmem:v10+s22+$0x0], $0xffff  }
0x1e7: {  	[tilespmem:v11+s21+$0x0] =	vst.idx.msk $0xffff, v1;
	v11 =	vld [tilespmem:$0x1FFA0]  }
0x1e8: {  	v2 =	vld.idx.msk [tilespmem:v7+s22+$0x0], $0xffff;
	v3 =	vadd.f32 v5, v33  }
0x1e9: {  	v1 =	vor.u32 v15, v35  }
0x1ea: {  	v7 =	vor.u32 v59, v20;
	v5 =	vld.idx.msk [tilespmem:v24+s22+$0x0], $0xffff;
	[tilespmem:v0+s21+$0x0] =	vst.idx.msk $0xffff, v3;
	v0 =	vor.u32 v27, v55  }
0x1eb: {  	v9 =	vor.u32 v14, v39;
	v3 =	vld.idx.msk [tilespmem:v8+s22+$0x0], $0xffff;
	v8 =	vor.u32 v47, v19  }
0x1ec: {  	v10 =	vor.u32 v28, v21;
	v6 =	vadd.f32 v6, v57;
	v11 =	vor.u32 v11, v31  }
0x1ed: {  	v2 =	vadd.f32 v2, v46;
	v24 =	vor.u32 v30, v22  }
0x1ee: {  	[tilespmem:v1+s21+$0x0] =	vst.idx.msk $0xffff, v6;
	v1 =	vor.u32 v27, v43;
	v4 =	vadd.f32 v4, v38  }
0x1ef: {  	v6 =	vld.idx.msk [tilespmem:v7+s22+$0x0], $0xffff;
	v7 =	vor.u32 v58, v19;
	[tilespmem:v0+s21+$0x0] =	vst.idx.msk $0xffff, v2;
	v0 =	vadd.f32 v5, v29  }
0x1f0: {  	v2 =	vld.idx.msk [tilespmem:v8+s22+$0x0], $0xffff;
	[tilespmem:v9+s21+$0x0] =	vst.idx.msk $0xffff, v4  }
0x1f1: {  	v3 =	vadd.f32 v3, v33;
	v4 =	vld.idx.msk [tilespmem:v10+s22+$0x0], $0xffff;
	[tilespmem:v11+s21+$0x0] =	vst.idx.msk $0xffff, v0;
	v0 =	vor.u32 v27, v35;
	_ =	sdelay $0x1  }
0x1f2: {  	v8 =	vor.u32 v59, v19;
	[tilespmem:v1+s21+$0x0] =	vst.idx.msk $0xffff, v3;
	v1 =	vor.u32 v17, v55;
	v5 =	vld.idx.msk [tilespmem:v24+s22+$0x0], $0xffff  }
0x1f3: {  	v9 =	vor.u32 v15, v39;
	v3 =	vld.idx.msk [tilespmem:v7+s22+$0x0], $0xffff;
	v7 =	vor.u32 v47, v18;
	v6 =	vadd.f32 v6, v57  }
0x1f4: {  	v10 =	vor.u32 v28, v20;
	v11 =	vor.u32 v14, v31  }
0x1f5: {  	v2 =	vadd.f32 v2, v46;
	[tilespmem:v0+s21+$0x0] =	vst.idx.msk $0xffff, v6;
	v0 =	vor.u32 v17, v43  }
0x1f6: {  	v24 =	vor.u32 v30, v21;
	v4 =	vadd.f32 v4, v38  }
0x1f7: {  	[tilespmem:v1+s21+$0x0] =	vst.idx.msk $0xffff, v2;
	v6 =	vld.idx.msk [tilespmem:v8+s22+$0x0], $0xffff;
	v8 =	vor.u32 v58, v18;
	v1 =	vadd.f32 v5, v29  }
0x1f8: {  	[tilespmem:v9+s21+$0x0] =	vst.idx.msk $0xffff, v4;
	v2 =	vld.idx.msk [tilespmem:v7+s22+$0x0], $0xffff;
	v3 =	vadd.f32 v3, v33  }
0x1f9: {  	v4 =	vld.idx.msk [tilespmem:v10+s22+$0x0], $0xffff;
	[tilespmem:v11+s21+$0x0] =	vst.idx.msk $0xffff, v1;
	v1 =	vor.u32 v17, v35  }
0x1fa: {  	v7 =	vor.u32 v59, v18;
	[tilespmem:v0+s21+$0x0] =	vst.idx.msk $0xffff, v3;
	v0 =	vor.u32 v34, v55  }
0x1fb: {  	v50 =	vor.u32 $0x20, v32;
	v5 =	vld.idx.msk [tilespmem:v24+s22+$0x0], $0xffff  }
0x1fc: {  	v9 =	vor.u32 v50, v13;
	v3 =	vld.idx.msk [tilespmem:v8+s22+$0x0], $0xffff;
	v8 =	vor.u32 v27, v39;
	v6 =	vadd.f32 v6, v57  }
0x1fd: {  	v10 =	vor.u32 v28, v19;
	v11 =	vor.u32 v15, v31;
	v2 =	vadd.f32 v2, v46  }
0x1fe: {  	v24 =	vor.u32 v30, v20;
	[tilespmem:v1+s21+$0x0] =	vst.idx.msk $0xffff, v6  }
0x1ff: {  	v4 =	vadd.f32 v4, v38;
	v1 =	vor.u32 v34, v43;
	v6 =	vld.idx.msk [tilespmem:v7+s22+$0x0], $0xffff;
	[tilespmem:v0+s21+$0x0] =	vst.idx.msk $0xffff, v2  }
0x200: {  	v46 =	vor.u32 $0x20, v36;
	v0 =	vadd.f32 v5, v29;
	v43 =	vld.idx.msk [tilespmem:v50+s23+$0x0], $0xffff  }
0x201: {  	v2 =	vor.u32 v46, v13;
	[tilespmem:v8+s21+$0x0] =	vst.idx.msk $0xffff, v4;
	v4 =	vld.idx.msk [tilespmem:v9+s22+$0x0], $0xffff  }
0x202: {  	v3 =	vadd.f32 v3, v33;
	v5 =	vld.idx.msk [tilespmem:v10+s22+$0x0], $0xffff;
	[tilespmem:v11+s21+$0x0] =	vst.idx.msk $0xffff, v0;
	v0 =	vor.u32 v34, v35  }
0x203: {  	v48 =	vor.u32 $0x20, v37;
	v49 =	vshll.u32 v50, $0x7  }
0x204: {  	v7 =	vld.idx.msk [tilespmem:v24+s22+$0x0], $0xffff;
	[tilespmem:v1+s21+$0x0] =	vst.idx.msk $0xffff, v3;
	v1 =	vor.u32 v48, v13;
	v3 =	vor.u32 v54, v49  }
0x205: {  	v8 =	vor.u32 v17, v39;
	v41 =	vld.idx.msk [tilespmem:v46+s23+$0x0], $0xffff;
	v6 =	vadd.f32 v6, v57  }
0x206: {  	v10 =	vor.u32 v28, v18;
	v11 =	vor.u32 v27, v31;
	v2 =	vld.idx.msk [tilespmem:v2+s22+$0x0], $0xffff  }
0x207: {  	v45 =	vshll.u32 v46, $0x7;
	[tilespmem:v0+s21+$0x0] =	vst.idx.msk $0xffff, v6;
	v0 =	vadd.f32 v4, v43  }
0x208: {  	v9 =	vor.u32 v50, v16;
	v4 =	vadd.f32 v5, v38;
	v6 =	vor.u32 v54, v45;
	v40 =	vld.idx.msk [tilespmem:v48+s23+$0x0], $0xffff  }
0x209: {  	v24 =	vor.u32 v46, v16;
	v1 =	vld.idx.msk [tilespmem:v1+s22+$0x0], $0xffff;
	[tilespmem:v3+s21+$0x0] =	vst.idx.msk $0xffff, v0;
	v0 =	vadd.f32 v7, v29  }
0x20a: {  	v42 =	vshll.u32 v48, $0x7;
	v25 =	vld [tilespmem:$0x1FE10];
	v5 =	vor.u32 v30, v19;
	[tilespmem:v8+s21+$0x0] =	vst.idx.msk $0xffff, v4  }
0x20b: {  	v4 =	vld.idx.msk [tilespmem:v10+s22+$0x0], $0xffff;
	v2 =	vadd.f32 v2, v41;
	[tilespmem:v11+s21+$0x0] =	vst.idx.msk $0xffff, v0;
	v0 =	vor.u32 v54, v42;
	_ =	sdelay $0x1  }
0x20c: {  	v3 =	vld.idx.msk [tilespmem:v9+s22+$0x0], $0xffff;
	[tilespmem:v6+s21+$0x0] =	vst.idx.msk $0xffff, v2  }
0x20d: {  	v7 =	vor.u32 v48, v16;
	v6 =	vor.u32 v34, v39;
	v8 =	vld.idx.msk [tilespmem:v24+s22+$0x0], $0xffff;
	v1 =	vadd.f32 v1, v40  }
0x20e: {  	v56 =	vor.u32 $0x10, v25;
	v5 =	vld.idx.msk [tilespmem:v5+s22+$0x0], $0xffff;
	v2 =	vor.u32 v12, v49  }
0x20f: {  	[tilespmem:v0+s21+$0x0] =	vst.idx.msk $0xffff, v1;
	v0 =	vor.u32 v12, v45  }
0x210: {  	v10 =	vor.u32 v56, v13;
	v11 =	vor.u32 v17, v31;
	v4 =	vadd.f32 v4, v38  }
0x211: {  	[tilespmem:$0x1FE50] =	vst v28;
	v3 =	vadd.f32 v3, v43  }
0x212: {  	v9 =	vor.u32 v50, v23;
	v1 =	vld.idx.msk [tilespmem:v7+s22+$0x0], $0xffff;
	[tilespmem:v6+s21+$0x0] =	vst.idx.msk $0xffff, v4;
	v4 =	vadd.f32 v8, v41  }
0x213: {  	[tilespmem:v2+s21+$0x0] =	vst.idx.msk $0xffff, v3;
	v2 =	vadd.f32 v5, v29;
	v28 =	vld.idx.msk [tilespmem:v56+s23+$0x0], $0xffff  }
0x214: {  	v24 =	vor.u32 v30, v18;
	[tilespmem:v0+s21+$0x0] =	vst.idx.msk $0xffff, v4;
	v0 =	vld [tilespmem:$0x1FFA0]  }
0x215: {  	v7 =	vor.u32 v46, v23;
	v5 =	vld.idx.msk [tilespmem:v10+s22+$0x0], $0xffff;
	[tilespmem:v11+s21+$0x0] =	vst.idx.msk $0xffff, v2;
	v2 =	vor.u32 v12, v42;
	_ =	sdelay $0x1  }
0x216: {  	v35 =	vshll.u32 v56, $0x7;
	v3 =	vld.idx.msk [tilespmem:v9+s22+$0x0], $0xffff  }
0x217: {  	v9 =	vor.u32 v54, v35;
	v1 =	vadd.f32 v1, v40  }
0x218: {  	v6 =	vld.idx.msk [tilespmem:v24+s22+$0x0], $0xffff;
	v0 =	vor.u32 v0, v49  }
0x219: {  	v10 =	vor.u32 v56, v16;
	v4 =	vld.idx.msk [tilespmem:v7+s22+$0x0], $0xffff;
	[tilespmem:v2+s21+$0x0] =	vst.idx.msk $0xffff, v1;
	v2 =	vmov v25  }
0x21a: {  	v11 =	vor.u32 v34, v31;
	v24 =	vld [tilespmem:$0x1FE60];
	[tilespmem:$0x1FE60] =	vst v2;
	v2 =	vadd.f32 v5, v28  }
0x21b: {  	v3 =	vadd.f32 v3, v43  }
0x21c: {  	v8 =	vor.u32 v48, v23;
	v1 =	vld [tilespmem:$0x1FFA0];
	[tilespmem:v9+s21+$0x0] =	vst.idx.msk $0xffff, v2  }
0x21d: {  	[tilespmem:v0+s21+$0x0] =	vst.idx.msk $0xffff, v3;
	v0 =	vadd.f32 v6, v29  }
0x21e: {  	v2 =	vadd.f32 v4, v41;
	v4 =	vld.idx.msk [tilespmem:v10+s22+$0x0], $0xffff  }
0x21f: {  	[tilespmem:v11+s21+$0x0] =	vst.idx.msk $0xffff, v0;
	v0 =	vld [tilespmem:$0x1FFA0]  }
0x220: {  	v7 =	vor.u32 v50, v22  }
0x221: {  	v24 =	vor.u32 $0x30, v24;
	v5 =	vld.idx.msk [tilespmem:v8+s22+$0x0], $0xffff;
	v1 =	vor.u32 v1, v45  }
0x222: {  	v8 =	vor.u32 v46, v22  }
0x223: {  	s25 =	sadd.s32 $0x3, s24;
	v3 =	vor.u32 v24, v13  }
0x224: {  	v39 =	vadd.s32 s25, v54;
	v0 =	vor.u32 v0, v42  }
0x225: {  	v32 =	vand.u32 $0xF, v39;
	v9 =	vor.u32 v48, v22;
	v6 =	vld.idx.msk [tilespmem:v7+s22+$0x0], $0xffff  }
0x226: {  	v10 =	vor.u32 v12, v35;
	v5 =	vadd.f32 v5, v40;
	v30 =	vld.idx.msk [tilespmem:v24+s23+$0x0], $0xffff;
	[tilespmem:v1+s21+$0x0] =	vst.idx.msk $0xffff, v2  }
0x227: {  	v7 =	vor.u32 v32, v13;
	v11 =	vor.u32 v24, v18;
	v1 =	vor.u32 v14, v49;
	v2 =	vld.idx.msk [tilespmem:v8+s22+$0x0], $0xffff  }
0x228: {  	v4 =	vadd.f32 v4, v28;
	[tilespmem:$0x1FE70] =	vst v11;
	v8 =	vor.u32 v50, v21;
	v3 =	vld.idx.msk [tilespmem:v3+s22+$0x0], $0xffff  }
0x229: {  	v34 =	vshll.u32 v24, $0x7;
	v11 =	vor.u32 v56, v23;
	[tilespmem:v0+s21+$0x0] =	vst.idx.msk $0xffff, v5;
	v0 =	vor.u32 v14, v45  }
0x22a: {  	v25 =	vor.u32 v54, v34;
	v6 =	vadd.f32 v6, v43;
	v5 =	vld.idx.msk [tilespmem:v9+s22+$0x0], $0xffff;
	v9 =	vor.u32 v46, v21  }
0x22b: {  	v55 =	vld.idx.msk [tilespmem:v32+s23+$0x0], $0xffff;
	[tilespmem:v10+s21+$0x0] =	vst.idx.msk $0xffff, v4  }
0x22c: {  	v7 =	vld.idx.msk [tilespmem:v7+s22+$0x0], $0xffff;
	[tilespmem:v1+s21+$0x0] =	vst.idx.msk $0xffff, v6;
	v6 =	vor.u32 v24, v19;
	v2 =	vadd.f32 v2, v41  }
0x22d: {  	[tilespmem:$0x1FE80] =	vst v6;
	v6 =	vld.idx.msk [tilespmem:v8+s22+$0x0], $0xffff;
	v3 =	vadd.f32 v3, v30  }
0x22e: {  	v8 =	vld.idx.msk [tilespmem:v11+s22+$0x0], $0xffff;
	[tilespmem:v0+s21+$0x0] =	vst.idx.msk $0xffff, v2  }
0x22f: {  	[tilespmem:v25+s21+$0x0] =	vst.idx.msk $0xffff, v3;
	v3 =	vld.idx.msk [tilespmem:v9+s22+$0x0], $0xffff  }
0x230: {  	v9 =	vld [tilespmem:$0x1FFA0]  }
0x231: {  	v58 =	vshll.u32 v32, $0x7  }
0x232: {  	v4 =	vor.u32 v54, v58  }
0x233: {  	v10 =	vor.u32 v32, v16;
	v11 =	vor.u32 v14, v42  }
0x234: {  	v1 =	vor.u32 v24, v16;
	v0 =	vor.u32 v15, v49  }
0x235: {  	v2 =	vadd.f32 v7, v55;
	v9 =	vor.u32 v9, v35  }
0x236: {  	v26 =	vor.u32 v48, v21;
	v5 =	vadd.f32 v5, v40  }
0x237: {  	v8 =	vadd.f32 v8, v28;
	[tilespmem:v4+s21+$0x0] =	vst.idx.msk $0xffff, v2;
	v2 =	vadd.f32 v6, v43  }
0x238: {  	v7 =	vor.u32 v50, v20;
	v6 =	vld.idx.msk [tilespmem:v10+s22+$0x0], $0xffff;
	[tilespmem:v11+s21+$0x0] =	vst.idx.msk $0xffff, v5;
	v5 =	vor.u32 v15, v45  }
0x239: {  	s30 =	sadd.s32 $0x2, s24;
	v1 =	vld.idx.msk [tilespmem:v1+s22+$0x0], $0xffff;
	v11 =	vor.u32 v46, v20;
	[tilespmem:v0+s21+$0x0] =	vst.idx.msk $0xffff, v2  }
0x23a: {  	v51 =	vadd.s32 s30, v54;
	v4 =	vor.u32 v56, v22;
	[tilespmem:v9+s21+$0x0] =	vst.idx.msk $0xffff, v8;
	v8 =	vor.u32 v12, v58  }
0x23b: {  	v0 =	vor.u32 v12, v34;
	v3 =	vadd.f32 v3, v41;
	v9 =	vor.u32 v32, v23  }
0x23c: {  	v36 =	vand.u32 $0xF, v51;
	v10 =	vld.idx.msk [tilespmem:v26+s22+$0x0], $0xffff  }
0x23d: {  	v47 =	vor.u32 v24, v21;
	v7 =	vld.idx.msk [tilespmem:v7+s22+$0x0], $0xffff;
	[tilespmem:v5+s21+$0x0] =	vst.idx.msk $0xffff, v3;
	v3 =	vadd.f32 v6, v55  }
0x23e: {  	v57 =	vor.u32 v24, v22;
	v1 =	vadd.f32 v1, v30;
	v2 =	vor.u32 v24, v23;
	v11 =	vld.idx.msk [tilespmem:v11+s22+$0x0], $0xffff  }
0x23f: {  	v29 =	vor.u32 v24, v20;
	v24 =	vor.u32 v15, v42;
	v4 =	vld.idx.msk [tilespmem:v4+s22+$0x0], $0xffff;
	[tilespmem:v8+s21+$0x0] =	vst.idx.msk $0xffff, v3  }
0x240: {  	s31 =	sadd.s32 $0x1, s24;
	v25 =	vor.u32 v48, v20;
	v5 =	vor.u32 v27, v49;
	[tilespmem:v0+s21+$0x0] =	vst.idx.msk $0xffff, v1;
	v1 =	vld.idx.msk [tilespmem:v9+s22+$0x0], $0xffff  }
0x241: {  	p0 =	slt.u32 s24, $0xC;
	v53 =	vadd.s32 s31, v54;
	v26 =	vor.u32 v50, v19;
	v9 =	vld [tilespmem:$0x1FFA0]  }
.Ltmp7:
0x242: {  	v37 =	vand.u32 $0xF, v53;
	v52 =	vor.u32 v56, v19;
	v0 =	vadd.f32 v10, v40;
	(pc) =	sbr.rel @p0 .LBB2_6-.Ltmp7, $4  }
0x243: {  	v60 =	vor.u32 v46, v19;
	v62 =	vor.u32 v14, v35;
	v33 =	vld.idx.msk [tilespmem:v2+s22+$0x0], $0xffff;
	v2 =	vadd.f32 v7, v43  }
0x244: {  	v38 =	vor.u32 v56, v18;
	v6 =	vor.u32 v36, v13;
	v59 =	vld.idx.msk [tilespmem:v36+s23+$0x0], $0xffff;
	[tilespmem:v24+s21+$0x0] =	vst.idx.msk $0xffff, v0  }
0x245: {  	v7 =	vor.u32 v37, v13;
	v63 =	vld.idx.msk [tilespmem:v25+s22+$0x0], $0xffff;
	v3 =	vor.u32 v27, v45;
	[tilespmem:v5+s21+$0x0] =	vst.idx.msk $0xffff, v2  }
0x246: {  	s24 =	sadd.s32 $0x4, s24;
	v2 =	vadd.f32 v4, v28;
	v4 =	vadd.f32 v11, v41;
	v61 =	vld.idx.msk [tilespmem:v26+s22+$0x0], $0xffff;
	v5 =	vor.u32 v9, v58  }
0x247: {  	_ =	sdelay $0x3  }
0x248: {  	v0 =	vld.idx.msk [tilespmem:v6+s22+$0x0], $0xffff  }
0x249: {  	v9 =	vld.idx.msk [tilespmem:v37+s23+$0x0], $0xffff  }
0x24a: {  	v6 =	vshll.u32 v36, $0x7;
	v7 =	vld.idx.msk [tilespmem:v7+s22+$0x0], $0xffff  }
0x24b: {  	v16 =	vld [tilespmem:$0x1FE90];
	v11 =	vshll.u32 v37, $0x7;
	v8 =	vor.u32 v54, v6  }
0x24c: {  	v24 =	vor.u32 v54, v11;
	_ =	sdelay $0x1  }
0x24d: {  	v0 =	vadd.f32 v0, v59  }
0x24e: {  	v23 =	vadd.f32 v7, v9  }
0x24f: {  	v10 =	vor.u32 v36, v16;
	[tilespmem:v8+s21+$0x0] =	vst.idx.msk $0xffff, v0  }
0x250: {  	v25 =	vor.u32 v37, v16;
	[tilespmem:v24+s21+$0x0] =	vst.idx.msk $0xffff, v23  }
0x251: {  	v23 =	vld [tilespmem:$0x1FFD0];
	_ =	sdelay $0x2  }
0x252: {  	v31 =	vld.idx.msk [tilespmem:v10+s22+$0x0], $0xffff  }
0x253: {  	v8 =	vld.idx.msk [tilespmem:v25+s22+$0x0], $0xffff  }
0x254: {  	v21 =	vld [tilespmem:$0x1FEC0];
	v44 =	vor.u32 v23, v6  }
0x255: {  	v24 =	vor.u32 v23, v11;
	_ =	sdelay $0x1  }
0x256: {  	v7 =	vadd.f32 v31, v59  }
0x257: {  	v17 =	vadd.f32 v8, v9  }
0x258: {  	v10 =	vor.u32 v36, v21;
	[tilespmem:v44+s21+$0x0] =	vst.idx.msk $0xffff, v7  }
0x259: {  	v20 =	vld [tilespmem:$0x1FEB0];
	[tilespmem:v24+s21+$0x0] =	vst.idx.msk $0xffff, v17  }
0x25a: {  	v22 =	vld [tilespmem:$0x1FFA0];
	_ =	sdelay $0x2  }
0x25b: {  	v8 =	vld.idx.msk [tilespmem:v10+s22+$0x0], $0xffff  }
0x25c: {  	v19 =	vadd.f32 v1, v55;
	v25 =	vor.u32 v37, v21  }
0x25d: {  	v18 =	vor.u32 v32, v20;
	v1 =	vor.u32 v22, v6  }
0x25e: {  	[tilespmem:v5+s21+$0x0] =	vst.idx.msk $0xffff, v19  }
0x25f: {  	v0 =	vld [tilespmem:$0x1FFA0]  }
0x260: {  	v12 =	vld [tilespmem:$0x1FFE0];
	v31 =	vadd.f32 v8, v59  }
0x261: {  	v10 =	vld.idx.msk [tilespmem:v25+s22+$0x0], $0xffff;
	v24 =	vor.u32 v36, v20  }
0x262: {  	v5 =	vld.idx.msk [tilespmem:v18+s22+$0x0], $0xffff;
	[tilespmem:v1+s21+$0x0] =	vst.idx.msk $0xffff, v31  }
0x263: {  	v19 =	vld [tilespmem:$0x1FEA0]  }
0x264: {  	v0 =	vor.u32 v0, v11  }
0x265: {  	v8 =	vor.u32 v37, v20;
	v25 =	vor.u32 v12, v58  }
0x266: {  	v44 =	vadd.f32 v10, v9;
	v10 =	vld.idx.msk [tilespmem:v24+s22+$0x0], $0xffff;
	_ =	sdelay $0x1  }
0x267: {  	v31 =	vor.u32 v12, v6;
	v22 =	vadd.f32 v5, v55;
	v18 =	vor.u32 v32, v19  }
0x268: {  	[tilespmem:v0+s21+$0x0] =	vst.idx.msk $0xffff, v44  }
0x269: {  	v44 =	vld.idx.msk [tilespmem:v8+s22+$0x0], $0xffff;
	v8 =	vor.u32 v36, v19;
	[tilespmem:v25+s21+$0x0] =	vst.idx.msk $0xffff, v22  }
0x26a: {  	v10 =	vadd.f32 v10, v59;
	v17 =	vld [tilespmem:$0x1FFC0]  }
0x26b: {  	v22 =	vor.u32 v12, v11  }
0x26c: {  	[tilespmem:v31+s21+$0x0] =	vst.idx.msk $0xffff, v10;
	v7 =	vld.idx.msk [tilespmem:v18+s22+$0x0], $0xffff  }
0x26d: {  	v18 =	vld [tilespmem:$0x1FED0]  }
0x26e: {  	v31 =	vadd.f32 v44, v9;
	v8 =	vld.idx.msk [tilespmem:v8+s22+$0x0], $0xffff  }
0x26f: {  	v25 =	vor.u32 v17, v58  }
0x270: {  	[tilespmem:v22+s21+$0x0] =	vst.idx.msk $0xffff, v31;
	v22 =	vor.u32 v17, v6;
	_ =	sdelay $0x1  }
0x271: {  	v24 =	vor.u32 v37, v19;
	v44 =	vadd.f32 v7, v55  }
0x272: {  	v5 =	vor.u32 v32, v18;
	v8 =	vadd.f32 v8, v59  }
0x273: {  	[tilespmem:v25+s21+$0x0] =	vst.idx.msk $0xffff, v44  }
0x274: {  	[tilespmem:v22+s21+$0x0] =	vst.idx.msk $0xffff, v8  }
0x275: {  	v15 =	vld [tilespmem:$0x1FEF0]  }
0x276: {  	v31 =	vld.idx.msk [tilespmem:v24+s22+$0x0], $0xffff  }
0x277: {  	v10 =	vor.u32 v36, v18;
	v5 =	vld.idx.msk [tilespmem:v5+s22+$0x0], $0xffff  }
0x278: {  	v44 =	vor.u32 v17, v11  }
0x279: {  	v24 =	vor.u32 v37, v18;
	v25 =	vor.u32 v27, v58  }
0x27a: {  	v7 =	vor.u32 v32, v15  }
0x27b: {  	v22 =	vadd.f32 v31, v9  }
0x27c: {  	v8 =	vld.idx.msk [tilespmem:v10+s22+$0x0], $0xffff;
	v31 =	vadd.f32 v5, v55  }
0x27d: {  	[tilespmem:v44+s21+$0x0] =	vst.idx.msk $0xffff, v22  }
0x27e: {  	v22 =	vor.u32 v27, v6;
	v44 =	vld.idx.msk [tilespmem:v24+s22+$0x0], $0xffff;
	[tilespmem:v25+s21+$0x0] =	vst.idx.msk $0xffff, v31  }
0x27f: {  	v7 =	vld.idx.msk [tilespmem:v7+s22+$0x0], $0xffff  }
0x280: {  	v10 =	vor.u32 v36, v15;
	[tilespmem:$0x1FDC0] =	vst v29;
	v29 =	vld [tilespmem:$0x1FFB0]  }
0x281: {  	v8 =	vadd.f32 v8, v59;
	_ =	sdelay $0x1  }
0x282: {  	[tilespmem:v22+s21+$0x0] =	vst.idx.msk $0xffff, v8  }
0x283: {  	v0 =	vor.u32 v27, v11;
	v22 =	vadd.f32 v44, v9;
	v44 =	vld [tilespmem:$0x1FEE0]  }
0x284: {  	v8 =	vld.idx.msk [tilespmem:v10+s22+$0x0], $0xffff;
	v25 =	vor.u32 v29, v58;
	_ =	sdelay $0x1  }
0x285: {  	v24 =	vor.u32 v37, v15;
	v1 =	vor.u32 v29, v6  }
0x286: {  	v31 =	vadd.f32 v7, v55  }
0x287: {  	[tilespmem:v0+s21+$0x0] =	vst.idx.msk $0xffff, v22;
	v5 =	vor.u32 v32, v44  }
0x288: {  	v8 =	vadd.f32 v8, v59;
	[tilespmem:v25+s21+$0x0] =	vst.idx.msk $0xffff, v31  }
0x289: {  	v14 =	vld [tilespmem:$0x1FFF0]  }
0x28a: {  	v22 =	vld.idx.msk [tilespmem:v24+s22+$0x0], $0xffff;
	v10 =	vor.u32 v36, v44;
	[tilespmem:v1+s21+$0x0] =	vst.idx.msk $0xffff, v8  }
0x28b: {  	v13 =	vld [tilespmem:$0x1FF00]  }
0x28c: {  	v31 =	vor.u32 v29, v11;
	v5 =	vld.idx.msk [tilespmem:v5+s22+$0x0], $0xffff  }
0x28d: {  	v24 =	vor.u32 v37, v44  }
0x28e: {  	v25 =	vor.u32 v14, v58  }
0x28f: {  	v7 =	vadd.f32 v22, v9;
	v1 =	vor.u32 $0x10, v39;
	v8 =	vld.idx.msk [tilespmem:v10+s22+$0x0], $0xffff  }
0x290: {  	v10 =	vor.u32 v1, v13  }
0x291: {  	[tilespmem:v31+s21+$0x0] =	vst.idx.msk $0xffff, v7;
	v31 =	vor.u32 v14, v6;
	v22 =	vadd.f32 v5, v55  }
0x292: {  	v24 =	vld.idx.msk [tilespmem:v24+s22+$0x0], $0xffff;
	v5 =	vor.u32 $0x10, v51  }
0x293: {  	v55 =	vor.u32 v5, v13;
	[tilespmem:v25+s21+$0x0] =	vst.idx.msk $0xffff, v22  }
0x294: {  	v11 =	vor.u32 v14, v11;
	v25 =	vadd.f32 v8, v59;
	v58 =	vld.idx.msk [tilespmem:v1+s23+$0x0], $0xffff  }
0x295: {  	v8 =	vor.u32 $0x10, v53;
	v10 =	vld.idx.msk [tilespmem:v10+s22+$0x0], $0xffff  }
0x296: {  	v6 =	vshll.u32 v1, $0x7;
	v26 =	vor.u32 v8, v13;
	[tilespmem:v31+s21+$0x0] =	vst.idx.msk $0xffff, v25  }
0x297: {  	v22 =	vadd.f32 v24, v9;
	v9 =	vor.u32 v54, v6;
	v59 =	vld.idx.msk [tilespmem:v5+s23+$0x0], $0xffff  }
0x298: {  	v24 =	vor.u32 v1, v16;
	v0 =	vld.idx.msk [tilespmem:v55+s22+$0x0], $0xffff  }
0x299: {  	v7 =	vshll.u32 v5, $0x7;
	[tilespmem:v11+s21+$0x0] =	vst.idx.msk $0xffff, v22  }
0x29a: {  	v11 =	vor.u32 v54, v7;
	v22 =	vld.idx.msk [tilespmem:v8+s23+$0x0], $0xffff;
	v10 =	vadd.f32 v10, v58  }
0x29b: {  	v25 =	vld.idx.msk [tilespmem:v26+s22+$0x0], $0xffff;
	v26 =	vor.u32 v5, v16  }
0x29c: {  	v55 =	vshll.u32 v8, $0x7;
	[tilespmem:v9+s21+$0x0] =	vst.idx.msk $0xffff, v10  }
0x29d: {  	v9 =	vor.u32 v54, v55;
	v0 =	vadd.f32 v0, v59;
	v10 =	vld.idx.msk [tilespmem:v24+s22+$0x0], $0xffff;
	_ =	sdelay $0x1  }
0x29e: {  	v31 =	vor.u32 v23, v6;
	[tilespmem:v11+s21+$0x0] =	vst.idx.msk $0xffff, v0  }
0x29f: {  	v11 =	vadd.f32 v25, v22;
	v25 =	vor.u32 v1, v21;
	v26 =	vld.idx.msk [tilespmem:v26+s22+$0x0], $0xffff;
	_ =	sdelay $0x1  }
0x2a0: {  	[tilespmem:v9+s21+$0x0] =	vst.idx.msk $0xffff, v11;
	v9 =	vadd.f32 v10, v58;
	v10 =	vor.u32 v23, v7;
	_ =	sdelay $0x1  }
0x2a1: {  	v24 =	vor.u32 v8, v16;
	[tilespmem:v31+s21+$0x0] =	vst.idx.msk $0xffff, v9  }
0x2a2: {  	v9 =	vld.idx.msk [tilespmem:v25+s22+$0x0], $0xffff;
	v25 =	vadd.f32 v26, v59;
	_ =	sdelay $0x1  }
0x2a3: {  	[tilespmem:v10+s21+$0x0] =	vst.idx.msk $0xffff, v25  }
0x2a4: {  	v10 =	vld [tilespmem:$0x1FFA0]  }
0x2a5: {  	v11 =	vld.idx.msk [tilespmem:v24+s22+$0x0], $0xffff;
	_ =	sdelay $0x1  }
0x2a6: {  	v31 =	vor.u32 v23, v55;
	_ =	sdelay $0x1  }
0x2a7: {  	v10 =	vor.u32 v10, v6  }
0x2a8: {  	v11 =	vadd.f32 v11, v22  }
0x2a9: {  	v24 =	vor.u32 v5, v21  }
0x2aa: {  	[tilespmem:v31+s21+$0x0] =	vst.idx.msk $0xffff, v11;
	v31 =	vadd.f32 v9, v58  }
0x2ab: {  	v26 =	vor.u32 v8, v21;
	v9 =	vld [tilespmem:$0x1FFA0]  }
0x2ac: {  	[tilespmem:v10+s21+$0x0] =	vst.idx.msk $0xffff, v31  }
0x2ad: {  	v0 =	vld [tilespmem:$0x1FFA0]  }
0x2ae: {  	v25 =	vor.u32 v1, v20;
	v24 =	vld.idx.msk [tilespmem:v24+s22+$0x0], $0xffff;
	_ =	sdelay $0x1  }
0x2af: {  	v11 =	vld.idx.msk [tilespmem:v26+s22+$0x0], $0xffff;
	v9 =	vor.u32 v9, v7;
	_ =	sdelay $0x1  }
0x2b0: {  	v26 =	vor.u32 v5, v20;
	v0 =	vor.u32 v0, v55  }
0x2b1: {  	v24 =	vadd.f32 v24, v59;
	v10 =	vld.idx.msk [tilespmem:v25+s22+$0x0], $0xffff;
	v25 =	vor.u32 v8, v20;
	_ =	sdelay $0x1  }
0x2b2: {  	v11 =	vadd.f32 v11, v22;
	[tilespmem:v9+s21+$0x0] =	vst.idx.msk $0xffff, v24;
	v9 =	vor.u32 v12, v6  }
0x2b3: {  	v24 =	vor.u32 v56, v19  }
0x2b4: {  	v26 =	vld.idx.msk [tilespmem:v26+s22+$0x0], $0xffff;
	[tilespmem:v0+s21+$0x0] =	vst.idx.msk $0xffff, v11  }
0x2b5: {  	v10 =	vadd.f32 v10, v58;
	v0 =	vor.u32 v1, v19;
	v25 =	vld.idx.msk [tilespmem:v25+s22+$0x0], $0xffff  }
0x2b6: {  	[tilespmem:v62+s21+$0x0] =	vst.idx.msk $0xffff, v2;
	v11 =	vor.u32 v12, v7  }
0x2b7: {  	v31 =	vor.u32 v5, v19;
	[tilespmem:v9+s21+$0x0] =	vst.idx.msk $0xffff, v10;
	v9 =	vor.u32 v12, v55  }
0x2b8: {  	v24 =	vld.idx.msk [tilespmem:v24+s22+$0x0], $0xffff;
	v10 =	vor.u32 v27, v42  }
0x2b9: {  	v26 =	vadd.f32 v26, v59;
	v27 =	vor.u32 v8, v19  }
0x2ba: {  	[tilespmem:v3+s21+$0x0] =	vst.idx.msk $0xffff, v4;
	v3 =	vor.u32 v17, v35;
	v0 =	vld.idx.msk [tilespmem:v0+s22+$0x0], $0xffff;
	v62 =	vadd.f32 v25, v22  }
0x2bb: {  	v4 =	vor.u32 v29, v49;
	[tilespmem:v11+s21+$0x0] =	vst.idx.msk $0xffff, v26;
	v25 =	vadd.f32 v63, v40  }
0x2bc: {  	v26 =	vor.u32 v17, v6;
	v2 =	vld.idx.msk [tilespmem:v31+s22+$0x0], $0xffff;
	[tilespmem:v9+s21+$0x0] =	vst.idx.msk $0xffff, v62  }
0x2bd: {  	v24 =	vadd.f32 v24, v28;
	[tilespmem:v10+s21+$0x0] =	vst.idx.msk $0xffff, v25;
	v10 =	vor.u32 v48, v15  }
0x2be: {  	v25 =	vld.idx.msk [tilespmem:v27+s22+$0x0], $0xffff;
	v27 =	vadd.f32 v61, v43;
	v61 =	vmov v28;
	v28 =	vor.u32 v17, v7  }
0x2bf: {  	[tilespmem:v3+s21+$0x0] =	vst.idx.msk $0xffff, v24;
	v0 =	vadd.f32 v0, v58  }
0x2c0: {  	[tilespmem:v4+s21+$0x0] =	vst.idx.msk $0xffff, v27  }
0x2c1: {  	v11 =	vor.u32 v56, v18;
	v2 =	vadd.f32 v2, v59;
	[tilespmem:v26+s21+$0x0] =	vst.idx.msk $0xffff, v0  }
0x2c2: {  	v9 =	vor.u32 v1, v18;
	v27 =	vld [tilespmem:$0x1FF90]  }
0x2c3: {  	v62 =	vld.idx.msk [tilespmem:v10+s22+$0x0], $0xffff;
	[tilespmem:v28+s21+$0x0] =	vst.idx.msk $0xffff, v2  }
0x2c4: {  	v10 =	vld [tilespmem:$0x1FF90]  }
0x2c5: {  	v31 =	vld.idx.msk [tilespmem:v60+s22+$0x0], $0xffff  }
0x2c6: {  	v24 =	vor.u32 v17, v55;
	v11 =	vld.idx.msk [tilespmem:v11+s22+$0x0], $0xffff  }
0x2c7: {  	v56 =	vor.u32 v29, v45;
	v63 =	vor.u32 v5, v18;
	v60 =	vld.idx.msk [tilespmem:v9+s22+$0x0], $0xffff  }
0x2c8: {  	v27 =	vor.u32 v27, v35  }
0x2c9: {  	v25 =	vadd.f32 v25, v22;
	v10 =	vor.u32 v10, v6  }
0x2ca: {  	v28 =	vadd.f32 v31, v41  }
0x2cb: {  	v9 =	vor.u32 v8, v18;
	v11 =	vadd.f32 v11, v61;
	[tilespmem:v24+s21+$0x0] =	vst.idx.msk $0xffff, v25  }
0x2cc: {  	v26 =	vor.u32 v50, v44;
	v3 =	vld.idx.msk [tilespmem:v63+s22+$0x0], $0xffff;
	[tilespmem:v56+s21+$0x0] =	vst.idx.msk $0xffff, v28;
	v63 =	vadd.f32 v60, v58  }
0x2cd: {  	v31 =	vld [tilespmem:$0x1FF90];
	[tilespmem:v27+s21+$0x0] =	vst.idx.msk $0xffff, v11  }
0x2ce: {  	[tilespmem:v10+s21+$0x0] =	vst.idx.msk $0xffff, v63  }
0x2cf: {  	v0 =	vld [tilespmem:$0x1FF90]  }
0x2d0: {  	v25 =	vor.u32 v1, v15;
	v9 =	vld.idx.msk [tilespmem:v9+s22+$0x0], $0xffff  }
0x2d1: {  	v24 =	vor.u32 v29, v42;
	v11 =	vld.idx.msk [tilespmem:v26+s22+$0x0], $0xffff  }
0x2d2: {  	v4 =	vor.u32 v31, v7  }
0x2d3: {  	v10 =	vor.u32 v14, v49  }
0x2d4: {  	v2 =	vadd.f32 v62, v40;
	v26 =	vor.u32 v5, v15;
	v27 =	vld.idx.msk [tilespmem:v52+s22+$0x0], $0xffff;
	v0 =	vor.u32 v0, v55  }
0x2d5: {  	v50 =	vor.u32 v46, v44;
	v3 =	vadd.f32 v3, v59;
	v52 =	vadd.f32 v9, v22;
	v25 =	vld.idx.msk [tilespmem:v25+s22+$0x0], $0xffff  }
0x2d6: {  	[tilespmem:v24+s21+$0x0] =	vst.idx.msk $0xffff, v2;
	v24 =	vor.u32 v29, v35;
	v9 =	vadd.f32 v11, v43  }
0x2d7: {  	v28 =	vor.u32 v8, v15;
	[tilespmem:v4+s21+$0x0] =	vst.idx.msk $0xffff, v3;
	v11 =	vor.u32 v29, v6  }
0x2d8: {  	[tilespmem:v10+s21+$0x0] =	vst.idx.msk $0xffff, v9  }
0x2d9: {  	v26 =	vld.idx.msk [tilespmem:v26+s22+$0x0], $0xffff;
	v60 =	vadd.f32 v27, v61;
	[tilespmem:v0+s21+$0x0] =	vst.idx.msk $0xffff, v52  }
0x2da: {  	v63 =	vadd.f32 v25, v58;
	v3 =	vld [tilespmem:$0x1FE20]  }
0x2db: {  	v10 =	vld.idx.msk [tilespmem:v50+s22+$0x0], $0xffff;
	[tilespmem:v24+s21+$0x0] =	vst.idx.msk $0xffff, v60  }
0x2dc: {  	v56 =	vor.u32 v48, v44;
	v9 =	vld.idx.msk [tilespmem:v28+s22+$0x0], $0xffff;
	[tilespmem:v11+s21+$0x0] =	vst.idx.msk $0xffff, v63  }
0x2dd: {  	v1 =	vor.u32 v1, v44;
	v62 =	vor.u32 v29, v7;
	v48 =	vld [tilespmem:$0x1FE30]  }
0x2de: {  	v5 =	vor.u32 v5, v44;
	v28 =	vor.u32 v29, v55;
	v50 =	vld [tilespmem:$0x1FE50]  }
0x2df: {  	v8 =	vor.u32 v8, v44;
	v27 =	vld.idx.msk [tilespmem:v38+s22+$0x0], $0xffff;
	v43 =	vor.u32 $0x30, v3  }
0x2e0: {  	v25 =	vor.u32 v14, v45;
	v45 =	vadd.f32 v26, v59;
	v46 =	vld [tilespmem:$0x1FFA0];
	v24 =	vor.u32 v43, v13  }
0x2e1: {  	v4 =	vld.idx.msk [tilespmem:v56+s22+$0x0], $0xffff;
	v52 =	vadd.f32 v9, v22  }
0x2e2: {  	v49 =	vor.u32 v14, v35;
	v1 =	vld.idx.msk [tilespmem:v1+s22+$0x0], $0xffff;
	[tilespmem:v62+s21+$0x0] =	vst.idx.msk $0xffff, v45;
	v56 =	vor.u32 $0x30, v48  }
0x2e3: {  	v5 =	vld.idx.msk [tilespmem:v5+s22+$0x0], $0xffff;
	v2 =	vor.u32 $0x20, v50;
	[tilespmem:v28+s21+$0x0] =	vst.idx.msk $0xffff, v52  }
0x2e4: {  	v6 =	vor.u32 v14, v6;
	v60 =	vadd.f32 v10, v41;
	v9 =	vor.u32 v2, v13;
	v8 =	vld.idx.msk [tilespmem:v8+s22+$0x0], $0xffff  }
0x2e5: {  	v11 =	vor.u32 v46, v34;
	v46 =	vor.u32 $0x20, v32;
	v10 =	vld.idx.msk [tilespmem:v24+s22+$0x0], $0xffff;
	v24 =	vadd.f32 v27, v61  }
0x2e6: {  	v7 =	vor.u32 v14, v7;
	[tilespmem:v25+s21+$0x0] =	vst.idx.msk $0xffff, v60;
	v26 =	vld.idx.msk [tilespmem:v43+s23+$0x0], $0xffff;
	v61 =	vor.u32 v46, v13  }
0x2e7: {  	v1 =	vadd.f32 v1, v58;
	v48 =	vor.u32 $0x20, v36;
	v27 =	vld.idx.msk [tilespmem:v56+s23+$0x0], $0xffff;
	[tilespmem:v49+s21+$0x0] =	vst.idx.msk $0xffff, v24  }
0x2e8: {  	v25 =	vor.u32 v48, v13;
	v28 =	vor.u32 v14, v55;
	v41 =	vld.idx.msk [tilespmem:v2+s23+$0x0], $0xffff  }
0x2e9: {  	v62 =	vadd.f32 v5, v59;
	[tilespmem:v6+s21+$0x0] =	vst.idx.msk $0xffff, v1;
	v49 =	vor.u32 $0x20, v37;
	v9 =	vld.idx.msk [tilespmem:v9+s22+$0x0], $0xffff  }
0x2ea: {  	v3 =	vshll.u32 v2, $0x7;
	v36 =	vld.idx.msk [tilespmem:v46+s23+$0x0], $0xffff;
	v24 =	vadd.f32 v33, v30;
	v6 =	vor.u32 v49, v13  }
0x2eb: {  	v63 =	vor.u32 v54, v3;
	[tilespmem:v7+s21+$0x0] =	vst.idx.msk $0xffff, v62;
	v58 =	vadd.f32 v8, v22;
	v0 =	vld.idx.msk [tilespmem:v61+s22+$0x0], $0xffff  }
0x2ec: {  	v59 =	vor.u32 v2, v16;
	v50 =	vshll.u32 v46, $0x7;
	v45 =	vld.idx.msk [tilespmem:v48+s23+$0x0], $0xffff;
	[tilespmem:v11+s21+$0x0] =	vst.idx.msk $0xffff, v24  }
0x2ed: {  	v5 =	vor.u32 v56, v13;
	v11 =	vor.u32 v54, v50;
	v24 =	vld.idx.msk [tilespmem:v25+s22+$0x0], $0xffff;
	[tilespmem:v28+s21+$0x0] =	vst.idx.msk $0xffff, v58  }
0x2ee: {  	v8 =	vor.u32 v14, v42;
	v37 =	vld.idx.msk [tilespmem:v49+s23+$0x0], $0xffff;
	v60 =	vadd.f32 v9, v41;
	v9 =	vor.u32 v46, v16  }
0x2ef: {  	v4 =	vadd.f32 v4, v40;
	v42 =	vshll.u32 v48, $0x7;
	v6 =	vld.idx.msk [tilespmem:v6+s22+$0x0], $0xffff  }
0x2f0: {  	v62 =	vor.u32 v54, v42;
	v52 =	vshll.u32 v49, $0x7;
	v61 =	vld [tilespmem:$0x1FE40];
	[tilespmem:v63+s21+$0x0] =	vst.idx.msk $0xffff, v60;
	v0 =	vadd.f32 v0, v36  }
0x2f1: {  	v22 =	vor.u32 v48, v16;
	v25 =	vshll.u32 v43, $0x7;
	v40 =	vor.u32 v54, v52;
	v7 =	vld.idx.msk [tilespmem:v59+s22+$0x0], $0xffff  }
0x2f2: {  	v5 =	vld.idx.msk [tilespmem:v5+s22+$0x0], $0xffff;
	v28 =	vshll.u32 v56, $0x7;
	v63 =	vor.u32 v54, v25;
	[tilespmem:v11+s21+$0x0] =	vst.idx.msk $0xffff, v0  }
0x2f3: {  	[tilespmem:v8+s21+$0x0] =	vst.idx.msk $0xffff, v4;
	v8 =	vor.u32 v23, v3;
	v58 =	vadd.f32 v24, v45;
	v9 =	vld.idx.msk [tilespmem:v9+s22+$0x0], $0xffff  }
0x2f4: {  	v59 =	vor.u32 v54, v28;
	v60 =	vadd.f32 v6, v37  }
0x2f5: {  	v38 =	vor.u32 v23, v50;
	v10 =	vadd.f32 v10, v26;
	[tilespmem:v62+s21+$0x0] =	vst.idx.msk $0xffff, v58  }
0x2f6: {  	v24 =	vor.u32 v2, v21;
	v31 =	vld.idx.msk [tilespmem:v22+s22+$0x0], $0xffff;
	[tilespmem:v40+s21+$0x0] =	vst.idx.msk $0xffff, v60;
	v7 =	vadd.f32 v7, v41  }
0x2f7: {  	v62 =	vadd.f32 v5, v27;
	v11 =	vor.u32 v49, v16;
	[tilespmem:v63+s21+$0x0] =	vst.idx.msk $0xffff, v10  }
0x2f8: {  	[tilespmem:v8+s21+$0x0] =	vst.idx.msk $0xffff, v7;
	v22 =	vadd.f32 v9, v36;
	v8 =	vor.u32 v23, v42  }
0x2f9: {  	[tilespmem:v59+s21+$0x0] =	vst.idx.msk $0xffff, v62  }
0x2fa: {  	v55 =	vmov v34;
	v34 =	vor.u32 $0x30, v61;
	[tilespmem:v38+s21+$0x0] =	vst.idx.msk $0xffff, v22  }
0x2fb: {  	v6 =	vor.u32 v34, v13;
	v10 =	vadd.f32 v31, v45;
	v7 =	vld [tilespmem:$0x1FFA0]  }
0x2fc: {  	v61 =	vor.u32 v46, v21;
	v63 =	vld.idx.msk [tilespmem:v11+s22+$0x0], $0xffff  }
0x2fd: {  	v40 =	vld.idx.msk [tilespmem:v24+s22+$0x0], $0xffff;
	[tilespmem:v8+s21+$0x0] =	vst.idx.msk $0xffff, v10  }
0x2fe: {  	v8 =	vld [tilespmem:$0x1FFA0]  }
0x2ff: {  	v32 =	vld.idx.msk [tilespmem:v34+s23+$0x0], $0xffff;
	v9 =	vor.u32 v23, v52  }
0x300: {  	v60 =	vor.u32 v48, v21;
	v6 =	vld.idx.msk [tilespmem:v6+s22+$0x0], $0xffff;
	v7 =	vor.u32 v7, v3  }
0x301: {  	v35 =	vshll.u32 v34, $0x7;
	v0 =	vld.idx.msk [tilespmem:v61+s22+$0x0], $0xffff  }
0x302: {  	v24 =	vor.u32 v54, v35;
	v61 =	vor.u32 v2, v20;
	v5 =	vadd.f32 v63, v37  }
0x303: {  	v10 =	vor.u32 v43, v16;
	v1 =	vadd.f32 v40, v41;
	v8 =	vor.u32 v8, v50  }
0x304: {  	v62 =	vld.idx.msk [tilespmem:v57+s22+$0x0], $0xffff;
	[tilespmem:v9+s21+$0x0] =	vst.idx.msk $0xffff, v5  }
0x305: {  	v11 =	vor.u32 v49, v21;
	v6 =	vadd.f32 v6, v32;
	v4 =	vld.idx.msk [tilespmem:v60+s22+$0x0], $0xffff;
	[tilespmem:v7+s21+$0x0] =	vst.idx.msk $0xffff, v1  }
0x306: {  	v0 =	vadd.f32 v0, v36;
	v1 =	vld [tilespmem:$0x1FFA0]  }
0x307: {  	[tilespmem:v24+s21+$0x0] =	vst.idx.msk $0xffff, v6;
	v38 =	vld.idx.msk [tilespmem:v61+s22+$0x0], $0xffff  }
0x308: {  	v9 =	vor.u32 v46, v20;
	[tilespmem:v8+s21+$0x0] =	vst.idx.msk $0xffff, v0;
	v8 =	vld.idx.msk [tilespmem:v10+s22+$0x0], $0xffff  }
0x309: {  	v63 =	vor.u32 v12, v55;
	v0 =	vld [tilespmem:$0x1FFA0]  }
0x30a: {  	v22 =	vld.idx.msk [tilespmem:v11+s22+$0x0], $0xffff;
	v11 =	vor.u32 v56, v16;
	v10 =	vor.u32 v12, v3  }
0x30b: {  	v58 =	vor.u32 v23, v25  }
0x30c: {  	v40 =	vadd.f32 v62, v30;
	v60 =	vor.u32 v2, v19;
	v1 =	vor.u32 v1, v42  }
0x30d: {  	v57 =	vor.u32 v49, v20;
	v24 =	vor.u32 v48, v20;
	v9 =	vld.idx.msk [tilespmem:v9+s22+$0x0], $0xffff;
	v6 =	vadd.f32 v38, v41  }
0x30e: {  	[tilespmem:v63+s21+$0x0] =	vst.idx.msk $0xffff, v40;
	v38 =	vadd.f32 v8, v26;
	v0 =	vor.u32 v0, v52  }
0x30f: {  	v4 =	vadd.f32 v4, v45;
	v11 =	vld.idx.msk [tilespmem:v11+s22+$0x0], $0xffff;
	v63 =	vor.u32 v12, v50;
	[tilespmem:v10+s21+$0x0] =	vst.idx.msk $0xffff, v6  }
0x310: {  	v62 =	vor.u32 v34, v16;
	[tilespmem:v58+s21+$0x0] =	vst.idx.msk $0xffff, v38  }
0x311: {  	v61 =	vadd.f32 v22, v37;
	v22 =	vor.u32 v46, v19;
	v58 =	vld.idx.msk [tilespmem:v60+s22+$0x0], $0xffff;
	[tilespmem:v1+s21+$0x0] =	vst.idx.msk $0xffff, v4  }
0x312: {  	v9 =	vadd.f32 v9, v36;
	v24 =	vld.idx.msk [tilespmem:v24+s22+$0x0], $0xffff  }
0x313: {  	v10 =	vor.u32 v23, v28;
	[tilespmem:v0+s21+$0x0] =	vst.idx.msk $0xffff, v61  }
0x314: {  	[tilespmem:v63+s21+$0x0] =	vst.idx.msk $0xffff, v9;
	v9 =	vadd.f32 v11, v27;
	v11 =	vor.u32 v17, v3;
	v8 =	vld.idx.msk [tilespmem:v57+s22+$0x0], $0xffff  }
0x315: {  	v40 =	vor.u32 v12, v42;
	v4 =	vld.idx.msk [tilespmem:v62+s22+$0x0], $0xffff  }
0x316: {  	v60 =	vor.u32 v12, v52;
	v61 =	vor.u32 v23, v35;
	v0 =	vld.idx.msk [tilespmem:v22+s22+$0x0], $0xffff  }
0x317: {  	v63 =	vld.idx.msk [tilespmem:v47+s22+$0x0], $0xffff;
	v1 =	vadd.f32 v58, v41;
	v62 =	vadd.f32 v24, v45;
	v24 =	vor.u32 v49, v19  }
0x318: {  	[tilespmem:v10+s21+$0x0] =	vst.idx.msk $0xffff, v9;
	v9 =	vor.u32 v17, v50;
	v57 =	vor.u32 v48, v19  }
0x319: {  	v59 =	vmov v23;
	[tilespmem:v11+s21+$0x0] =	vst.idx.msk $0xffff, v1;
	v23 =	vadd.f32 v8, v37;
	v8 =	vor.u32 v17, v55  }
0x31a: {  	v4 =	vadd.f32 v4, v32;
	[tilespmem:v40+s21+$0x0] =	vst.idx.msk $0xffff, v62  }
0x31b: {  	v0 =	vadd.f32 v0, v36;
	[tilespmem:v60+s21+$0x0] =	vst.idx.msk $0xffff, v23  }
0x31c: {  	[tilespmem:v61+s21+$0x0] =	vst.idx.msk $0xffff, v4;
	v58 =	vld.idx.msk [tilespmem:v24+s22+$0x0], $0xffff;
	v24 =	vadd.f32 v63, v30  }
0x31d: {  	v22 =	vor.u32 v2, v18;
	[tilespmem:v9+s21+$0x0] =	vst.idx.msk $0xffff, v0  }
0x31e: {  	v10 =	vld.idx.msk [tilespmem:v57+s22+$0x0], $0xffff;
	[tilespmem:v8+s21+$0x0] =	vst.idx.msk $0xffff, v24  }
0x31f: {  	v8 =	vld [tilespmem:$0x1FF90]  }
0x320: {  	v40 =	vor.u32 v46, v18;
	v57 =	vor.u32 v17, v42;
	_ =	sdelay $0x1  }
0x321: {  	v6 =	vld.idx.msk [tilespmem:v22+s22+$0x0], $0xffff  }
0x322: {  	v9 =	vor.u32 v17, v52;
	v61 =	vadd.f32 v10, v45  }
0x323: {  	v8 =	vor.u32 v8, v3  }
0x324: {  	v10 =	vld.idx.msk [tilespmem:v40+s22+$0x0], $0xffff;
	[tilespmem:v57+s21+$0x0] =	vst.idx.msk $0xffff, v61  }
0x325: {  	v47 =	vor.u32 v43, v21;
	v7 =	vld [tilespmem:$0x1FF90];
	v1 =	vadd.f32 v58, v37  }
0x326: {  	v11 =	vor.u32 v48, v18;
	v6 =	vadd.f32 v6, v41  }
0x327: {  	v60 =	vor.u32 v56, v21;
	v63 =	vld [tilespmem:$0x1FFA0];
	[tilespmem:v9+s21+$0x0] =	vst.idx.msk $0xffff, v1  }
0x328: {  	v1 =	vld [tilespmem:$0x1FF90];
	[tilespmem:v8+s21+$0x0] =	vst.idx.msk $0xffff, v6  }
0x329: {  	v40 =	vadd.f32 v10, v36;
	v10 =	vld [tilespmem:$0x1FFA0]  }
0x32a: {  	v5 =	vld.idx.msk [tilespmem:v47+s22+$0x0], $0xffff;
	v7 =	vor.u32 v7, v50  }
0x32b: {  	v11 =	vld.idx.msk [tilespmem:v11+s22+$0x0], $0xffff  }
0x32c: {  	v24 =	vor.u32 v49, v18;
	v4 =	vld.idx.msk [tilespmem:v60+s22+$0x0], $0xffff;
	v23 =	vor.u32 v63, v25  }
0x32d: {  	v1 =	vor.u32 v1, v42  }
0x32e: {  	v62 =	vor.u32 v2, v15;
	v10 =	vor.u32 v10, v28  }
0x32f: {  	v5 =	vadd.f32 v5, v26;
	[tilespmem:v7+s21+$0x0] =	vst.idx.msk $0xffff, v40  }
0x330: {  	v38 =	vor.u32 v46, v15;
	v47 =	vadd.f32 v11, v45;
	v7 =	vld [tilespmem:$0x1FF90]  }
0x331: {  	v4 =	vadd.f32 v4, v27;
	v8 =	vld.idx.msk [tilespmem:v24+s22+$0x0], $0xffff;
	v24 =	vor.u32 v48, v15;
	[tilespmem:v23+s21+$0x0] =	vst.idx.msk $0xffff, v5  }
0x332: {  	v9 =	vor.u32 v34, v21;
	[tilespmem:v1+s21+$0x0] =	vst.idx.msk $0xffff, v47  }
0x333: {  	v0 =	vld.idx.msk [tilespmem:v62+s22+$0x0], $0xffff;
	[tilespmem:v10+s21+$0x0] =	vst.idx.msk $0xffff, v4  }
0x334: {  	v4 =	vld [tilespmem:$0x1FFA0]  }
0x335: {  	v11 =	vld.idx.msk [tilespmem:v38+s22+$0x0], $0xffff;
	v7 =	vor.u32 v7, v52  }
0x336: {  	v60 =	vor.u32 v29, v3;
	v10 =	vld.idx.msk [tilespmem:v24+s22+$0x0], $0xffff  }
0x337: {  	v57 =	vor.u32 v43, v20;
	v61 =	vld.idx.msk [tilespmem:v9+s22+$0x0], $0xffff;
	v9 =	vor.u32 v29, v50  }
0x338: {  	v63 =	vor.u32 v29, v42;
	v8 =	vadd.f32 v8, v37  }
0x339: {  	v58 =	vor.u32 v49, v15;
	v0 =	vadd.f32 v0, v41;
	v4 =	vor.u32 v4, v35  }
0x33a: {  	[tilespmem:v7+s21+$0x0] =	vst.idx.msk $0xffff, v8;
	v8 =	vadd.f32 v11, v36  }
0x33b: {  	v2 =	vor.u32 v2, v44;
	[tilespmem:v60+s21+$0x0] =	vst.idx.msk $0xffff, v0;
	v10 =	vadd.f32 v10, v45  }
0x33c: {  	v23 =	vld.idx.msk [tilespmem:v57+s22+$0x0], $0xffff;
	v6 =	vadd.f32 v61, v32;
	v24 =	vor.u32 v46, v44;
	[tilespmem:v9+s21+$0x0] =	vst.idx.msk $0xffff, v8  }
0x33d: {  	v62 =	vor.u32 v56, v20;
	v9 =	vld [tilespmem:$0x1FDC0];
	[tilespmem:v63+s21+$0x0] =	vst.idx.msk $0xffff, v10  }
0x33e: {  	v46 =	vor.u32 v48, v44;
	v11 =	vld.idx.msk [tilespmem:v58+s22+$0x0], $0xffff;
	[tilespmem:v4+s21+$0x0] =	vst.idx.msk $0xffff, v6  }
0x33f: {  	v22 =	vor.u32 v34, v20;
	v10 =	vld [tilespmem:$0x1FE60]  }
0x340: {  	v47 =	vor.u32 v12, v25;
	v2 =	vld.idx.msk [tilespmem:v2+s22+$0x0], $0xffff  }
0x341: {  	v48 =	vor.u32 v49, v44;
	v49 =	vor.u32 v43, v19;
	v8 =	vor.u32 v29, v52;
	v57 =	vld.idx.msk [tilespmem:v24+s22+$0x0], $0xffff  }
0x342: {  	v3 =	vor.u32 v14, v3;
	v7 =	vld.idx.msk [tilespmem:v62+s22+$0x0], $0xffff  }
0x343: {  	v1 =	vadd.f32 v23, v26;
	v58 =	vor.u32 v14, v50;
	v5 =	vld.idx.msk [tilespmem:v46+s22+$0x0], $0xffff  }
0x344: {  	v39 =	vor.u32 $0x30, v39;
	v0 =	vld.idx.msk [tilespmem:v22+s22+$0x0], $0xffff;
	v40 =	vor.u32 $0x30, v10;
	v10 =	vadd.f32 v11, v37  }
0x345: {  	v2 =	vadd.f32 v2, v41;
	[tilespmem:v47+s21+$0x0] =	vst.idx.msk $0xffff, v1;
	v9 =	vld.idx.msk [tilespmem:v9+s22+$0x0], $0xffff  }
0x346: {  	v61 =	vadd.f32 v57, v36;
	v4 =	vld.idx.msk [tilespmem:v49+s22+$0x0], $0xffff;
	v11 =	vor.u32 v40, v13;
	[tilespmem:v8+s21+$0x0] =	vst.idx.msk $0xffff, v10  }
0x347: {  	v60 =	vor.u32 v39, v13;
	[tilespmem:v3+s21+$0x0] =	vst.idx.msk $0xffff, v2;
	v10 =	vor.u32 v14, v42;
	v8 =	vld.idx.msk [tilespmem:v48+s22+$0x0], $0xffff  }
0x348: {  	v41 =	vor.u32 $0x30, v51;
	v3 =	vld [tilespmem:$0x1FF90];
	[tilespmem:v58+s21+$0x0] =	vst.idx.msk $0xffff, v61  }
0x349: {  	v62 =	vor.u32 v14, v52;
	v63 =	vor.u32 v41, v13;
	v36 =	vld.idx.msk [tilespmem:v39+s23+$0x0], $0xffff  }
0x34a: {  	v23 =	vadd.f32 v5, v45;
	v45 =	vor.u32 $0x30, v53;
	v24 =	vld.idx.msk [tilespmem:v40+s23+$0x0], $0xffff  }
0x34b: {  	v7 =	vadd.f32 v7, v27;
	v49 =	vor.u32 v45, v13;
	v38 =	vshll.u32 v40, $0x7;
	v11 =	vld.idx.msk [tilespmem:v11+s22+$0x0], $0xffff  }
0x34c: {  	v48 =	vor.u32 v12, v28;
	v1 =	vld.idx.msk [tilespmem:v60+s22+$0x0], $0xffff;
	[tilespmem:v10+s21+$0x0] =	vst.idx.msk $0xffff, v23;
	v8 =	vadd.f32 v8, v37  }
0x34d: {  	v57 =	vor.u32 v39, v16;
	v51 =	vor.u32 v40, v16;
	v50 =	vor.u32 v54, v38;
	v2 =	vld.idx.msk [tilespmem:v41+s23+$0x0], $0xffff  }
0x34e: {  	v10 =	vor.u32 v12, v35;
	v23 =	vshll.u32 v39, $0x7;
	[tilespmem:v62+s21+$0x0] =	vst.idx.msk $0xffff, v8;
	v8 =	vld.idx.msk [tilespmem:v63+s22+$0x0], $0xffff  }
0x34f: {  	v0 =	vadd.f32 v0, v32;
	v6 =	vor.u32 v3, v55;
	v52 =	vor.u32 v54, v23;
	v3 =	vld.idx.msk [tilespmem:v45+s23+$0x0], $0xffff  }
0x350: {  	v42 =	vshll.u32 v45, $0x7;
	v37 =	vshll.u32 v41, $0x7;
	v11 =	vadd.f32 v11, v24;
	v53 =	vld.idx.msk [tilespmem:v49+s22+$0x0], $0xffff  }
0x351: {  	v61 =	vor.u32 v54, v42;
	[tilespmem:v48+s21+$0x0] =	vst.idx.msk $0xffff, v7;
	v58 =	vor.u32 v54, v37  }
0x352: {  	v1 =	vadd.f32 v1, v36;
	[tilespmem:v50+s21+$0x0] =	vst.idx.msk $0xffff, v11;
	v11 =	vor.u32 v41, v16  }
0x353: {  	v9 =	vadd.f32 v9, v30;
	v62 =	vor.u32 v45, v16;
	[tilespmem:v10+s21+$0x0] =	vst.idx.msk $0xffff, v0;
	v10 =	vld.idx.msk [tilespmem:v51+s22+$0x0], $0xffff  }
0x354: {  	[tilespmem:v52+s21+$0x0] =	vst.idx.msk $0xffff, v1;
	v63 =	vadd.f32 v8, v2;
	v8 =	vor.u32 v56, v19  }
0x355: {  	v16 =	vor.u32 v59, v38;
	[tilespmem:v6+s21+$0x0] =	vst.idx.msk $0xffff, v9;
	v7 =	vld.idx.msk [tilespmem:v57+s22+$0x0], $0xffff;
	v5 =	vadd.f32 v53, v3  }
0x356: {  	v60 =	vor.u32 v17, v25;
	[tilespmem:v58+s21+$0x0] =	vst.idx.msk $0xffff, v63  }
0x357: {  	v49 =	vor.u32 v59, v23;
	v9 =	vld.idx.msk [tilespmem:v11+s22+$0x0], $0xffff;
	[tilespmem:v61+s21+$0x0] =	vst.idx.msk $0xffff, v5  }
0x358: {  	v10 =	vadd.f32 v10, v24;
	v50 =	vld.idx.msk [tilespmem:v62+s22+$0x0], $0xffff  }
0x359: {  	v47 =	vor.u32 v40, v21;
	v4 =	vadd.f32 v4, v26;
	v11 =	vor.u32 v59, v37;
	v8 =	vld.idx.msk [tilespmem:v8+s22+$0x0], $0xffff  }
0x35a: {  	v7 =	vadd.f32 v7, v36;
	[tilespmem:v16+s21+$0x0] =	vst.idx.msk $0xffff, v10;
	v10 =	vor.u32 v59, v42  }
0x35b: {  	[tilespmem:v60+s21+$0x0] =	vst.idx.msk $0xffff, v4;
	v53 =	vor.u32 v17, v28  }
0x35c: {  	[tilespmem:v49+s21+$0x0] =	vst.idx.msk $0xffff, v7;
	v9 =	vadd.f32 v9, v2  }
0x35d: {  	v5 =	vld [tilespmem:$0x1FFA0];
	v0 =	vadd.f32 v50, v3  }
0x35e: {  	[tilespmem:v11+s21+$0x0] =	vst.idx.msk $0xffff, v9;
	v8 =	vadd.f32 v8, v27  }
0x35f: {  	v48 =	vor.u32 v34, v19;
	v1 =	vld.idx.msk [tilespmem:v47+s22+$0x0], $0xffff;
	[tilespmem:v10+s21+$0x0] =	vst.idx.msk $0xffff, v0  }
0x360: {  	v10 =	vld [tilespmem:$0x1FFA0];
	[tilespmem:v53+s21+$0x0] =	vst.idx.msk $0xffff, v8  }
0x361: {  	v51 =	vor.u32 v39, v21;
	v13 =	vld [tilespmem:$0x1FE80]  }
0x362: {  	v52 =	vor.u32 v41, v21;
	v5 =	vor.u32 v5, v38;
	_ =	sdelay $0x1  }
0x363: {  	v6 =	vld.idx.msk [tilespmem:v48+s22+$0x0], $0xffff  }
0x364: {  	v58 =	vadd.f32 v1, v24  }
0x365: {  	v4 =	vld.idx.msk [tilespmem:v51+s22+$0x0], $0xffff;
	v9 =	vor.u32 v17, v35;
	v11 =	vor.u32 v40, v20  }
0x366: {  	v60 =	vld.idx.msk [tilespmem:v52+s22+$0x0], $0xffff;
	[tilespmem:v5+s21+$0x0] =	vst.idx.msk $0xffff, v58  }
0x367: {  	v5 =	vld [tilespmem:$0x1FFA0]  }
0x368: {  	v21 =	vor.u32 v45, v21;
	v6 =	vadd.f32 v6, v32;
	v10 =	vor.u32 v10, v23;
	v61 =	vld.idx.msk [tilespmem:v13+s22+$0x0], $0xffff  }
0x369: {  	v57 =	vor.u32 v43, v18;
	v13 =	vld [tilespmem:$0x1FFA0]  }
0x36a: {  	[tilespmem:v9+s21+$0x0] =	vst.idx.msk $0xffff, v6;
	v9 =	vld.idx.msk [tilespmem:v11+s22+$0x0], $0xffff  }
0x36b: {  	v4 =	vadd.f32 v4, v36;
	v6 =	vld [tilespmem:$0x1FF90]  }
0x36c: {  	v5 =	vor.u32 v5, v37  }
0x36d: {  	v8 =	vld.idx.msk [tilespmem:v21+s22+$0x0], $0xffff;
	[tilespmem:v10+s21+$0x0] =	vst.idx.msk $0xffff, v4;
	v10 =	vor.u32 v12, v38  }
0x36e: {  	v46 =	vor.u32 v29, v55;
	v7 =	vld.idx.msk [tilespmem:v57+s22+$0x0], $0xffff  }
0x36f: {  	v62 =	vor.u32 v39, v20;
	v1 =	vadd.f32 v60, v2;
	v63 =	vor.u32 v13, v42  }
0x370: {  	v16 =	vor.u32 v41, v20;
	v9 =	vadd.f32 v9, v24;
	v6 =	vor.u32 v6, v25  }
0x371: {  	v48 =	vadd.f32 v61, v30;
	[tilespmem:v5+s21+$0x0] =	vst.idx.msk $0xffff, v1  }
0x372: {  	v47 =	vor.u32 v40, v19;
	v8 =	vadd.f32 v8, v3;
	[tilespmem:v10+s21+$0x0] =	vst.idx.msk $0xffff, v9  }
0x373: {  	v7 =	vadd.f32 v7, v26;
	v11 =	vor.u32 v45, v20;
	[tilespmem:v46+s21+$0x0] =	vst.idx.msk $0xffff, v48  }
0x374: {  	v33 =	vor.u32 v56, v18;
	v0 =	vld.idx.msk [tilespmem:v62+s22+$0x0], $0xffff;
	[tilespmem:v63+s21+$0x0] =	vst.idx.msk $0xffff, v8  }
0x375: {  	v8 =	vld.idx.msk [tilespmem:v16+s22+$0x0], $0xffff;
	[tilespmem:v6+s21+$0x0] =	vst.idx.msk $0xffff, v7  }
0x376: {  	v10 =	vld [tilespmem:$0x1FF90]  }
0x377: {  	v49 =	vor.u32 v12, v23;
	v52 =	vld.idx.msk [tilespmem:v47+s22+$0x0], $0xffff  }
0x378: {  	v51 =	vor.u32 v39, v19;
	v50 =	vld.idx.msk [tilespmem:v11+s22+$0x0], $0xffff;
	v11 =	vor.u32 v12, v37  }
0x379: {  	v58 =	vor.u32 v17, v38;
	v4 =	vld.idx.msk [tilespmem:v33+s22+$0x0], $0xffff;
	v9 =	vor.u32 v41, v19  }
0x37a: {  	v53 =	vor.u32 v12, v42;
	v0 =	vadd.f32 v0, v36  }
0x37b: {  	v8 =	vadd.f32 v8, v2;
	v10 =	vor.u32 v10, v28  }
0x37c: {  	[tilespmem:v49+s21+$0x0] =	vst.idx.msk $0xffff, v0;
	v1 =	vadd.f32 v52, v24  }
0x37d: {  	v7 =	vld.idx.msk [tilespmem:v51+s22+$0x0], $0xffff;
	v6 =	vadd.f32 v50, v3;
	[tilespmem:v11+s21+$0x0] =	vst.idx.msk $0xffff, v8  }
0x37e: {  	v4 =	vadd.f32 v4, v27;
	v19 =	vor.u32 v45, v19;
	[tilespmem:v58+s21+$0x0] =	vst.idx.msk $0xffff, v1;
	v9 =	vld.idx.msk [tilespmem:v9+s22+$0x0], $0xffff  }
0x37f: {  	v57 =	vor.u32 v34, v18;
	v60 =	vor.u32 v17, v23;
	[tilespmem:v53+s21+$0x0] =	vst.idx.msk $0xffff, v6  }
0x380: {  	v62 =	vor.u32 v17, v37;
	v8 =	vor.u32 v43, v15;
	[tilespmem:v10+s21+$0x0] =	vst.idx.msk $0xffff, v4  }
0x381: {  	v20 =	vld [tilespmem:$0x1FF90]  }
0x382: {  	v7 =	vadd.f32 v7, v36  }
0x383: {  	v11 =	vor.u32 v40, v18;
	v61 =	vld.idx.msk [tilespmem:v19+s22+$0x0], $0xffff;
	v9 =	vadd.f32 v9, v2  }
0x384: {  	v0 =	vld.idx.msk [tilespmem:v57+s22+$0x0], $0xffff;
	[tilespmem:v60+s21+$0x0] =	vst.idx.msk $0xffff, v7  }
0x385: {  	v10 =	vor.u32 v17, v42;
	v8 =	vld.idx.msk [tilespmem:v8+s22+$0x0], $0xffff;
	[tilespmem:v62+s21+$0x0] =	vst.idx.msk $0xffff, v9  }
0x386: {  	v33 =	vor.u32 v56, v15;
	v9 =	vld [tilespmem:$0x1FF90];
	v20 =	vor.u32 v20, v35;
	_ =	sdelay $0x1  }
0x387: {  	v46 =	vld.idx.msk [tilespmem:v11+s22+$0x0], $0xffff;
	v11 =	vor.u32 v29, v25;
	v4 =	vadd.f32 v61, v3  }
0x388: {  	v0 =	vadd.f32 v0, v32  }
0x389: {  	v31 =	vor.u32 v41, v18;
	v63 =	vor.u32 v39, v18;
	[tilespmem:v10+s21+$0x0] =	vst.idx.msk $0xffff, v4  }
0x38a: {  	v5 =	vld.idx.msk [tilespmem:v33+s22+$0x0], $0xffff;
	v49 =	vadd.f32 v8, v26;
	v9 =	vor.u32 v9, v38;
	[tilespmem:v20+s21+$0x0] =	vst.idx.msk $0xffff, v0  }
0x38b: {  	v18 =	vor.u32 v45, v18;
	v8 =	vld [tilespmem:$0x1FF90]  }
0x38c: {  	v51 =	vld [tilespmem:$0x1FF90];
	[tilespmem:v11+s21+$0x0] =	vst.idx.msk $0xffff, v49  }
0x38d: {  	v7 =	vadd.f32 v46, v24;
	v11 =	vld [tilespmem:$0x1FF90]  }
0x38e: {  	v1 =	vld.idx.msk [tilespmem:v63+s22+$0x0], $0xffff  }
0x38f: {  	v48 =	vld.idx.msk [tilespmem:v31+s22+$0x0], $0xffff;
	[tilespmem:v9+s21+$0x0] =	vst.idx.msk $0xffff, v7;
	v9 =	vor.u32 v29, v28  }
0x390: {  	v10 =	vld.idx.msk [tilespmem:v18+s22+$0x0], $0xffff;
	v8 =	vor.u32 v8, v23  }
0x391: {  	v19 =	vor.u32 v51, v37  }
0x392: {  	v5 =	vadd.f32 v5, v27;
	v11 =	vor.u32 v11, v42  }
0x393: {  	v1 =	vadd.f32 v1, v36  }
0x394: {  	v4 =	vadd.f32 v48, v2;
	[tilespmem:v9+s21+$0x0] =	vst.idx.msk $0xffff, v5  }
0x395: {  	[tilespmem:v8+s21+$0x0] =	vst.idx.msk $0xffff, v1;
	v8 =	vadd.f32 v10, v3  }
0x396: {  	v47 =	vor.u32 v34, v15;
	[tilespmem:v19+s21+$0x0] =	vst.idx.msk $0xffff, v4  }
0x397: {  	v50 =	vor.u32 v40, v15;
	[tilespmem:v11+s21+$0x0] =	vst.idx.msk $0xffff, v8  }
0x398: {  	v52 =	vor.u32 v39, v15;
	v13 =	vld [tilespmem:$0x1FE70]  }
0x399: {  	v53 =	vor.u32 v41, v15  }
0x39a: {  	v57 =	vor.u32 v45, v15  }
0x39b: {  	v6 =	vld.idx.msk [tilespmem:v47+s22+$0x0], $0xffff  }
0x39c: {  	v60 =	vor.u32 v43, v44;
	v10 =	vld.idx.msk [tilespmem:v50+s22+$0x0], $0xffff  }
0x39d: {  	v58 =	vor.u32 v29, v35;
	v0 =	vld.idx.msk [tilespmem:v52+s22+$0x0], $0xffff;
	v8 =	vor.u32 v56, v44  }
0x39e: {  	v61 =	vor.u32 v29, v38;
	v7 =	vld.idx.msk [tilespmem:v53+s22+$0x0], $0xffff;
	v11 =	vor.u32 v34, v44  }
0x39f: {  	v43 =	vor.u32 v39, v44;
	v63 =	vor.u32 v29, v23;
	v62 =	vor.u32 v40, v44;
	v9 =	vld.idx.msk [tilespmem:v57+s22+$0x0], $0xffff  }
0x3a0: {  	v46 =	vor.u32 v29, v37;
	v48 =	vor.u32 v41, v44;
	v6 =	vadd.f32 v6, v32;
	v40 =	vld.idx.msk [tilespmem:v13+s22+$0x0], $0xffff  }
0x3a1: {  	v47 =	vor.u32 v29, v42;
	v49 =	vor.u32 v45, v44;
	v4 =	vld.idx.msk [tilespmem:v60+s22+$0x0], $0xffff;
	v10 =	vadd.f32 v10, v24  }
0x3a2: {  	v50 =	vor.u32 v14, v55;
	[tilespmem:v58+s21+$0x0] =	vst.idx.msk $0xffff, v6;
	v0 =	vadd.f32 v0, v36;
	v8 =	vld.idx.msk [tilespmem:v8+s22+$0x0], $0xffff  }
0x3a3: {  	v7 =	vadd.f32 v7, v2;
	[tilespmem:v61+s21+$0x0] =	vst.idx.msk $0xffff, v10;
	v10 =	vld.idx.msk [tilespmem:v11+s22+$0x0], $0xffff;
	v11 =	vor.u32 v14, v25  }
0x3a4: {  	v51 =	vor.u32 v14, v28;
	[tilespmem:v63+s21+$0x0] =	vst.idx.msk $0xffff, v0;
	v5 =	vld.idx.msk [tilespmem:v62+s22+$0x0], $0xffff;
	v9 =	vadd.f32 v9, v3  }
0x3a5: {  	v53 =	vor.u32 v14, v35;
	[tilespmem:v46+s21+$0x0] =	vst.idx.msk $0xffff, v7;
	v1 =	vld.idx.msk [tilespmem:v43+s22+$0x0], $0xffff;
	v52 =	vadd.f32 v40, v30  }
0x3a6: {  	v4 =	vadd.f32 v4, v26;
	v55 =	vld.idx.msk [tilespmem:v48+s22+$0x0], $0xffff;
	[tilespmem:v47+s21+$0x0] =	vst.idx.msk $0xffff, v9;
	v9 =	vor.u32 v14, v38  }
0x3a7: {  	v57 =	vor.u32 v14, v23;
	v56 =	vadd.f32 v8, v27;
	v8 =	vld.idx.msk [tilespmem:v49+s22+$0x0], $0xffff;
	[tilespmem:v50+s21+$0x0] =	vst.idx.msk $0xffff, v52  }
0x3a8: {  	v58 =	vadd.f32 v10, v32;
	v10 =	vor.u32 v14, v37;
	v27 =	vld [tilespmem:$0x1FF90];
	[tilespmem:v11+s21+$0x0] =	vst.idx.msk $0xffff, v4  }
0x3a9: {  	v61 =	vor.u32 v14, v42;
	v60 =	vadd.f32 v5, v24;
	[tilespmem:v51+s21+$0x0] =	vst.idx.msk $0xffff, v56  }
0x3aa: {  	v1 =	vadd.f32 v1, v36;
	[tilespmem:v53+s21+$0x0] =	vst.idx.msk $0xffff, v58  }
.Ltmp8:
0x3ab: {  	s20 =	sshll.u32 s20, $0x12;
	v62 =	vadd.f32 v55, v2;
	[tilespmem:v9+s21+$0x0] =	vst.idx.msk $0xffff, v60;
	(pc) =	sbr.rel .LBB2_8-.Ltmp8, $4  }
0x3ac: {  	s20 =	sor.u32 s4, s20;
	v63 =	vadd.f32 v8, v3;
	v9 =	vld [tilespmem:$0x1FFA0];
	[tilespmem:v57+s21+$0x0] =	vst.idx.msk $0xffff, v1  }
0x3ad: {  	s20 =	sshrl.u32 s20, $0x3;
	[tilespmem:v10+s21+$0x0] =	vst.idx.msk $0xffff, v62  }
0x3ae: {  	s19 =	sadd.s32 $0x9, s19;
	s20 =	sadd.s32 s1, s20;
	[tilespmem:v61+s21+$0x0] =	vst.idx.msk $0xffff, v63  }
0x3af: {  	v26 =	vmov v17;
	v11 =	vmov v14;
	v10 =	vmov v29;
	[hbm4b:s20+s9] =	stream.strided.scatter [tilespmem:s21], [sflag:s19], $0x2000, s10, s9, $0x38;
	[tilespmem:$0x1E800] =	vst v63  }
.LBB2_10:
0x3b0: {  	_ =	sfence.sel $0x180000  }
0x3b1: {  	[bflag:$0x0] =	sbarrier.arrive $0xFFFF  }
0x3b2: {  	p0 =	sne.s32 s2, $0x0;
	_ =	strace $0x90000047  }
0x3b3: {  	s0 =	sadd.s32 @!p0 $0x100000, s0;
	[bflag:$0x2] =	sbarrier.arrive $0xFFFF  }
0x3b4: {  	[sflag:s0] =	ssyncadd.tile.s32 @!p0 $0x1;
	_ =	shalt  }
.Lfunc_end2:
_tile_overlayer_lowered:
.L_overlay_start_2:
0x3b5: {  	(tag) =	ssettag $0x2  }
0x3b6: {  	s0 =	rddreg [dreg:$0x0];
	s2 =	stileid.u32  }
0x3b7: {  	s1 =	rddreg [dreg:$0x1];
	p0 =	sne.s32 s2, $0x0  }
0x3b8: {  	s3 =	rddreg [dreg:$0x2];
	[bflag:$0x3] =	sbarrier.arrive $0xFFFF;
	s2 =	simm.s32 @!p0 $0x1C0D  }
0x3b9: {  	[timem:s3], [sflag:s2] =	dma.local @!p0 [hbm:s0], s1  }
0x3ba: {  	s0 =	simm.s32 @!p0 $0xD  }
0x3bb: {  	_ =	swait.ge @!p0 [sflag:s0], s1  }
0x3bc: {  	s1 =	ssub.s32 @!p0 $0x0, s1;
	[sflag:s0] =	ssyncset.done @!p0 $0x0  }
0x3bd: {  	[sflag:s0] =	ssyncadd.s32 @!p0 s1  }
0x3be: {  	[bflag:$0x3] =	sbarrier.arrive $0xFFFF  }
0x3bf: {  	_ =	shalt  }

</sc_bundles>
